<compile_context>
chip_gen: v7x
topology: tpu7x:2x2x1
jax: 0.10.2.dev20260603
libtpu: 0.0.44.dev20260713+nightly
codegen_flags: <defaults>
</compile_context>

<pallas_src>
import dataclasses

import jax
import jax.numpy as jnp
from jax import lax
from jax.experimental import pallas as pl
from jax.experimental.pallas import tpu as pltpu
from jax.experimental.pallas import tpu_sc as plsc

_N = 10000
_E = 320000
_NC, _NS = 2, 16
_NW = _NC * _NS
_EPT = _E // _NW
_CH = 80
_NCHUNK = _EPT // _CH
_NP = 10240
_RPT = _NP // _NS
_F32 = jnp.float32


def _leaky(x):
    return jnp.maximum(x, 0.2 * x)


def _elu(x):
    return jnp.where(x > 0, x, jnp.exp(jnp.minimum(x, 0.0)) - 1.0)


def _sc_w_body(src_hbm, dst_hbm, al_hbm, m_hbm,
               w1q_hbm, w2q_hbm, sp_hbm,
               a1, b1, a2, b2, m_v, src_v, dst_v, wo1_v, wo2_v,
               s1p, s2p, sem):
    cid = lax.axis_index("c")
    sid = lax.axis_index("s")
    wid = cid * _NS + sid
    ebase = wid * _EPT

    pltpu.sync_copy(al_hbm.at[pl.ds(0, _N)], a1)
    pltpu.sync_copy(al_hbm.at[pl.ds(_N, _N)], b1)
    pltpu.sync_copy(al_hbm.at[pl.ds(2 * _N, _N)], a2)
    pltpu.sync_copy(al_hbm.at[pl.ds(3 * _N, _N)], b2)
    pltpu.sync_copy(m_hbm, m_v)

    zf = jnp.zeros((16,), _F32)

    @pl.loop(0, _NP, step=16)
    def _zero_s(r):
        s1p[pl.ds(r, 16)] = zf
        s2p[pl.ds(r, 16)] = zf

    m1 = m_v[pl.ds(0, 16)]
    m2 = m_v[pl.ds(16, 16)]

    @pl.loop(0, _NCHUNK)
    def _chunk(j):
        cb = ebase + j * _CH
        f1 = pltpu.async_copy(src_hbm.at[pl.ds(cb, _CH)], src_v, sem)
        f2 = pltpu.async_copy(dst_hbm.at[pl.ds(cb, _CH)], dst_v, sem)
        f1.wait()
        f2.wait()

        @pl.loop(0, _CH, step=16)
        def _w(i):
            s16 = src_v[pl.ds(i, 16)]
            d16 = dst_v[pl.ds(i, 16)]
            l1 = plsc.load_gather(a1, [s16]) + plsc.load_gather(b1, [d16])
            w1 = jnp.exp(_leaky(l1) - m1)
            l2 = plsc.load_gather(a2, [s16]) + plsc.load_gather(b2, [d16])
            w2 = jnp.exp(_leaky(l2) - m2)
            wo1_v[pl.ds(i, 16)] = w1
            wo2_v[pl.ds(i, 16)] = w2
            plsc.addupdate_scatter(s1p, [d16], w1)
            plsc.addupdate_scatter(s2p, [d16], w2)

        pltpu.sync_copy(wo1_v, w1q_hbm.at[pl.ds(cb, _CH)])
        pltpu.sync_copy(wo2_v, w2q_hbm.at[pl.ds(cb, _CH)])

    base = wid * 2 * _NP
    pltpu.sync_copy(s1p, sp_hbm.at[pl.ds(base, _NP)])
    pltpu.sync_copy(s2p, sp_hbm.at[pl.ds(base + _NP, _NP)])


def _sc_row_body(xs_hbm, src_hbm, dst_hbm, w1q_hbm, w2q_hbm,
                 acc_hbm,
                 src_v, dst_v, w1_v, w2_v, rows, acc_s, sem):
    cid = lax.axis_index("c")
    sid = lax.axis_index("s")
    wid = cid * _NS + sid
    ebase = wid * _EPT

    zf = jnp.zeros((16,), _F32)

    @pl.loop(0, _CH)
    def _zero_bufs(r):
        for c in range(8):
            rows[r, pl.ds(c * 16, 16)] = zf

    r0 = sid * _RPT
    for k in range(_RPT // _CH):
        pltpu.sync_copy(rows, acc_s.at[pl.ds(r0 + k * _CH, _CH)])
    plsc.subcore_barrier()

    @pl.loop(0, _NCHUNK)
    def _chunk(j):
        cb = ebase + j * _CH
        f1 = pltpu.async_copy(src_hbm.at[pl.ds(cb, _CH)], src_v, sem)
        f2 = pltpu.async_copy(dst_hbm.at[pl.ds(cb, _CH)], dst_v, sem)
        f3 = pltpu.async_copy(w1q_hbm.at[pl.ds(cb, _CH)], w1_v, sem)
        f4 = pltpu.async_copy(w2q_hbm.at[pl.ds(cb, _CH)], w2_v, sem)
        f1.wait()
        f2.wait()
        f3.wait()
        f4.wait()
        pltpu.async_copy(xs_hbm.at[src_v], rows, sem).wait()

        @plsc.parallel_loop(0, _CH, unroll=4)
        def _scale(r):
            rr = jnp.full((16,), r, jnp.int32)
            w1b = plsc.load_gather(w1_v, [rr])
            w2b = plsc.load_gather(w2_v, [rr])
            for c in range(4):
                sl = pl.ds(c * 16, 16)
                rows[r, sl] = rows[r, sl] * w1b
            for c in range(4, 8):
                sl = pl.ds(c * 16, 16)
                rows[r, sl] = rows[r, sl] * w2b

        pltpu.sync_copy(rows, acc_s.at[dst_v], add=True)

    plsc.subcore_barrier()
    pltpu.sync_copy(acc_s.at[pl.ds(r0, _RPT)],
                    acc_hbm.at[pl.ds(cid * _NP + r0, _RPT)])


def _sc_compiler_params():
    cp = pltpu.CompilerParams()
    if "needs_layout_passes" in pltpu.CompilerParams.__dataclass_fields__:
        cp = dataclasses.replace(cp, needs_layout_passes=False)
    return cp


def _sc_mesh():
    return plsc.VectorSubcoreMesh(core_axis_name="c", subcore_axis_name="s")


def _sc_attn(xs, src, dst, alph, mvec):
    alph = alph.reshape(-1)
    w_kern = pl.kernel(
        _sc_w_body,
        out_type=[jax.ShapeDtypeStruct((_E,), _F32),
                  jax.ShapeDtypeStruct((_E,), _F32),
                  jax.ShapeDtypeStruct((_NW * 2 * _NP,), _F32)],
        mesh=_sc_mesh(),
        scratch_types=[
            pltpu.VMEM((_N,), _F32),
            pltpu.VMEM((_N,), _F32),
            pltpu.VMEM((_N,), _F32),
            pltpu.VMEM((_N,), _F32),
            pltpu.VMEM((32,), _F32),
            pltpu.VMEM((_CH,), jnp.int32),
            pltpu.VMEM((_CH,), jnp.int32),
            pltpu.VMEM((_CH,), _F32),
            pltpu.VMEM((_CH,), _F32),
            pltpu.VMEM((_NP,), _F32),
            pltpu.VMEM((_NP,), _F32),
            pltpu.SemaphoreType.DMA,
        ],
        compiler_params=_sc_compiler_params(),
    )
    w1q, w2q, sp = w_kern(src, dst, alph, mvec)
    sp = sp.reshape(_NW, 2, _NP)

    row_kern = pl.kernel(
        _sc_row_body,
        out_type=[jax.ShapeDtypeStruct((_NC * _NP, 128), _F32)],
        mesh=_sc_mesh(),
        scratch_types=[
            pltpu.VMEM((_CH,), jnp.int32),
            pltpu.VMEM((_CH,), jnp.int32),
            pltpu.VMEM((_CH,), _F32),
            pltpu.VMEM((_CH,), _F32),
            pltpu.VMEM((_CH, 128), _F32),
            pltpu.VMEM_SHARED((_NP, 128), _F32),
            pltpu.SemaphoreType.DMA,
        ],
        compiler_params=_sc_compiler_params(),
    )
    (acc,) = row_kern(xs, src, dst, w1q, w2q)
    return acc.reshape(_NC, _NP, 128), sp


def _attn_terms(xs, att_s, att_d):
    a = jnp.sum(xs * att_s, axis=1)
    b = jnp.sum(xs * att_d, axis=1)
    m = _leaky(jnp.max(a) + jnp.max(b))
    return a, b, m


def _tc_prep_body(x1_r, x2_r, lin_r, as_r, ad_r, xs_o, al_o, m_o):
    lin = lin_r[...]
    xs1 = jnp.dot(x1_r[...], lin, preferred_element_type=_F32)
    xs2 = jnp.dot(x2_r[...], lin, preferred_element_type=_F32)
    a1, b1, m1 = _attn_terms(xs1, as_r[...], ad_r[...])
    a2, b2, m2 = _attn_terms(xs2, as_r[...], ad_r[...])
    xs_o[...] = jnp.concatenate([xs1, xs2], axis=1)
    al_o[...] = jnp.concatenate(
        [a1[None, :], b1[None, :], a2[None, :], b2[None, :]], axis=0)
    m_o[...] = jnp.concatenate([jnp.full((16,), m1), jnp.full((16,), m2)])


def _tc_prep(x1, x2, lin, att_s, att_d):
    return pl.pallas_call(
        _tc_prep_body,
        out_shape=[jax.ShapeDtypeStruct((_N, 128), _F32),
                   jax.ShapeDtypeStruct((4, _N), _F32),
                   jax.ShapeDtypeStruct((32,), _F32)],
    )(x1, x2, lin, att_s, att_d)


def _combine(acc_r, sp_r):
    a = acc_r[...].sum(axis=0)[:_N]
    s = sp_r[...].sum(axis=0)
    h = _elu(a[:, :64] / (s[0][:_N][:, None] + 1e-16))
    rh = _elu(a[:, 64:] / (s[1][:_N][:, None] + 1e-16))
    return h, rh


def _tc_mid_body(acc_r, sac_r, lin2_r, as_r, ad_r,
                 h2_o, rh2_o, xs_o, al_o, m_o, sum_o):
    h1, rh1 = _combine(acc_r, sac_r)
    lin2 = lin2_r[...]
    h2 = jnp.dot(h1, lin2, preferred_element_type=_F32)
    rh2 = jnp.dot(rh1, lin2, preferred_element_type=_F32)
    h2_o[...] = h2
    rh2_o[...] = rh2
    dn = (((1,), (1,)), ((), ()))
    xs3 = lax.dot_general(h2, lin2, dn, preferred_element_type=_F32)
    xs4 = lax.dot_general(rh2, lin2, dn, preferred_element_type=_F32)
    a3, b3, m3 = _attn_terms(xs3, as_r[...], ad_r[...])
    a4, b4, m4 = _attn_terms(xs4, as_r[...], ad_r[...])
    xs_o[...] = jnp.concatenate([xs3, xs4], axis=1)
    al_o[...] = jnp.concatenate(
        [a3[None, :], b3[None, :], a4[None, :], b4[None, :]], axis=0)
    m_o[...] = jnp.concatenate([jnp.full((16,), m3), jnp.full((16,), m4)])
    sum_o[...] = jax.nn.sigmoid(jnp.mean(h2, axis=0))


def _tc_mid(acc, sac, lin2, att_s, att_d):
    return pl.pallas_call(
        _tc_mid_body,
        out_shape=[jax.ShapeDtypeStruct((_N, 32), _F32),
                   jax.ShapeDtypeStruct((_N, 32), _F32),
                   jax.ShapeDtypeStruct((_N, 128), _F32),
                   jax.ShapeDtypeStruct((4, _N), _F32),
                   jax.ShapeDtypeStruct((32,), _F32),
                   jax.ShapeDtypeStruct((32,), _F32)],
    )(acc, sac, lin2, att_s, att_d)


def _tc_fin_body(acc_r, sac_r, lin1_r, h4_o, rh4_o):
    h3, rh3 = _combine(acc_r, sac_r)
    lin1 = lin1_r[...]
    dn = (((1,), (1,)), ((), ()))
    h4_o[...] = lax.dot_general(h3, lin1, dn, preferred_element_type=_F32)
    rh4_o[...] = lax.dot_general(rh3, lin1, dn, preferred_element_type=_F32)


def _tc_fin(acc, sac, lin1):
    return pl.pallas_call(
        _tc_fin_body,
        out_shape=[jax.ShapeDtypeStruct((_N, 128), _F32),
                   jax.ShapeDtypeStruct((_N, 128), _F32)],
    )(acc, sac, lin1)


def kernel(features, edge_index, lin1, att_src1, att_dst1,
           lin2, att_src3, att_dst3):
    perm = jax.random.permutation(jax.random.key(42), _N)
    randf = features[perm]
    src = edge_index[0]
    dst = edge_index[1]

    as1 = att_src1.reshape(1, -1)
    ad1 = att_dst1.reshape(1, -1)
    as3 = att_src3.reshape(1, -1)
    ad3 = att_dst3.reshape(1, -1)

    xs12, al12, m12 = _tc_prep(features, randf, lin1, as1, ad1)
    acc1, sac1 = _sc_attn(xs12, src, dst, al12, m12)
    h2, rh2, xs34, al34, m34, summ = _tc_mid(acc1, sac1, lin2, as3, ad3)
    acc2, sac2 = _sc_attn(xs34, src, dst, al34, m34)
    h4, rh4 = _tc_fin(acc2, sac2, lin1)
    return (h2, h4, h4, rh2, rh4, rh4, summ)

# --- scband reference (transcript-rebuilt; emitter-appended) ---
"""Pipeline reference for scband-st-gcl-noimage-29850022707203 (READ-ONLY COPY).

The authoritative reference and input builder live on the scoring server;
editing this copy changes nothing except your own understanding.
"""

import jax, jax.numpy as jnp
import numpy as np

N = 10000
E = 320000
D_IN, D_HID, D_OUT = 128, 64, 32


def setup_inputs(seed: int = 0) -> dict:
    key = jax.random.key(seed)
    ks = jax.random.split(key, 8)
    features = jax.random.normal(ks[0], (N, D_IN), dtype=jnp.float32)
    edge_index = jax.random.randint(ks[1], (2, E), 0, N, dtype=jnp.int32)
    lin1 = jax.random.normal(ks[2], (D_IN, D_HID), dtype=jnp.float32) * (1.414 / np.sqrt(D_IN))
    att_src1 = jax.random.normal(ks[3], (D_HID,), dtype=jnp.float32) * 0.1
    att_dst1 = jax.random.normal(ks[4], (D_HID,), dtype=jnp.float32) * 0.1
    lin2 = jax.random.normal(ks[5], (D_HID, D_OUT), dtype=jnp.float32) * (1.414 / np.sqrt(D_HID))
    att_src3 = jax.random.normal(ks[6], (D_HID,), dtype=jnp.float32) * 0.1
    att_dst3 = jax.random.normal(ks[7], (D_HID,), dtype=jnp.float32) * 0.1
    return {"features": features, "edge_index": edge_index, "lin1": lin1,
            "att_src1": att_src1, "att_dst1": att_dst1, "lin2": lin2,
            "att_src3": att_src3, "att_dst3": att_dst3}


def _segment_softmax(logits, seg, n):
    m = jax.ops.segment_max(logits, seg, num_segments=n)
    m = jnp.where(jnp.isfinite(m), m, 0.0)
    e = jnp.exp(logits - m[seg])
    s = jax.ops.segment_sum(e, seg, num_segments=n)
    return e / (s[seg] + 1e-16)


def _gat_attn(x, lin, att_s, att_d, src, dst, n):
    # GATConv: heads=1, concat=False, no self loops, no bias, attention=True
    xs = x @ lin                             # [N, C]
    alpha_src = (xs * att_s).sum(-1)         # [N]
    alpha_dst = (xs * att_d).sum(-1)         # [N]
    e = jax.nn.leaky_relu(alpha_src[src] + alpha_dst[dst], 0.2)  # [E]
    alpha = _segment_softmax(e, dst, n)      # softmax over incoming edges per dst node
    return jax.ops.segment_sum(xs[src] * alpha[:, None], dst, num_segments=n)


def reference(features, edge_index, lin1, att_src1, att_dst1, lin2, att_src3, att_dst3):
    src = edge_index[0]
    dst = edge_index[1]
    n = features.shape[0]
    perm = jax.random.permutation(jax.random.key(42), n)
    rand_features = features[perm]

    # encoder
    h1 = jax.nn.elu(_gat_attn(features, lin1, att_src1, att_dst1, src, dst, n))
    h2 = h1 @ lin2                            # conv2 with attention=False -> linear only
    rand_h1 = jax.nn.elu(_gat_attn(rand_features, lin1, att_src1, att_dst1, src, dst, n))
    rand_h2 = rand_h1 @ lin2

    # decoder with tied (transposed) weights: conv3.lin = lin2.T, conv4.lin = lin1.T
    h3 = jax.nn.elu(_gat_attn(h2, lin2.T, att_src3, att_dst3, src, dst, n))
    h4 = h3 @ lin1.T                          # conv4 with attention=False
    rand_h3 = jax.nn.elu(_gat_attn(rand_h2, lin2.T, att_src3, att_dst3, src, dst, n))
    rand_h4 = rand_h3 @ lin1.T

    summary = jax.nn.sigmoid(h2.mean(axis=0))
    return (h2, h4, h4, rand_h2, rand_h4, rand_h4, summary)

if __name__ == "__main__":
    import jax
    _d = setup_inputs()
    print(jax.jit(kernel)(*tuple(_d.values())))

</pallas_src>

<mosaic_0001>
#map = affine_map<(d0, d1) -> (0)>
module attributes {stable_mosaic.version = 14 : i64} {
  func.func @_sc_w_body(%arg0: i32, %arg1: i32, %arg2: memref<320000xi32, #tpu.memory_space<hbm>>, %arg3: memref<320000xi32, #tpu.memory_space<hbm>>, %arg4: memref<40000xf32, #tpu.memory_space<hbm>>, %arg5: memref<32xf32, #tpu.memory_space<hbm>>, %arg6: memref<320000xf32, #tpu.memory_space<hbm>>, %arg7: memref<320000xf32, #tpu.memory_space<hbm>>, %arg8: memref<655360xf32, #tpu.memory_space<hbm>>, %arg9: memref<10000xf32, #tpu.memory_space<vmem>>, %arg10: memref<10000xf32, #tpu.memory_space<vmem>>, %arg11: memref<10000xf32, #tpu.memory_space<vmem>>, %arg12: memref<10000xf32, #tpu.memory_space<vmem>>, %arg13: memref<32xf32, #tpu.memory_space<vmem>>, %arg14: memref<80xi32, #tpu.memory_space<vmem>>, %arg15: memref<80xi32, #tpu.memory_space<vmem>>, %arg16: memref<80xf32, #tpu.memory_space<vmem>>, %arg17: memref<80xf32, #tpu.memory_space<vmem>>, %arg18: memref<10240xf32, #tpu.memory_space<vmem>>, %arg19: memref<10240xf32, #tpu.memory_space<vmem>>, %arg20: memref<!tpu.dma_semaphore, #tpu.memory_space<semaphore_mem>>) attributes {dimension_semantics = [#tpu.dimension_semantics<core_parallel>, #tpu.dimension_semantics<subcore_parallel>], iteration_bounds = array<i64: 2, 16>, scalar_prefetch = 0 : i64, scratch_operands = 12 : i64, tpu.core_type = #tpu.core_type<sc_vector_subcore>, window_params = [{transform_indices = #map}, {transform_indices = #map}, {transform_indices = #map}, {transform_indices = #map}, {transform_indices = #map}, {transform_indices = #map}, {transform_indices = #map}]} {
    %mul3A = arith.constant 16 : i32
    %mul3A_0 = arith.muli %arg0, %mul3A : i32
    %add3A = arith.addi %mul3A_0, %arg1 : i32
    %mul3A_1 = arith.constant 10000 : i32
    %mul3A_2 = arith.muli %add3A, %mul3A_1 : i32
    "tpu.region"() ({
      %run_scoped3A = tpu.sem_alloc : memref<!tpu.dma_semaphore, #tpu.memory_space<semaphore_mem>>
      %dma_start3A = arith.constant 0 : i32
      %dma_start3A_22 = tpu.memref_slice %arg4[%dma_start3A] : memref<40000xf32, #tpu.memory_space<hbm>> -> memref<10000xf32, #tpu.memory_space<hbm>>
      %dma_start3A_23 = arith.constant 0 : i32
      %dma_start3A_24 = tpu.memref_slice %arg4[%dma_start3A_23] : memref<40000xf32, #tpu.memory_space<hbm>> -> memref<10000xf32, #tpu.memory_space<hbm>>
      tpu.enqueue_dma source(%dma_start3A_24 : memref<10000xf32, #tpu.memory_space<hbm>>) target(%arg9 : memref<10000xf32, #tpu.memory_space<vmem>>) target_semaphore(%run_scoped3A : memref<!tpu.dma_semaphore, #tpu.memory_space<semaphore_mem>>)
      %dma_wait3A = arith.constant 0 : i32
      %dma_wait3A_25 = tpu.memref_slice %arg4[%dma_wait3A] : memref<40000xf32, #tpu.memory_space<hbm>> -> memref<10000xf32, #tpu.memory_space<hbm>>
      %dma_wait3A_26 = arith.constant 0 : i32
      %dma_wait3A_27 = tpu.memref_slice %arg4[%dma_wait3A_26] : memref<40000xf32, #tpu.memory_space<hbm>> -> memref<10000xf32, #tpu.memory_space<hbm>>
      tpu.wait_dma2 semaphore(%run_scoped3A : memref<!tpu.dma_semaphore, #tpu.memory_space<semaphore_mem>>) src(%dma_wait3A_27 : memref<10000xf32, #tpu.memory_space<hbm>>) dst(%arg9 : memref<10000xf32, #tpu.memory_space<vmem>>)
      tpu.yield
    }) : () -> ()
    "tpu.region"() ({
      %run_scoped3A = tpu.sem_alloc : memref<!tpu.dma_semaphore, #tpu.memory_space<semaphore_mem>>
      %dma_start3A = arith.constant 10000 : i32
      %dma_start3A_22 = tpu.memref_slice %arg4[%dma_start3A] : memref<40000xf32, #tpu.memory_space<hbm>> -> memref<10000xf32, #tpu.memory_space<hbm>>
      %dma_start3A_23 = arith.constant 10000 : i32
      %dma_start3A_24 = tpu.memref_slice %arg4[%dma_start3A_23] : memref<40000xf32, #tpu.memory_space<hbm>> -> memref<10000xf32, #tpu.memory_space<hbm>>
      tpu.enqueue_dma source(%dma_start3A_24 : memref<10000xf32, #tpu.memory_space<hbm>>) target(%arg10 : memref<10000xf32, #tpu.memory_space<vmem>>) target_semaphore(%run_scoped3A : memref<!tpu.dma_semaphore, #tpu.memory_space<semaphore_mem>>)
      %dma_wait3A = arith.constant 10000 : i32
      %dma_wait3A_25 = tpu.memref_slice %arg4[%dma_wait3A] : memref<40000xf32, #tpu.memory_space<hbm>> -> memref<10000xf32, #tpu.memory_space<hbm>>
      %dma_wait3A_26 = arith.constant 10000 : i32
      %dma_wait3A_27 = tpu.memref_slice %arg4[%dma_wait3A_26] : memref<40000xf32, #tpu.memory_space<hbm>> -> memref<10000xf32, #tpu.memory_space<hbm>>
      tpu.wait_dma2 semaphore(%run_scoped3A : memref<!tpu.dma_semaphore, #tpu.memory_space<semaphore_mem>>) src(%dma_wait3A_27 : memref<10000xf32, #tpu.memory_space<hbm>>) dst(%arg10 : memref<10000xf32, #tpu.memory_space<vmem>>)
      tpu.yield
    }) : () -> ()
    "tpu.region"() ({
      %run_scoped3A = tpu.sem_alloc : memref<!tpu.dma_semaphore, #tpu.memory_space<semaphore_mem>>
      %dma_start3A = arith.constant 20000 : i32
      %dma_start3A_22 = tpu.memref_slice %arg4[%dma_start3A] : memref<40000xf32, #tpu.memory_space<hbm>> -> memref<10000xf32, #tpu.memory_space<hbm>>
      %dma_start3A_23 = arith.constant 20000 : i32
      %dma_start3A_24 = tpu.memref_slice %arg4[%dma_start3A_23] : memref<40000xf32, #tpu.memory_space<hbm>> -> memref<10000xf32, #tpu.memory_space<hbm>>
      tpu.enqueue_dma source(%dma_start3A_24 : memref<10000xf32, #tpu.memory_space<hbm>>) target(%arg11 : memref<10000xf32, #tpu.memory_space<vmem>>) target_semaphore(%run_scoped3A : memref<!tpu.dma_semaphore, #tpu.memory_space<semaphore_mem>>)
      %dma_wait3A = arith.constant 20000 : i32
      %dma_wait3A_25 = tpu.memref_slice %arg4[%dma_wait3A] : memref<40000xf32, #tpu.memory_space<hbm>> -> memref<10000xf32, #tpu.memory_space<hbm>>
      %dma_wait3A_26 = arith.constant 20000 : i32
      %dma_wait3A_27 = tpu.memref_slice %arg4[%dma_wait3A_26] : memref<40000xf32, #tpu.memory_space<hbm>> -> memref<10000xf32, #tpu.memory_space<hbm>>
      tpu.wait_dma2 semaphore(%run_scoped3A : memref<!tpu.dma_semaphore, #tpu.memory_space<semaphore_mem>>) src(%dma_wait3A_27 : memref<10000xf32, #tpu.memory_space<hbm>>) dst(%arg11 : memref<10000xf32, #tpu.memory_space<vmem>>)
      tpu.yield
    }) : () -> ()
    "tpu.region"() ({
      %run_scoped3A = tpu.sem_alloc : memref<!tpu.dma_semaphore, #tpu.memory_space<semaphore_mem>>
      %dma_start3A = arith.constant 30000 : i32
      %dma_start3A_22 = tpu.memref_slice %arg4[%dma_start3A] : memref<40000xf32, #tpu.memory_space<hbm>> -> memref<10000xf32, #tpu.memory_space<hbm>>
      %dma_start3A_23 = arith.constant 30000 : i32
      %dma_start3A_24 = tpu.memref_slice %arg4[%dma_start3A_23] : memref<40000xf32, #tpu.memory_space<hbm>> -> memref<10000xf32, #tpu.memory_space<hbm>>
      tpu.enqueue_dma source(%dma_start3A_24 : memref<10000xf32, #tpu.memory_space<hbm>>) target(%arg12 : memref<10000xf32, #tpu.memory_space<vmem>>) target_semaphore(%run_scoped3A : memref<!tpu.dma_semaphore, #tpu.memory_space<semaphore_mem>>)
      %dma_wait3A = arith.constant 30000 : i32
      %dma_wait3A_25 = tpu.memref_slice %arg4[%dma_wait3A] : memref<40000xf32, #tpu.memory_space<hbm>> -> memref<10000xf32, #tpu.memory_space<hbm>>
      %dma_wait3A_26 = arith.constant 30000 : i32
      %dma_wait3A_27 = tpu.memref_slice %arg4[%dma_wait3A_26] : memref<40000xf32, #tpu.memory_space<hbm>> -> memref<10000xf32, #tpu.memory_space<hbm>>
      tpu.wait_dma2 semaphore(%run_scoped3A : memref<!tpu.dma_semaphore, #tpu.memory_space<semaphore_mem>>) src(%dma_wait3A_27 : memref<10000xf32, #tpu.memory_space<hbm>>) dst(%arg12 : memref<10000xf32, #tpu.memory_space<vmem>>)
      tpu.yield
    }) : () -> ()
    "tpu.region"() ({
      %run_scoped3A = tpu.sem_alloc : memref<!tpu.dma_semaphore, #tpu.memory_space<semaphore_mem>>
      tpu.enqueue_dma source(%arg5 : memref<32xf32, #tpu.memory_space<hbm>>) target(%arg13 : memref<32xf32, #tpu.memory_space<vmem>>) target_semaphore(%run_scoped3A : memref<!tpu.dma_semaphore, #tpu.memory_space<semaphore_mem>>)
      tpu.wait_dma2 semaphore(%run_scoped3A : memref<!tpu.dma_semaphore, #tpu.memory_space<semaphore_mem>>) src(%arg5 : memref<32xf32, #tpu.memory_space<hbm>>) dst(%arg13 : memref<32xf32, #tpu.memory_space<vmem>>)
      tpu.yield
    }) : () -> ()
    %broadcast_in_dim3A = arith.constant 0.000000e+00 : f32
    %broadcast_in_dim3A_3 = vector.broadcast %broadcast_in_dim3A : f32 to vector<16xf32>
    %scan3A = arith.constant 0 : i32
    %scan3A_4 = arith.constant 640 : i32
    %scan3A_5 = arith.addi %scan3A, %scan3A_4 : i32
    %scan3A_6 = arith.constant 1 : i32
    scf.for %scan3A_22 = %scan3A to %scan3A_5 step %scan3A_6  : i32 {
      %mul3A_23 = arith.constant 16 : i32
      %mul3A_24 = arith.muli %scan3A_22, %mul3A_23 : i32
      %add3A_25 = arith.constant 0 : i32
      %add3A_26 = arith.addi %add3A_25, %mul3A_24 : i32
      %swap3A = arith.index_cast %add3A_26 : i32 to index
      %swap3A_27 = tpu.vector_load %arg18[%swap3A] {strides = array<i32>} : memref<10240xf32, #tpu.memory_space<vmem>>, vector<16xf32>,
      tpu.vector_store %arg18[%swap3A], %broadcast_in_dim3A_3 {strides = array<i32>} : memref<10240xf32, #tpu.memory_space<vmem>>, vector<16xf32>,
      %swap3A_28 = arith.index_cast %add3A_26 : i32 to index
      %swap3A_29 = tpu.vector_load %arg19[%swap3A_28] {strides = array<i32>} : memref<10240xf32, #tpu.memory_space<vmem>>, vector<16xf32>,
      tpu.vector_store %arg19[%swap3A_28], %broadcast_in_dim3A_3 {strides = array<i32>} : memref<10240xf32, #tpu.memory_space<vmem>>, vector<16xf32>,
    }
    %scan3A_7 = arith.constant 640 : i32
    %get3A = arith.constant 0 : index
    %get3A_8 = tpu.vector_load %arg13[%get3A] {strides = array<i32>} : memref<32xf32, #tpu.memory_space<vmem>>, vector<16xf32>,
    %get3A_9 = arith.constant 16 : index
    %get3A_10 = tpu.vector_load %arg13[%get3A_9] {strides = array<i32>} : memref<32xf32, #tpu.memory_space<vmem>>, vector<16xf32>,
    %scan3A_11 = arith.constant 0 : i32
    %scan3A_12 = arith.constant 125 : i32
    %scan3A_13 = arith.addi %scan3A_11, %scan3A_12 : i32
    %scan3A_14 = arith.constant 1 : i32
    scf.for %scan3A_22 = %scan3A_11 to %scan3A_13 step %scan3A_14  : i32 {
      %mul3A_23 = arith.constant 1 : i32
      %mul3A_24 = arith.muli %scan3A_22, %mul3A_23 : i32
      %add3A_25 = arith.constant 0 : i32
      %add3A_26 = arith.addi %add3A_25, %mul3A_24 : i32
      %mul3A_27 = arith.constant 80 : i32
      %mul3A_28 = arith.muli %add3A_26, %mul3A_27 : i32
      %add3A_29 = arith.addi %mul3A_2, %mul3A_28 : i32
      %dma_start3A = tpu.memref_slice %arg2[%add3A_29] : memref<320000xi32, #tpu.memory_space<hbm>> -> memref<80xi32, #tpu.memory_space<hbm>>
      %dma_start3A_30 = tpu.memref_slice %arg2[%add3A_29] : memref<320000xi32, #tpu.memory_space<hbm>> -> memref<80xi32, #tpu.memory_space<hbm>>
      tpu.enqueue_dma source(%dma_start3A_30 : memref<80xi32, #tpu.memory_space<hbm>>) target(%arg14 : memref<80xi32, #tpu.memory_space<vmem>>) target_semaphore(%arg20 : memref<!tpu.dma_semaphore, #tpu.memory_space<semaphore_mem>>)
      %dma_start3A_31 = tpu.memref_slice %arg3[%add3A_29] : memref<320000xi32, #tpu.memory_space<hbm>> -> memref<80xi32, #tpu.memory_space<hbm>>
      %dma_start3A_32 = tpu.memref_slice %arg3[%add3A_29] : memref<320000xi32, #tpu.memory_space<hbm>> -> memref<80xi32, #tpu.memory_space<hbm>>
      tpu.enqueue_dma source(%dma_start3A_32 : memref<80xi32, #tpu.memory_space<hbm>>) target(%arg15 : memref<80xi32, #tpu.memory_space<vmem>>) target_semaphore(%arg20 : memref<!tpu.dma_semaphore, #tpu.memory_space<semaphore_mem>>)
      %dma_wait3A = tpu.memref_slice %arg2[%add3A_29] : memref<320000xi32, #tpu.memory_space<hbm>> -> memref<80xi32, #tpu.memory_space<hbm>>
      %dma_wait3A_33 = tpu.memref_slice %arg2[%add3A_29] : memref<320000xi32, #tpu.memory_space<hbm>> -> memref<80xi32, #tpu.memory_space<hbm>>
      tpu.wait_dma2 semaphore(%arg20 : memref<!tpu.dma_semaphore, #tpu.memory_space<semaphore_mem>>) src(%dma_wait3A_33 : memref<80xi32, #tpu.memory_space<hbm>>) dst(%arg14 : memref<80xi32, #tpu.memory_space<vmem>>)
      %dma_wait3A_34 = tpu.memref_slice %arg3[%add3A_29] : memref<320000xi32, #tpu.memory_space<hbm>> -> memref<80xi32, #tpu.memory_space<hbm>>
      %dma_wait3A_35 = tpu.memref_slice %arg3[%add3A_29] : memref<320000xi32, #tpu.memory_space<hbm>> -> memref<80xi32, #tpu.memory_space<hbm>>
      tpu.wait_dma2 semaphore(%arg20 : memref<!tpu.dma_semaphore, #tpu.memory_space<semaphore_mem>>) src(%dma_wait3A_35 : memref<80xi32, #tpu.memory_space<hbm>>) dst(%arg15 : memref<80xi32, #tpu.memory_space<vmem>>)
      %scan3A_36 = arith.constant 0 : i32
      %scan3A_37 = arith.constant 5 : i32
      %scan3A_38 = arith.addi %scan3A_36, %scan3A_37 : i32
      %scan3A_39 = arith.constant 1 : i32
      scf.for %scan3A_41 = %scan3A_36 to %scan3A_38 step %scan3A_39  : i32 {
        %mul3A_42 = arith.constant 16 : i32
        %mul3A_43 = arith.muli %scan3A_41, %mul3A_42 : i32
        %add3A_44 = arith.constant 0 : i32
        %add3A_45 = arith.addi %add3A_44, %mul3A_43 : i32
        %get3A_46 = arith.index_cast %add3A_45 : i32 to index
        %get3A_47 = tpu.vector_load %arg14[%get3A_46] {strides = array<i32>} : memref<80xi32, #tpu.memory_space<vmem>>, vector<16xi32>,
        %get3A_48 = arith.index_cast %add3A_45 : i32 to index
        %get3A_49 = tpu.vector_load %arg15[%get3A_48] {strides = array<i32>} : memref<80xi32, #tpu.memory_space<vmem>>, vector<16xi32>,
        %gather3A = tpu.vector_load_idx %arg9[%get3A_47] : memref<10000xf32, #tpu.memory_space<vmem>>[vector<16xi32>], vector<16xf32>,
        %gather3A_50 = tpu.vector_load_idx %arg10[%get3A_49] : memref<10000xf32, #tpu.memory_space<vmem>>[vector<16xi32>], vector<16xf32>,
        %add3A_51 = arith.addf %gather3A, %gather3A_50 : vector<16xf32>
        %mul3A_52 = arith.constant 2.000000e-01 : f32
        %mul3A_53 = vector.broadcast %mul3A_52 : f32 to vector<16xf32>
        %mul3A_54 = arith.mulf %mul3A_53, %add3A_51 : vector<16xf32>
        %max3A = arith.maximumf %add3A_51, %mul3A_54 : vector<16xf32>
        %sub3A = arith.subf %max3A, %get3A_8 : vector<16xf32>
        %exp3A = math.exp %sub3A : vector<16xf32>
        %gather3A_55 = tpu.vector_load_idx %arg11[%get3A_47] : memref<10000xf32, #tpu.memory_space<vmem>>[vector<16xi32>], vector<16xf32>,
        %gather3A_56 = tpu.vector_load_idx %arg12[%get3A_49] : memref<10000xf32, #tpu.memory_space<vmem>>[vector<16xi32>], vector<16xf32>,
        %add3A_57 = arith.addf %gather3A_55, %gather3A_56 : vector<16xf32>
        %mul3A_58 = arith.constant 2.000000e-01 : f32
        %mul3A_59 = vector.broadcast %mul3A_58 : f32 to vector<16xf32>
        %mul3A_60 = arith.mulf %mul3A_59, %add3A_57 : vector<16xf32>
        %max3A_61 = arith.maximumf %add3A_57, %mul3A_60 : vector<16xf32>
        %sub3A_62 = arith.subf %max3A_61, %get3A_10 : vector<16xf32>
        %exp3A_63 = math.exp %sub3A_62 : vector<16xf32>
        %swap3A = arith.index_cast %add3A_45 : i32 to index
        %swap3A_64 = tpu.vector_load %arg16[%swap3A] {strides = array<i32>} : memref<80xf32, #tpu.memory_space<vmem>>, vector<16xf32>,
        tpu.vector_store %arg16[%swap3A], %exp3A {strides = array<i32>} : memref<80xf32, #tpu.memory_space<vmem>>, vector<16xf32>,
        %swap3A_65 = arith.index_cast %add3A_45 : i32 to index
        %swap3A_66 = tpu.vector_load %arg17[%swap3A_65] {strides = array<i32>} : memref<80xf32, #tpu.memory_space<vmem>>, vector<16xf32>,
        tpu.vector_store %arg17[%swap3A_65], %exp3A_63 {strides = array<i32>} : memref<80xf32, #tpu.memory_space<vmem>>, vector<16xf32>,
        tpu.vector_store_idx %arg18[%get3A_49], %exp3A {add = true} : memref<10240xf32, #tpu.memory_space<vmem>>[vector<16xi32>], vector<16xf32>,
        tpu.vector_store_idx %arg19[%get3A_49], %exp3A_63 {add = true} : memref<10240xf32, #tpu.memory_space<vmem>>[vector<16xi32>], vector<16xf32>,
      }
      %scan3A_40 = arith.constant 5 : i32
      "tpu.region"() ({
        %run_scoped3A = tpu.sem_alloc : memref<!tpu.dma_semaphore, #tpu.memory_space<semaphore_mem>>
        %dma_start3A_41 = tpu.memref_slice %arg6[%add3A_29] : memref<320000xf32, #tpu.memory_space<hbm>> -> memref<80xf32, #tpu.memory_space<hbm>>
        %dma_start3A_42 = tpu.memref_slice %arg6[%add3A_29] : memref<320000xf32, #tpu.memory_space<hbm>> -> memref<80xf32, #tpu.memory_space<hbm>>
        tpu.enqueue_dma source(%arg16 : memref<80xf32, #tpu.memory_space<vmem>>) target(%dma_start3A_42 : memref<80xf32, #tpu.memory_space<hbm>>) target_semaphore(%run_scoped3A : memref<!tpu.dma_semaphore, #tpu.memory_space<semaphore_mem>>)
        %dma_wait3A_43 = tpu.memref_slice %arg6[%add3A_29] : memref<320000xf32, #tpu.memory_space<hbm>> -> memref<80xf32, #tpu.memory_space<hbm>>
        %dma_wait3A_44 = tpu.memref_slice %arg6[%add3A_29] : memref<320000xf32, #tpu.memory_space<hbm>> -> memref<80xf32, #tpu.memory_space<hbm>>
        tpu.wait_dma2 semaphore(%run_scoped3A : memref<!tpu.dma_semaphore, #tpu.memory_space<semaphore_mem>>) src(%arg16 : memref<80xf32, #tpu.memory_space<vmem>>) dst(%dma_wait3A_44 : memref<80xf32, #tpu.memory_space<hbm>>)
        tpu.yield
      }) : () -> ()
      "tpu.region"() ({
        %run_scoped3A = tpu.sem_alloc : memref<!tpu.dma_semaphore, #tpu.memory_space<semaphore_mem>>
        %dma_start3A_41 = tpu.memref_slice %arg7[%add3A_29] : memref<320000xf32, #tpu.memory_space<hbm>> -> memref<80xf32, #tpu.memory_space<hbm>>
        %dma_start3A_42 = tpu.memref_slice %arg7[%add3A_29] : memref<320000xf32, #tpu.memory_space<hbm>> -> memref<80xf32, #tpu.memory_space<hbm>>
        tpu.enqueue_dma source(%arg17 : memref<80xf32, #tpu.memory_space<vmem>>) target(%dma_start3A_42 : memref<80xf32, #tpu.memory_space<hbm>>) target_semaphore(%run_scoped3A : memref<!tpu.dma_semaphore, #tpu.memory_space<semaphore_mem>>)
        %dma_wait3A_43 = tpu.memref_slice %arg7[%add3A_29] : memref<320000xf32, #tpu.memory_space<hbm>> -> memref<80xf32, #tpu.memory_space<hbm>>
        %dma_wait3A_44 = tpu.memref_slice %arg7[%add3A_29] : memref<320000xf32, #tpu.memory_space<hbm>> -> memref<80xf32, #tpu.memory_space<hbm>>
        tpu.wait_dma2 semaphore(%run_scoped3A : memref<!tpu.dma_semaphore, #tpu.memory_space<semaphore_mem>>) src(%arg17 : memref<80xf32, #tpu.memory_space<vmem>>) dst(%dma_wait3A_44 : memref<80xf32, #tpu.memory_space<hbm>>)
        tpu.yield
      }) : () -> ()
    }
    %scan3A_15 = arith.constant 125 : i32
    %mul3A_16 = arith.constant 2 : i32
    %mul3A_17 = arith.muli %add3A, %mul3A_16 : i32
    %mul3A_18 = arith.constant 10240 : i32
    %mul3A_19 = arith.muli %mul3A_17, %mul3A_18 : i32
    "tpu.region"() ({
      %run_scoped3A = tpu.sem_alloc : memref<!tpu.dma_semaphore, #tpu.memory_space<semaphore_mem>>
      %dma_start3A = tpu.memref_slice %arg8[%mul3A_19] : memref<655360xf32, #tpu.memory_space<hbm>> -> memref<10240xf32, #tpu.memory_space<hbm>>
      %dma_start3A_22 = tpu.memref_slice %arg8[%mul3A_19] : memref<655360xf32, #tpu.memory_space<hbm>> -> memref<10240xf32, #tpu.memory_space<hbm>>
      tpu.enqueue_dma source(%arg18 : memref<10240xf32, #tpu.memory_space<vmem>>) target(%dma_start3A_22 : memref<10240xf32, #tpu.memory_space<hbm>>) target_semaphore(%run_scoped3A : memref<!tpu.dma_semaphore, #tpu.memory_space<semaphore_mem>>)
      %dma_wait3A = tpu.memref_slice %arg8[%mul3A_19] : memref<655360xf32, #tpu.memory_space<hbm>> -> memref<10240xf32, #tpu.memory_space<hbm>>
      %dma_wait3A_23 = tpu.memref_slice %arg8[%mul3A_19] : memref<655360xf32, #tpu.memory_space<hbm>> -> memref<10240xf32, #tpu.memory_space<hbm>>
      tpu.wait_dma2 semaphore(%run_scoped3A : memref<!tpu.dma_semaphore, #tpu.memory_space<semaphore_mem>>) src(%arg18 : memref<10240xf32, #tpu.memory_space<vmem>>) dst(%dma_wait3A_23 : memref<10240xf32, #tpu.memory_space<hbm>>)
      tpu.yield
    }) : () -> ()
    %add3A_20 = arith.constant 10240 : i32
    %add3A_21 = arith.addi %mul3A_19, %add3A_20 : i32
    "tpu.region"() ({
      %run_scoped3A = tpu.sem_alloc : memref<!tpu.dma_semaphore, #tpu.memory_space<semaphore_mem>>
      %dma_start3A = tpu.memref_slice %arg8[%add3A_21] : memref<655360xf32, #tpu.memory_space<hbm>> -> memref<10240xf32, #tpu.memory_space<hbm>>
      %dma_start3A_22 = tpu.memref_slice %arg8[%add3A_21] : memref<655360xf32, #tpu.memory_space<hbm>> -> memref<10240xf32, #tpu.memory_space<hbm>>
      tpu.enqueue_dma source(%arg19 : memref<10240xf32, #tpu.memory_space<vmem>>) target(%dma_start3A_22 : memref<10240xf32, #tpu.memory_space<hbm>>) target_semaphore(%run_scoped3A : memref<!tpu.dma_semaphore, #tpu.memory_space<semaphore_mem>>)
      %dma_wait3A = tpu.memref_slice %arg8[%add3A_21] : memref<655360xf32, #tpu.memory_space<hbm>> -> memref<10240xf32, #tpu.memory_space<hbm>>
      %dma_wait3A_23 = tpu.memref_slice %arg8[%add3A_21] : memref<655360xf32, #tpu.memory_space<hbm>> -> memref<10240xf32, #tpu.memory_space<hbm>>
      tpu.wait_dma2 semaphore(%run_scoped3A : memref<!tpu.dma_semaphore, #tpu.memory_space<semaphore_mem>>) src(%arg19 : memref<10240xf32, #tpu.memory_space<vmem>>) dst(%dma_wait3A_23 : memref<10240xf32, #tpu.memory_space<hbm>>)
      tpu.yield
    }) : () -> ()
    return
  }
}

#map = affine_map<(d0, d1) -> (0, 0)>
#map1 = affine_map<(d0, d1) -> (0)>
module attributes {stable_mosaic.version = 14 : i64} {
  func.func @_sc_row_body(%arg0: i32, %arg1: i32, %arg2: memref<10000x128xf32, #tpu.memory_space<hbm>>, %arg3: memref<320000xi32, #tpu.memory_space<hbm>>, %arg4: memref<320000xi32, #tpu.memory_space<hbm>>, %arg5: memref<320000xf32, #tpu.memory_space<hbm>>, %arg6: memref<320000xf32, #tpu.memory_space<hbm>>, %arg7: memref<20480x128xf32, #tpu.memory_space<hbm>>, %arg8: memref<80xi32, #tpu.memory_space<vmem>>, %arg9: memref<80xi32, #tpu.memory_space<vmem>>, %arg10: memref<80xf32, #tpu.memory_space<vmem>>, %arg11: memref<80xf32, #tpu.memory_space<vmem>>, %arg12: memref<80x128xf32, #tpu.memory_space<vmem>>, %arg13: memref<10240x128xf32, #tpu.memory_space<vmem_shared>>, %arg14: memref<!tpu.dma_semaphore, #tpu.memory_space<semaphore_mem>>) attributes {dimension_semantics = [#tpu.dimension_semantics<core_parallel>, #tpu.dimension_semantics<subcore_parallel>], iteration_bounds = array<i64: 2, 16>, scalar_prefetch = 0 : i64, scratch_operands = 7 : i64, tpu.core_type = #tpu.core_type<sc_vector_subcore>, window_params = [{transform_indices = #map}, {transform_indices = #map1}, {transform_indices = #map1}, {transform_indices = #map1}, {transform_indices = #map1}, {transform_indices = #map}]} {
    %mul3A = arith.constant 16 : i32
    %mul3A_0 = arith.muli %arg0, %mul3A : i32
    %add3A = arith.addi %mul3A_0, %arg1 : i32
    %mul3A_1 = arith.constant 10000 : i32
    %mul3A_2 = arith.muli %add3A, %mul3A_1 : i32
    %broadcast_in_dim3A = arith.constant 0.000000e+00 : f32
    %broadcast_in_dim3A_3 = vector.broadcast %broadcast_in_dim3A : f32 to vector<16xf32>
    %scan3A = arith.constant 0 : i32
    %scan3A_4 = arith.constant 80 : i32
    %scan3A_5 = arith.addi %scan3A, %scan3A_4 : i32
    %scan3A_6 = arith.constant 1 : i32
    scf.for %scan3A_35 = %scan3A to %scan3A_5 step %scan3A_6  : i32 {
      %mul3A_36 = arith.constant 1 : i32
      %mul3A_37 = arith.muli %scan3A_35, %mul3A_36 : i32
      %add3A_38 = arith.constant 0 : i32
      %add3A_39 = arith.addi %add3A_38, %mul3A_37 : i32
      %swap3A = arith.index_cast %add3A_39 : i32 to index
      %swap3A_40 = arith.constant 0 : index
      %swap3A_41 = tpu.vector_load %arg12[%swap3A, %swap3A_40] {strides = array<i32>} : memref<80x128xf32, #tpu.memory_space<vmem>>, vector<16xf32>,
      tpu.vector_store %arg12[%swap3A, %swap3A_40], %broadcast_in_dim3A_3 {strides = array<i32>} : memref<80x128xf32, #tpu.memory_space<vmem>>, vector<16xf32>,
      %swap3A_42 = arith.index_cast %add3A_39 : i32 to index
      %swap3A_43 = arith.constant 16 : index
      %swap3A_44 = tpu.vector_load %arg12[%swap3A_42, %swap3A_43] {strides = array<i32>} : memref<80x128xf32, #tpu.memory_space<vmem>>, vector<16xf32>,
      tpu.vector_store %arg12[%swap3A_42, %swap3A_43], %broadcast_in_dim3A_3 {strides = array<i32>} : memref<80x128xf32, #tpu.memory_space<vmem>>, vector<16xf32>,
      %swap3A_45 = arith.index_cast %add3A_39 : i32 to index
      %swap3A_46 = arith.constant 32 : index
      %swap3A_47 = tpu.vector_load %arg12[%swap3A_45, %swap3A_46] {strides = array<i32>} : memref<80x128xf32, #tpu.memory_space<vmem>>, vector<16xf32>,
      tpu.vector_store %arg12[%swap3A_45, %swap3A_46], %broadcast_in_dim3A_3 {strides = array<i32>} : memref<80x128xf32, #tpu.memory_space<vmem>>, vector<16xf32>,
      %swap3A_48 = arith.index_cast %add3A_39 : i32 to index
      %swap3A_49 = arith.constant 48 : index
      %swap3A_50 = tpu.vector_load %arg12[%swap3A_48, %swap3A_49] {strides = array<i32>} : memref<80x128xf32, #tpu.memory_space<vmem>>, vector<16xf32>,
      tpu.vector_store %arg12[%swap3A_48, %swap3A_49], %broadcast_in_dim3A_3 {strides = array<i32>} : memref<80x128xf32, #tpu.memory_space<vmem>>, vector<16xf32>,
      %swap3A_51 = arith.index_cast %add3A_39 : i32 to index
      %swap3A_52 = arith.constant 64 : index
      %swap3A_53 = tpu.vector_load %arg12[%swap3A_51, %swap3A_52] {strides = array<i32>} : memref<80x128xf32, #tpu.memory_space<vmem>>, vector<16xf32>,
      tpu.vector_store %arg12[%swap3A_51, %swap3A_52], %broadcast_in_dim3A_3 {strides = array<i32>} : memref<80x128xf32, #tpu.memory_space<vmem>>, vector<16xf32>,
      %swap3A_54 = arith.index_cast %add3A_39 : i32 to index
      %swap3A_55 = arith.constant 80 : index
      %swap3A_56 = tpu.vector_load %arg12[%swap3A_54, %swap3A_55] {strides = array<i32>} : memref<80x128xf32, #tpu.memory_space<vmem>>, vector<16xf32>,
      tpu.vector_store %arg12[%swap3A_54, %swap3A_55], %broadcast_in_dim3A_3 {strides = array<i32>} : memref<80x128xf32, #tpu.memory_space<vmem>>, vector<16xf32>,
      %swap3A_57 = arith.index_cast %add3A_39 : i32 to index
      %swap3A_58 = arith.constant 96 : index
      %swap3A_59 = tpu.vector_load %arg12[%swap3A_57, %swap3A_58] {strides = array<i32>} : memref<80x128xf32, #tpu.memory_space<vmem>>, vector<16xf32>,
      tpu.vector_store %arg12[%swap3A_57, %swap3A_58], %broadcast_in_dim3A_3 {strides = array<i32>} : memref<80x128xf32, #tpu.memory_space<vmem>>, vector<16xf32>,
      %swap3A_60 = arith.index_cast %add3A_39 : i32 to index
      %swap3A_61 = arith.constant 112 : index
      %swap3A_62 = tpu.vector_load %arg12[%swap3A_60, %swap3A_61] {strides = array<i32>} : memref<80x128xf32, #tpu.memory_space<vmem>>, vector<16xf32>,
      tpu.vector_store %arg12[%swap3A_60, %swap3A_61], %broadcast_in_dim3A_3 {strides = array<i32>} : memref<80x128xf32, #tpu.memory_space<vmem>>, vector<16xf32>,
    }
    %scan3A_7 = arith.constant 80 : i32
    %mul3A_8 = arith.constant 640 : i32
    %mul3A_9 = arith.muli %arg1, %mul3A_8 : i32
    %add3A_10 = arith.constant 0 : i32
    %add3A_11 = arith.addi %mul3A_9, %add3A_10 : i32
    "tpu.region"() ({
      %run_scoped3A = tpu.sem_alloc : memref<!tpu.dma_semaphore, #tpu.memory_space<semaphore_mem>>
      %dma_start3A = arith.constant 0 : i32
      %dma_start3A_35 = tpu.memref_slice %arg13[%add3A_11, %dma_start3A] : memref<10240x128xf32, #tpu.memory_space<vmem_shared>> -> memref<80x128xf32, #tpu.memory_space<vmem_shared>>
      %dma_start3A_36 = arith.constant 0 : i32
      %dma_start3A_37 = tpu.memref_slice %arg13[%add3A_11, %dma_start3A_36] : memref<10240x128xf32, #tpu.memory_space<vmem_shared>> -> memref<80x128xf32, #tpu.memory_space<vmem_shared>>
      tpu.enqueue_dma source(%arg12 : memref<80x128xf32, #tpu.memory_space<vmem>>) target(%dma_start3A_37 : memref<80x128xf32, #tpu.memory_space<vmem_shared>>) target_semaphore(%run_scoped3A : memref<!tpu.dma_semaphore, #tpu.memory_space<semaphore_mem>>)
      %dma_wait3A = arith.constant 0 : i32
      %dma_wait3A_38 = tpu.memref_slice %arg13[%add3A_11, %dma_wait3A] : memref<10240x128xf32, #tpu.memory_space<vmem_shared>> -> memref<80x128xf32, #tpu.memory_space<vmem_shared>>
      %dma_wait3A_39 = arith.constant 0 : i32
      %dma_wait3A_40 = tpu.memref_slice %arg13[%add3A_11, %dma_wait3A_39] : memref<10240x128xf32, #tpu.memory_space<vmem_shared>> -> memref<80x128xf32, #tpu.memory_space<vmem_shared>>
      tpu.wait_dma2 semaphore(%run_scoped3A : memref<!tpu.dma_semaphore, #tpu.memory_space<semaphore_mem>>) src(%arg12 : memref<80x128xf32, #tpu.memory_space<vmem>>) dst(%dma_wait3A_40 : memref<80x128xf32, #tpu.memory_space<vmem_shared>>)
      tpu.yield
    }) : () -> ()
    %add3A_12 = arith.constant 80 : i32
    %add3A_13 = arith.addi %mul3A_9, %add3A_12 : i32
    "tpu.region"() ({
      %run_scoped3A = tpu.sem_alloc : memref<!tpu.dma_semaphore, #tpu.memory_space<semaphore_mem>>
      %dma_start3A = arith.constant 0 : i32
      %dma_start3A_35 = tpu.memref_slice %arg13[%add3A_13, %dma_start3A] : memref<10240x128xf32, #tpu.memory_space<vmem_shared>> -> memref<80x128xf32, #tpu.memory_space<vmem_shared>>
      %dma_start3A_36 = arith.constant 0 : i32
      %dma_start3A_37 = tpu.memref_slice %arg13[%add3A_13, %dma_start3A_36] : memref<10240x128xf32, #tpu.memory_space<vmem_shared>> -> memref<80x128xf32, #tpu.memory_space<vmem_shared>>
      tpu.enqueue_dma source(%arg12 : memref<80x128xf32, #tpu.memory_space<vmem>>) target(%dma_start3A_37 : memref<80x128xf32, #tpu.memory_space<vmem_shared>>) target_semaphore(%run_scoped3A : memref<!tpu.dma_semaphore, #tpu.memory_space<semaphore_mem>>)
      %dma_wait3A = arith.constant 0 : i32
      %dma_wait3A_38 = tpu.memref_slice %arg13[%add3A_13, %dma_wait3A] : memref<10240x128xf32, #tpu.memory_space<vmem_shared>> -> memref<80x128xf32, #tpu.memory_space<vmem_shared>>
      %dma_wait3A_39 = arith.constant 0 : i32
      %dma_wait3A_40 = tpu.memref_slice %arg13[%add3A_13, %dma_wait3A_39] : memref<10240x128xf32, #tpu.memory_space<vmem_shared>> -> memref<80x128xf32, #tpu.memory_space<vmem_shared>>
      tpu.wait_dma2 semaphore(%run_scoped3A : memref<!tpu.dma_semaphore, #tpu.memory_space<semaphore_mem>>) src(%arg12 : memref<80x128xf32, #tpu.memory_space<vmem>>) dst(%dma_wait3A_40 : memref<80x128xf32, #tpu.memory_space<vmem_shared>>)
      tpu.yield
    }) : () -> ()
    %add3A_14 = arith.constant 160 : i32
    %add3A_15 = arith.addi %mul3A_9, %add3A_14 : i32
    "tpu.region"() ({
      %run_scoped3A = tpu.sem_alloc : memref<!tpu.dma_semaphore, #tpu.memory_space<semaphore_mem>>
      %dma_start3A = arith.constant 0 : i32
      %dma_start3A_35 = tpu.memref_slice %arg13[%add3A_15, %dma_start3A] : memref<10240x128xf32, #tpu.memory_space<vmem_shared>> -> memref<80x128xf32, #tpu.memory_space<vmem_shared>>
      %dma_start3A_36 = arith.constant 0 : i32
      %dma_start3A_37 = tpu.memref_slice %arg13[%add3A_15, %dma_start3A_36] : memref<10240x128xf32, #tpu.memory_space<vmem_shared>> -> memref<80x128xf32, #tpu.memory_space<vmem_shared>>
      tpu.enqueue_dma source(%arg12 : memref<80x128xf32, #tpu.memory_space<vmem>>) target(%dma_start3A_37 : memref<80x128xf32, #tpu.memory_space<vmem_shared>>) target_semaphore(%run_scoped3A : memref<!tpu.dma_semaphore, #tpu.memory_space<semaphore_mem>>)
      %dma_wait3A = arith.constant 0 : i32
      %dma_wait3A_38 = tpu.memref_slice %arg13[%add3A_15, %dma_wait3A] : memref<10240x128xf32, #tpu.memory_space<vmem_shared>> -> memref<80x128xf32, #tpu.memory_space<vmem_shared>>
      %dma_wait3A_39 = arith.constant 0 : i32
      %dma_wait3A_40 = tpu.memref_slice %arg13[%add3A_15, %dma_wait3A_39] : memref<10240x128xf32, #tpu.memory_space<vmem_shared>> -> memref<80x128xf32, #tpu.memory_space<vmem_shared>>
      tpu.wait_dma2 semaphore(%run_scoped3A : memref<!tpu.dma_semaphore, #tpu.memory_space<semaphore_mem>>) src(%arg12 : memref<80x128xf32, #tpu.memory_space<vmem>>) dst(%dma_wait3A_40 : memref<80x128xf32, #tpu.memory_space<vmem_shared>>)
      tpu.yield
    }) : () -> ()
    %add3A_16 = arith.constant 240 : i32
    %add3A_17 = arith.addi %mul3A_9, %add3A_16 : i32
    "tpu.region"() ({
      %run_scoped3A = tpu.sem_alloc : memref<!tpu.dma_semaphore, #tpu.memory_space<semaphore_mem>>
      %dma_start3A = arith.constant 0 : i32
      %dma_start3A_35 = tpu.memref_slice %arg13[%add3A_17, %dma_start3A] : memref<10240x128xf32, #tpu.memory_space<vmem_shared>> -> memref<80x128xf32, #tpu.memory_space<vmem_shared>>
      %dma_start3A_36 = arith.constant 0 : i32
      %dma_start3A_37 = tpu.memref_slice %arg13[%add3A_17, %dma_start3A_36] : memref<10240x128xf32, #tpu.memory_space<vmem_shared>> -> memref<80x128xf32, #tpu.memory_space<vmem_shared>>
      tpu.enqueue_dma source(%arg12 : memref<80x128xf32, #tpu.memory_space<vmem>>) target(%dma_start3A_37 : memref<80x128xf32, #tpu.memory_space<vmem_shared>>) target_semaphore(%run_scoped3A : memref<!tpu.dma_semaphore, #tpu.memory_space<semaphore_mem>>)
      %dma_wait3A = arith.constant 0 : i32
      %dma_wait3A_38 = tpu.memref_slice %arg13[%add3A_17, %dma_wait3A] : memref<10240x128xf32, #tpu.memory_space<vmem_shared>> -> memref<80x128xf32, #tpu.memory_space<vmem_shared>>
      %dma_wait3A_39 = arith.constant 0 : i32
      %dma_wait3A_40 = tpu.memref_slice %arg13[%add3A_17, %dma_wait3A_39] : memref<10240x128xf32, #tpu.memory_space<vmem_shared>> -> memref<80x128xf32, #tpu.memory_space<vmem_shared>>
      tpu.wait_dma2 semaphore(%run_scoped3A : memref<!tpu.dma_semaphore, #tpu.memory_space<semaphore_mem>>) src(%arg12 : memref<80x128xf32, #tpu.memory_space<vmem>>) dst(%dma_wait3A_40 : memref<80x128xf32, #tpu.memory_space<vmem_shared>>)
      tpu.yield
    }) : () -> ()
    %add3A_18 = arith.constant 320 : i32
    %add3A_19 = arith.addi %mul3A_9, %add3A_18 : i32
    "tpu.region"() ({
      %run_scoped3A = tpu.sem_alloc : memref<!tpu.dma_semaphore, #tpu.memory_space<semaphore_mem>>
      %dma_start3A = arith.constant 0 : i32
      %dma_start3A_35 = tpu.memref_slice %arg13[%add3A_19, %dma_start3A] : memref<10240x128xf32, #tpu.memory_space<vmem_shared>> -> memref<80x128xf32, #tpu.memory_space<vmem_shared>>
      %dma_start3A_36 = arith.constant 0 : i32
      %dma_start3A_37 = tpu.memref_slice %arg13[%add3A_19, %dma_start3A_36] : memref<10240x128xf32, #tpu.memory_space<vmem_shared>> -> memref<80x128xf32, #tpu.memory_space<vmem_shared>>
      tpu.enqueue_dma source(%arg12 : memref<80x128xf32, #tpu.memory_space<vmem>>) target(%dma_start3A_37 : memref<80x128xf32, #tpu.memory_space<vmem_shared>>) target_semaphore(%run_scoped3A : memref<!tpu.dma_semaphore, #tpu.memory_space<semaphore_mem>>)
      %dma_wait3A = arith.constant 0 : i32
      %dma_wait3A_38 = tpu.memref_slice %arg13[%add3A_19, %dma_wait3A] : memref<10240x128xf32, #tpu.memory_space<vmem_shared>> -> memref<80x128xf32, #tpu.memory_space<vmem_shared>>
      %dma_wait3A_39 = arith.constant 0 : i32
      %dma_wait3A_40 = tpu.memref_slice %arg13[%add3A_19, %dma_wait3A_39] : memref<10240x128xf32, #tpu.memory_space<vmem_shared>> -> memref<80x128xf32, #tpu.memory_space<vmem_shared>>
      tpu.wait_dma2 semaphore(%run_scoped3A : memref<!tpu.dma_semaphore, #tpu.memory_space<semaphore_mem>>) src(%arg12 : memref<80x128xf32, #tpu.memory_space<vmem>>) dst(%dma_wait3A_40 : memref<80x128xf32, #tpu.memory_space<vmem_shared>>)
      tpu.yield
    }) : () -> ()
    %add3A_20 = arith.constant 400 : i32
    %add3A_21 = arith.addi %mul3A_9, %add3A_20 : i32
    "tpu.region"() ({
      %run_scoped3A = tpu.sem_alloc : memref<!tpu.dma_semaphore, #tpu.memory_space<semaphore_mem>>
      %dma_start3A = arith.constant 0 : i32
      %dma_start3A_35 = tpu.memref_slice %arg13[%add3A_21, %dma_start3A] : memref<10240x128xf32, #tpu.memory_space<vmem_shared>> -> memref<80x128xf32, #tpu.memory_space<vmem_shared>>
      %dma_start3A_36 = arith.constant 0 : i32
      %dma_start3A_37 = tpu.memref_slice %arg13[%add3A_21, %dma_start3A_36] : memref<10240x128xf32, #tpu.memory_space<vmem_shared>> -> memref<80x128xf32, #tpu.memory_space<vmem_shared>>
      tpu.enqueue_dma source(%arg12 : memref<80x128xf32, #tpu.memory_space<vmem>>) target(%dma_start3A_37 : memref<80x128xf32, #tpu.memory_space<vmem_shared>>) target_semaphore(%run_scoped3A : memref<!tpu.dma_semaphore, #tpu.memory_space<semaphore_mem>>)
      %dma_wait3A = arith.constant 0 : i32
      %dma_wait3A_38 = tpu.memref_slice %arg13[%add3A_21, %dma_wait3A] : memref<10240x128xf32, #tpu.memory_space<vmem_shared>> -> memref<80x128xf32, #tpu.memory_space<vmem_shared>>
      %dma_wait3A_39 = arith.constant 0 : i32
      %dma_wait3A_40 = tpu.memref_slice %arg13[%add3A_21, %dma_wait3A_39] : memref<10240x128xf32, #tpu.memory_space<vmem_shared>> -> memref<80x128xf32, #tpu.memory_space<vmem_shared>>
      tpu.wait_dma2 semaphore(%run_scoped3A : memref<!tpu.dma_semaphore, #tpu.memory_space<semaphore_mem>>) src(%arg12 : memref<80x128xf32, #tpu.memory_space<vmem>>) dst(%dma_wait3A_40 : memref<80x128xf32, #tpu.memory_space<vmem_shared>>)
      tpu.yield
    }) : () -> ()
    %add3A_22 = arith.constant 480 : i32
    %add3A_23 = arith.addi %mul3A_9, %add3A_22 : i32
    "tpu.region"() ({
      %run_scoped3A = tpu.sem_alloc : memref<!tpu.dma_semaphore, #tpu.memory_space<semaphore_mem>>
      %dma_start3A = arith.constant 0 : i32
      %dma_start3A_35 = tpu.memref_slice %arg13[%add3A_23, %dma_start3A] : memref<10240x128xf32, #tpu.memory_space<vmem_shared>> -> memref<80x128xf32, #tpu.memory_space<vmem_shared>>
      %dma_start3A_36 = arith.constant 0 : i32
      %dma_start3A_37 = tpu.memref_slice %arg13[%add3A_23, %dma_start3A_36] : memref<10240x128xf32, #tpu.memory_space<vmem_shared>> -> memref<80x128xf32, #tpu.memory_space<vmem_shared>>
      tpu.enqueue_dma source(%arg12 : memref<80x128xf32, #tpu.memory_space<vmem>>) target(%dma_start3A_37 : memref<80x128xf32, #tpu.memory_space<vmem_shared>>) target_semaphore(%run_scoped3A : memref<!tpu.dma_semaphore, #tpu.memory_space<semaphore_mem>>)
      %dma_wait3A = arith.constant 0 : i32
      %dma_wait3A_38 = tpu.memref_slice %arg13[%add3A_23, %dma_wait3A] : memref<10240x128xf32, #tpu.memory_space<vmem_shared>> -> memref<80x128xf32, #tpu.memory_space<vmem_shared>>
      %dma_wait3A_39 = arith.constant 0 : i32
      %dma_wait3A_40 = tpu.memref_slice %arg13[%add3A_23, %dma_wait3A_39] : memref<10240x128xf32, #tpu.memory_space<vmem_shared>> -> memref<80x128xf32, #tpu.memory_space<vmem_shared>>
      tpu.wait_dma2 semaphore(%run_scoped3A : memref<!tpu.dma_semaphore, #tpu.memory_space<semaphore_mem>>) src(%arg12 : memref<80x128xf32, #tpu.memory_space<vmem>>) dst(%dma_wait3A_40 : memref<80x128xf32, #tpu.memory_space<vmem_shared>>)
      tpu.yield
    }) : () -> ()
    %add3A_24 = arith.constant 560 : i32
    %add3A_25 = arith.addi %mul3A_9, %add3A_24 : i32
    "tpu.region"() ({
      %run_scoped3A = tpu.sem_alloc : memref<!tpu.dma_semaphore, #tpu.memory_space<semaphore_mem>>
      %dma_start3A = arith.constant 0 : i32
      %dma_start3A_35 = tpu.memref_slice %arg13[%add3A_25, %dma_start3A] : memref<10240x128xf32, #tpu.memory_space<vmem_shared>> -> memref<80x128xf32, #tpu.memory_space<vmem_shared>>
      %dma_start3A_36 = arith.constant 0 : i32
      %dma_start3A_37 = tpu.memref_slice %arg13[%add3A_25, %dma_start3A_36] : memref<10240x128xf32, #tpu.memory_space<vmem_shared>> -> memref<80x128xf32, #tpu.memory_space<vmem_shared>>
      tpu.enqueue_dma source(%arg12 : memref<80x128xf32, #tpu.memory_space<vmem>>) target(%dma_start3A_37 : memref<80x128xf32, #tpu.memory_space<vmem_shared>>) target_semaphore(%run_scoped3A : memref<!tpu.dma_semaphore, #tpu.memory_space<semaphore_mem>>)
      %dma_wait3A = arith.constant 0 : i32
      %dma_wait3A_38 = tpu.memref_slice %arg13[%add3A_25, %dma_wait3A] : memref<10240x128xf32, #tpu.memory_space<vmem_shared>> -> memref<80x128xf32, #tpu.memory_space<vmem_shared>>
      %dma_wait3A_39 = arith.constant 0 : i32
      %dma_wait3A_40 = tpu.memref_slice %arg13[%add3A_25, %dma_wait3A_39] : memref<10240x128xf32, #tpu.memory_space<vmem_shared>> -> memref<80x128xf32, #tpu.memory_space<vmem_shared>>
      tpu.wait_dma2 semaphore(%run_scoped3A : memref<!tpu.dma_semaphore, #tpu.memory_space<semaphore_mem>>) src(%arg12 : memref<80x128xf32, #tpu.memory_space<vmem>>) dst(%dma_wait3A_40 : memref<80x128xf32, #tpu.memory_space<vmem_shared>>)
      tpu.yield
    }) : () -> ()
    %barrier3A = arith.constant 0 : index
    tpu.barrier barrier_id(%barrier3A)
    %scan3A_26 = arith.constant 0 : i32
    %scan3A_27 = arith.constant 125 : i32
    %scan3A_28 = arith.addi %scan3A_26, %scan3A_27 : i32
    %scan3A_29 = arith.constant 1 : i32
    scf.for %scan3A_35 = %scan3A_26 to %scan3A_28 step %scan3A_29  : i32 {
      %mul3A_36 = arith.constant 1 : i32
      %mul3A_37 = arith.muli %scan3A_35, %mul3A_36 : i32
      %add3A_38 = arith.constant 0 : i32
      %add3A_39 = arith.addi %add3A_38, %mul3A_37 : i32
      %mul3A_40 = arith.constant 80 : i32
      %mul3A_41 = arith.muli %add3A_39, %mul3A_40 : i32
      %add3A_42 = arith.addi %mul3A_2, %mul3A_41 : i32
      %dma_start3A = tpu.memref_slice %arg3[%add3A_42] : memref<320000xi32, #tpu.memory_space<hbm>> -> memref<80xi32, #tpu.memory_space<hbm>>
      %dma_start3A_43 = tpu.memref_slice %arg3[%add3A_42] : memref<320000xi32, #tpu.memory_space<hbm>> -> memref<80xi32, #tpu.memory_space<hbm>>
      tpu.enqueue_dma source(%dma_start3A_43 : memref<80xi32, #tpu.memory_space<hbm>>) target(%arg8 : memref<80xi32, #tpu.memory_space<vmem>>) target_semaphore(%arg14 : memref<!tpu.dma_semaphore, #tpu.memory_space<semaphore_mem>>)
      %dma_start3A_44 = tpu.memref_slice %arg4[%add3A_42] : memref<320000xi32, #tpu.memory_space<hbm>> -> memref<80xi32, #tpu.memory_space<hbm>>
      %dma_start3A_45 = tpu.memref_slice %arg4[%add3A_42] : memref<320000xi32, #tpu.memory_space<hbm>> -> memref<80xi32, #tpu.memory_space<hbm>>
      tpu.enqueue_dma source(%dma_start3A_45 : memref<80xi32, #tpu.memory_space<hbm>>) target(%arg9 : memref<80xi32, #tpu.memory_space<vmem>>) target_semaphore(%arg14 : memref<!tpu.dma_semaphore, #tpu.memory_space<semaphore_mem>>)
      %dma_start3A_46 = tpu.memref_slice %arg5[%add3A_42] : memref<320000xf32, #tpu.memory_space<hbm>> -> memref<80xf32, #tpu.memory_space<hbm>>
      %dma_start3A_47 = tpu.memref_slice %arg5[%add3A_42] : memref<320000xf32, #tpu.memory_space<hbm>> -> memref<80xf32, #tpu.memory_space<hbm>>
      tpu.enqueue_dma source(%dma_start3A_47 : memref<80xf32, #tpu.memory_space<hbm>>) target(%arg10 : memref<80xf32, #tpu.memory_space<vmem>>) target_semaphore(%arg14 : memref<!tpu.dma_semaphore, #tpu.memory_space<semaphore_mem>>)
      %dma_start3A_48 = tpu.memref_slice %arg6[%add3A_42] : memref<320000xf32, #tpu.memory_space<hbm>> -> memref<80xf32, #tpu.memory_space<hbm>>
      %dma_start3A_49 = tpu.memref_slice %arg6[%add3A_42] : memref<320000xf32, #tpu.memory_space<hbm>> -> memref<80xf32, #tpu.memory_space<hbm>>
      tpu.enqueue_dma source(%dma_start3A_49 : memref<80xf32, #tpu.memory_space<hbm>>) target(%arg11 : memref<80xf32, #tpu.memory_space<vmem>>) target_semaphore(%arg14 : memref<!tpu.dma_semaphore, #tpu.memory_space<semaphore_mem>>)
      %dma_wait3A = tpu.memref_slice %arg3[%add3A_42] : memref<320000xi32, #tpu.memory_space<hbm>> -> memref<80xi32, #tpu.memory_space<hbm>>
      %dma_wait3A_50 = tpu.memref_slice %arg3[%add3A_42] : memref<320000xi32, #tpu.memory_space<hbm>> -> memref<80xi32, #tpu.memory_space<hbm>>
      tpu.wait_dma2 semaphore(%arg14 : memref<!tpu.dma_semaphore, #tpu.memory_space<semaphore_mem>>) src(%dma_wait3A_50 : memref<80xi32, #tpu.memory_space<hbm>>) dst(%arg8 : memref<80xi32, #tpu.memory_space<vmem>>)
      %dma_wait3A_51 = tpu.memref_slice %arg4[%add3A_42] : memref<320000xi32, #tpu.memory_space<hbm>> -> memref<80xi32, #tpu.memory_space<hbm>>
      %dma_wait3A_52 = tpu.memref_slice %arg4[%add3A_42] : memref<320000xi32, #tpu.memory_space<hbm>> -> memref<80xi32, #tpu.memory_space<hbm>>
      tpu.wait_dma2 semaphore(%arg14 : memref<!tpu.dma_semaphore, #tpu.memory_space<semaphore_mem>>) src(%dma_wait3A_52 : memref<80xi32, #tpu.memory_space<hbm>>) dst(%arg9 : memref<80xi32, #tpu.memory_space<vmem>>)
      %dma_wait3A_53 = tpu.memref_slice %arg5[%add3A_42] : memref<320000xf32, #tpu.memory_space<hbm>> -> memref<80xf32, #tpu.memory_space<hbm>>
      %dma_wait3A_54 = tpu.memref_slice %arg5[%add3A_42] : memref<320000xf32, #tpu.memory_space<hbm>> -> memref<80xf32, #tpu.memory_space<hbm>>
      tpu.wait_dma2 semaphore(%arg14 : memref<!tpu.dma_semaphore, #tpu.memory_space<semaphore_mem>>) src(%dma_wait3A_54 : memref<80xf32, #tpu.memory_space<hbm>>) dst(%arg10 : memref<80xf32, #tpu.memory_space<vmem>>)
      %dma_wait3A_55 = tpu.memref_slice %arg6[%add3A_42] : memref<320000xf32, #tpu.memory_space<hbm>> -> memref<80xf32, #tpu.memory_space<hbm>>
      %dma_wait3A_56 = tpu.memref_slice %arg6[%add3A_42] : memref<320000xf32, #tpu.memory_space<hbm>> -> memref<80xf32, #tpu.memory_space<hbm>>
      tpu.wait_dma2 semaphore(%arg14 : memref<!tpu.dma_semaphore, #tpu.memory_space<semaphore_mem>>) src(%dma_wait3A_56 : memref<80xf32, #tpu.memory_space<hbm>>) dst(%arg11 : memref<80xf32, #tpu.memory_space<vmem>>)
      %dma_start3A_57 = arith.constant 0 : i32
      %dma_start3A_58 = arith.constant 0 : i32
      %dma_start3A_59 = tpu.memref_slice %arg2[%dma_start3A_57, %dma_start3A_58] : memref<10000x128xf32, #tpu.memory_space<hbm>> -> memref<10000x128xf32, #tpu.memory_space<hbm>>
      tpu.enqueue_indirect_dma source(%dma_start3A_59 : memref<10000x128xf32, #tpu.memory_space<hbm>>) target(%arg12 : memref<80x128xf32, #tpu.memory_space<vmem>>) offsets(%arg8 : memref<80xi32, #tpu.memory_space<vmem>>) semaphore(%arg14 : memref<!tpu.dma_semaphore, #tpu.memory_space<semaphore_mem>>)
      %dma_wait3A_60 = arith.constant 0 : i32
      %dma_wait3A_61 = arith.constant 0 : i32
      %dma_wait3A_62 = tpu.memref_slice %arg2[%dma_wait3A_60, %dma_wait3A_61] : memref<10000x128xf32, #tpu.memory_space<hbm>> -> memref<10000x128xf32, #tpu.memory_space<hbm>>
      tpu.wait_indirect_dma semaphore(%arg14 : memref<!tpu.dma_semaphore, #tpu.memory_space<semaphore_mem>>) src(%dma_wait3A_62 : memref<10000x128xf32, #tpu.memory_space<hbm>>) dst(%arg12 : memref<80x128xf32, #tpu.memory_space<vmem>>)
      %parallel_loop3A = arith.constant 0 : i32
      %parallel_loop3A_63 = arith.constant 80 : i32
      %parallel_loop3A_64 = arith.constant 1 : i32
      scf.for %parallel_loop3A_65 = %parallel_loop3A to %parallel_loop3A_63 step %parallel_loop3A_64  : i32 {
        %parallel_loop3A_66 = vector.broadcast %parallel_loop3A_65 : i32 to vector<16xi32>
        %parallel_loop3A_67 = tpu.vector_load_idx %arg10[%parallel_loop3A_66] : memref<80xf32, #tpu.memory_space<vmem>>[vector<16xi32>], vector<16xf32>,
        %parallel_loop3A_68 = tpu.vector_load_idx %arg11[%parallel_loop3A_66] : memref<80xf32, #tpu.memory_space<vmem>>[vector<16xi32>], vector<16xf32>,
        %parallel_loop3A_69 = arith.index_cast %parallel_loop3A_65 : i32 to index
        %parallel_loop3A_70 = arith.constant 0 : index
        %parallel_loop3A_71 = tpu.vector_load %arg12[%parallel_loop3A_69, %parallel_loop3A_70] {strides = array<i32>} : memref<80x128xf32, #tpu.memory_space<vmem>>, vector<16xf32>,
        %parallel_loop3A_72 = arith.mulf %parallel_loop3A_71, %parallel_loop3A_67 : vector<16xf32>
        %parallel_loop3A_73 = arith.index_cast %parallel_loop3A_65 : i32 to index
        %parallel_loop3A_74 = arith.constant 0 : index
        %parallel_loop3A_75 = tpu.vector_load %arg12[%parallel_loop3A_73, %parallel_loop3A_74] {strides = array<i32>} : memref<80x128xf32, #tpu.memory_space<vmem>>, vector<16xf32>,
        tpu.vector_store %arg12[%parallel_loop3A_73, %parallel_loop3A_74], %parallel_loop3A_72 {strides = array<i32>} : memref<80x128xf32, #tpu.memory_space<vmem>>, vector<16xf32>,
        %parallel_loop3A_76 = arith.index_cast %parallel_loop3A_65 : i32 to index
        %parallel_loop3A_77 = arith.constant 16 : index
        %parallel_loop3A_78 = tpu.vector_load %arg12[%parallel_loop3A_76, %parallel_loop3A_77] {strides = array<i32>} : memref<80x128xf32, #tpu.memory_space<vmem>>, vector<16xf32>,
        %parallel_loop3A_79 = arith.mulf %parallel_loop3A_78, %parallel_loop3A_67 : vector<16xf32>
        %parallel_loop3A_80 = arith.index_cast %parallel_loop3A_65 : i32 to index
        %parallel_loop3A_81 = arith.constant 16 : index
        %parallel_loop3A_82 = tpu.vector_load %arg12[%parallel_loop3A_80, %parallel_loop3A_81] {strides = array<i32>} : memref<80x128xf32, #tpu.memory_space<vmem>>, vector<16xf32>,
        tpu.vector_store %arg12[%parallel_loop3A_80, %parallel_loop3A_81], %parallel_loop3A_79 {strides = array<i32>} : memref<80x128xf32, #tpu.memory_space<vmem>>, vector<16xf32>,
        %parallel_loop3A_83 = arith.index_cast %parallel_loop3A_65 : i32 to index
        %parallel_loop3A_84 = arith.constant 32 : index
        %parallel_loop3A_85 = tpu.vector_load %arg12[%parallel_loop3A_83, %parallel_loop3A_84] {strides = array<i32>} : memref<80x128xf32, #tpu.memory_space<vmem>>, vector<16xf32>,
        %parallel_loop3A_86 = arith.mulf %parallel_loop3A_85, %parallel_loop3A_67 : vector<16xf32>
        %parallel_loop3A_87 = arith.index_cast %parallel_loop3A_65 : i32 to index
        %parallel_loop3A_88 = arith.constant 32 : index
        %parallel_loop3A_89 = tpu.vector_load %arg12[%parallel_loop3A_87, %parallel_loop3A_88] {strides = array<i32>} : memref<80x128xf32, #tpu.memory_space<vmem>>, vector<16xf32>,
        tpu.vector_store %arg12[%parallel_loop3A_87, %parallel_loop3A_88], %parallel_loop3A_86 {strides = array<i32>} : memref<80x128xf32, #tpu.memory_space<vmem>>, vector<16xf32>,
        %parallel_loop3A_90 = arith.index_cast %parallel_loop3A_65 : i32 to index
        %parallel_loop3A_91 = arith.constant 48 : index
        %parallel_loop3A_92 = tpu.vector_load %arg12[%parallel_loop3A_90, %parallel_loop3A_91] {strides = array<i32>} : memref<80x128xf32, #tpu.memory_space<vmem>>, vector<16xf32>,
        %parallel_loop3A_93 = arith.mulf %parallel_loop3A_92, %parallel_loop3A_67 : vector<16xf32>
        %parallel_loop3A_94 = arith.index_cast %parallel_loop3A_65 : i32 to index
        %parallel_loop3A_95 = arith.constant 48 : index
        %parallel_loop3A_96 = tpu.vector_load %arg12[%parallel_loop3A_94, %parallel_loop3A_95] {strides = array<i32>} : memref<80x128xf32, #tpu.memory_space<vmem>>, vector<16xf32>,
        tpu.vector_store %arg12[%parallel_loop3A_94, %parallel_loop3A_95], %parallel_loop3A_93 {strides = array<i32>} : memref<80x128xf32, #tpu.memory_space<vmem>>, vector<16xf32>,
        %parallel_loop3A_97 = arith.index_cast %parallel_loop3A_65 : i32 to index
        %parallel_loop3A_98 = arith.constant 64 : index
        %parallel_loop3A_99 = tpu.vector_load %arg12[%parallel_loop3A_97, %parallel_loop3A_98] {strides = array<i32>} : memref<80x128xf32, #tpu.memory_space<vmem>>, vector<16xf32>,
        %parallel_loop3A_100 = arith.mulf %parallel_loop3A_99, %parallel_loop3A_68 : vector<16xf32>
        %parallel_loop3A_101 = arith.index_cast %parallel_loop3A_65 : i32 to index
        %parallel_loop3A_102 = arith.constant 64 : index
        %parallel_loop3A_103 = tpu.vector_load %arg12[%parallel_loop3A_101, %parallel_loop3A_102] {strides = array<i32>} : memref<80x128xf32, #tpu.memory_space<vmem>>, vector<16xf32>,
        tpu.vector_store %arg12[%parallel_loop3A_101, %parallel_loop3A_102], %parallel_loop3A_100 {strides = array<i32>} : memref<80x128xf32, #tpu.memory_space<vmem>>, vector<16xf32>,
        %parallel_loop3A_104 = arith.index_cast %parallel_loop3A_65 : i32 to index
        %parallel_loop3A_105 = arith.constant 80 : index
        %parallel_loop3A_106 = tpu.vector_load %arg12[%parallel_loop3A_104, %parallel_loop3A_105] {strides = array<i32>} : memref<80x128xf32, #tpu.memory_space<vmem>>, vector<16xf32>,
        %parallel_loop3A_107 = arith.mulf %parallel_loop3A_106, %parallel_loop3A_68 : vector<16xf32>
        %parallel_loop3A_108 = arith.index_cast %parallel_loop3A_65 : i32 to index
        %parallel_loop3A_109 = arith.constant 80 : index
        %parallel_loop3A_110 = tpu.vector_load %arg12[%parallel_loop3A_108, %parallel_loop3A_109] {strides = array<i32>} : memref<80x128xf32, #tpu.memory_space<vmem>>, vector<16xf32>,
        tpu.vector_store %arg12[%parallel_loop3A_108, %parallel_loop3A_109], %parallel_loop3A_107 {strides = array<i32>} : memref<80x128xf32, #tpu.memory_space<vmem>>, vector<16xf32>,
        %parallel_loop3A_111 = arith.index_cast %parallel_loop3A_65 : i32 to index
        %parallel_loop3A_112 = arith.constant 96 : index
        %parallel_loop3A_113 = tpu.vector_load %arg12[%parallel_loop3A_111, %parallel_loop3A_112] {strides = array<i32>} : memref<80x128xf32, #tpu.memory_space<vmem>>, vector<16xf32>,
        %parallel_loop3A_114 = arith.mulf %parallel_loop3A_113, %parallel_loop3A_68 : vector<16xf32>
        %parallel_loop3A_115 = arith.index_cast %parallel_loop3A_65 : i32 to index
        %parallel_loop3A_116 = arith.constant 96 : index
        %parallel_loop3A_117 = tpu.vector_load %arg12[%parallel_loop3A_115, %parallel_loop3A_116] {strides = array<i32>} : memref<80x128xf32, #tpu.memory_space<vmem>>, vector<16xf32>,
        tpu.vector_store %arg12[%parallel_loop3A_115, %parallel_loop3A_116], %parallel_loop3A_114 {strides = array<i32>} : memref<80x128xf32, #tpu.memory_space<vmem>>, vector<16xf32>,
        %parallel_loop3A_118 = arith.index_cast %parallel_loop3A_65 : i32 to index
        %parallel_loop3A_119 = arith.constant 112 : index
        %parallel_loop3A_120 = tpu.vector_load %arg12[%parallel_loop3A_118, %parallel_loop3A_119] {strides = array<i32>} : memref<80x128xf32, #tpu.memory_space<vmem>>, vector<16xf32>,
        %parallel_loop3A_121 = arith.mulf %parallel_loop3A_120, %parallel_loop3A_68 : vector<16xf32>
        %parallel_loop3A_122 = arith.index_cast %parallel_loop3A_65 : i32 to index
        %parallel_loop3A_123 = arith.constant 112 : index
        %parallel_loop3A_124 = tpu.vector_load %arg12[%parallel_loop3A_122, %parallel_loop3A_123] {strides = array<i32>} : memref<80x128xf32, #tpu.memory_space<vmem>>, vector<16xf32>,
        tpu.vector_store %arg12[%parallel_loop3A_122, %parallel_loop3A_123], %parallel_loop3A_121 {strides = array<i32>} : memref<80x128xf32, #tpu.memory_space<vmem>>, vector<16xf32>,
      } {sc.loop_unroll_factor = 4 : i64, sc.parallel_access}
      "tpu.region"() ({
        %run_scoped3A = tpu.sem_alloc : memref<!tpu.dma_semaphore, #tpu.memory_space<semaphore_mem>>
        %dma_start3A_65 = arith.constant 0 : i32
        %dma_start3A_66 = arith.constant 0 : i32
        %dma_start3A_67 = tpu.memref_slice %arg13[%dma_start3A_65, %dma_start3A_66] : memref<10240x128xf32, #tpu.memory_space<vmem_shared>> -> memref<10240x128xf32, #tpu.memory_space<vmem_shared>>
        tpu.enqueue_indirect_dma source(%arg12 : memref<80x128xf32, #tpu.memory_space<vmem>>) target(%dma_start3A_67 : memref<10240x128xf32, #tpu.memory_space<vmem_shared>>) offsets(%arg9 : memref<80xi32, #tpu.memory_space<vmem>>) semaphore(%run_scoped3A : memref<!tpu.dma_semaphore, #tpu.memory_space<semaphore_mem>>) {add = true}
        %dma_wait3A_68 = arith.constant 0 : i32
        %dma_wait3A_69 = arith.constant 0 : i32
        %dma_wait3A_70 = tpu.memref_slice %arg13[%dma_wait3A_68, %dma_wait3A_69] : memref<10240x128xf32, #tpu.memory_space<vmem_shared>> -> memref<10240x128xf32, #tpu.memory_space<vmem_shared>>
        tpu.wait_indirect_dma semaphore(%run_scoped3A : memref<!tpu.dma_semaphore, #tpu.memory_space<semaphore_mem>>) src(%arg12 : memref<80x128xf32, #tpu.memory_space<vmem>>) dst(%dma_wait3A_70 : memref<10240x128xf32, #tpu.memory_space<vmem_shared>>)
        tpu.yield
      }) : () -> ()
    }
    %scan3A_30 = arith.constant 125 : i32
    %barrier3A_31 = arith.constant 0 : index
    tpu.barrier barrier_id(%barrier3A_31)
    %mul3A_32 = arith.constant 10240 : i32
    %mul3A_33 = arith.muli %arg0, %mul3A_32 : i32
    %add3A_34 = arith.addi %mul3A_33, %mul3A_9 : i32
    "tpu.region"() ({
      %run_scoped3A = tpu.sem_alloc : memref<!tpu.dma_semaphore, #tpu.memory_space<semaphore_mem>>
      %dma_start3A = arith.constant 0 : i32
      %dma_start3A_35 = tpu.memref_slice %arg7[%add3A_34, %dma_start3A] : memref<20480x128xf32, #tpu.memory_space<hbm>> -> memref<640x128xf32, #tpu.memory_space<hbm>>
      %dma_start3A_36 = arith.constant 0 : i32
      %dma_start3A_37 = tpu.memref_slice %arg13[%mul3A_9, %dma_start3A_36] : memref<10240x128xf32, #tpu.memory_space<vmem_shared>> -> memref<640x128xf32, #tpu.memory_space<vmem_shared>>
      tpu.enqueue_dma source(%dma_start3A_37 : memref<640x128xf32, #tpu.memory_space<vmem_shared>>) target(%dma_start3A_35 : memref<640x128xf32, #tpu.memory_space<hbm>>) target_semaphore(%run_scoped3A : memref<!tpu.dma_semaphore, #tpu.memory_space<semaphore_mem>>)
      %dma_wait3A = arith.constant 0 : i32
      %dma_wait3A_38 = tpu.memref_slice %arg7[%add3A_34, %dma_wait3A] : memref<20480x128xf32, #tpu.memory_space<hbm>> -> memref<640x128xf32, #tpu.memory_space<hbm>>
      %dma_wait3A_39 = arith.constant 0 : i32
      %dma_wait3A_40 = tpu.memref_slice %arg13[%mul3A_9, %dma_wait3A_39] : memref<10240x128xf32, #tpu.memory_space<vmem_shared>> -> memref<640x128xf32, #tpu.memory_space<vmem_shared>>
      tpu.wait_dma2 semaphore(%run_scoped3A : memref<!tpu.dma_semaphore, #tpu.memory_space<semaphore_mem>>) src(%dma_wait3A_40 : memref<640x128xf32, #tpu.memory_space<vmem_shared>>) dst(%dma_wait3A_38 : memref<640x128xf32, #tpu.memory_space<hbm>>)
      tpu.yield
    }) : () -> ()
    return
  }
}

#map = affine_map<(d0, d1) -> (0)>
module attributes {stable_mosaic.version = 14 : i64} {
  func.func @_sc_w_body(%arg0: i32, %arg1: i32, %arg2: memref<320000xi32, #tpu.memory_space<hbm>>, %arg3: memref<320000xi32, #tpu.memory_space<hbm>>, %arg4: memref<40000xf32, #tpu.memory_space<hbm>>, %arg5: memref<32xf32, #tpu.memory_space<hbm>>, %arg6: memref<320000xf32, #tpu.memory_space<hbm>>, %arg7: memref<320000xf32, #tpu.memory_space<hbm>>, %arg8: memref<655360xf32, #tpu.memory_space<hbm>>, %arg9: memref<10000xf32, #tpu.memory_space<vmem>>, %arg10: memref<10000xf32, #tpu.memory_space<vmem>>, %arg11: memref<10000xf32, #tpu.memory_space<vmem>>, %arg12: memref<10000xf32, #tpu.memory_space<vmem>>, %arg13: memref<32xf32, #tpu.memory_space<vmem>>, %arg14: memref<80xi32, #tpu.memory_space<vmem>>, %arg15: memref<80xi32, #tpu.memory_space<vmem>>, %arg16: memref<80xf32, #tpu.memory_space<vmem>>, %arg17: memref<80xf32, #tpu.memory_space<vmem>>, %arg18: memref<10240xf32, #tpu.memory_space<vmem>>, %arg19: memref<10240xf32, #tpu.memory_space<vmem>>, %arg20: memref<!tpu.dma_semaphore, #tpu.memory_space<semaphore_mem>>) attributes {dimension_semantics = [#tpu.dimension_semantics<core_parallel>, #tpu.dimension_semantics<subcore_parallel>], iteration_bounds = array<i64: 2, 16>, scalar_prefetch = 0 : i64, scratch_operands = 12 : i64, tpu.core_type = #tpu.core_type<sc_vector_subcore>, window_params = [{transform_indices = #map}, {transform_indices = #map}, {transform_indices = #map}, {transform_indices = #map}, {transform_indices = #map}, {transform_indices = #map}, {transform_indices = #map}]} {
    %mul3A = arith.constant 16 : i32
    %mul3A_0 = arith.muli %arg0, %mul3A : i32
    %add3A = arith.addi %mul3A_0, %arg1 : i32
    %mul3A_1 = arith.constant 10000 : i32
    %mul3A_2 = arith.muli %add3A, %mul3A_1 : i32
    "tpu.region"() ({
      %run_scoped3A = tpu.sem_alloc : memref<!tpu.dma_semaphore, #tpu.memory_space<semaphore_mem>>
      %dma_start3A = arith.constant 0 : i32
      %dma_start3A_22 = tpu.memref_slice %arg4[%dma_start3A] : memref<40000xf32, #tpu.memory_space<hbm>> -> memref<10000xf32, #tpu.memory_space<hbm>>
      %dma_start3A_23 = arith.constant 0 : i32
      %dma_start3A_24 = tpu.memref_slice %arg4[%dma_start3A_23] : memref<40000xf32, #tpu.memory_space<hbm>> -> memref<10000xf32, #tpu.memory_space<hbm>>
      tpu.enqueue_dma source(%dma_start3A_24 : memref<10000xf32, #tpu.memory_space<hbm>>) target(%arg9 : memref<10000xf32, #tpu.memory_space<vmem>>) target_semaphore(%run_scoped3A : memref<!tpu.dma_semaphore, #tpu.memory_space<semaphore_mem>>)
      %dma_wait3A = arith.constant 0 : i32
      %dma_wait3A_25 = tpu.memref_slice %arg4[%dma_wait3A] : memref<40000xf32, #tpu.memory_space<hbm>> -> memref<10000xf32, #tpu.memory_space<hbm>>
      %dma_wait3A_26 = arith.constant 0 : i32
      %dma_wait3A_27 = tpu.memref_slice %arg4[%dma_wait3A_26] : memref<40000xf32, #tpu.memory_space<hbm>> -> memref<10000xf32, #tpu.memory_space<hbm>>
      tpu.wait_dma2 semaphore(%run_scoped3A : memref<!tpu.dma_semaphore, #tpu.memory_space<semaphore_mem>>) src(%dma_wait3A_27 : memref<10000xf32, #tpu.memory_space<hbm>>) dst(%arg9 : memref<10000xf32, #tpu.memory_space<vmem>>)
      tpu.yield
    }) : () -> ()
    "tpu.region"() ({
      %run_scoped3A = tpu.sem_alloc : memref<!tpu.dma_semaphore, #tpu.memory_space<semaphore_mem>>
      %dma_start3A = arith.constant 10000 : i32
      %dma_start3A_22 = tpu.memref_slice %arg4[%dma_start3A] : memref<40000xf32, #tpu.memory_space<hbm>> -> memref<10000xf32, #tpu.memory_space<hbm>>
      %dma_start3A_23 = arith.constant 10000 : i32
      %dma_start3A_24 = tpu.memref_slice %arg4[%dma_start3A_23] : memref<40000xf32, #tpu.memory_space<hbm>> -> memref<10000xf32, #tpu.memory_space<hbm>>
      tpu.enqueue_dma source(%dma_start3A_24 : memref<10000xf32, #tpu.memory_space<hbm>>) target(%arg10 : memref<10000xf32, #tpu.memory_space<vmem>>) target_semaphore(%run_scoped3A : memref<!tpu.dma_semaphore, #tpu.memory_space<semaphore_mem>>)
      %dma_wait3A = arith.constant 10000 : i32
      %dma_wait3A_25 = tpu.memref_slice %arg4[%dma_wait3A] : memref<40000xf32, #tpu.memory_space<hbm>> -> memref<10000xf32, #tpu.memory_space<hbm>>
      %dma_wait3A_26 = arith.constant 10000 : i32
      %dma_wait3A_27 = tpu.memref_slice %arg4[%dma_wait3A_26] : memref<40000xf32, #tpu.memory_space<hbm>> -> memref<10000xf32, #tpu.memory_space<hbm>>
      tpu.wait_dma2 semaphore(%run_scoped3A : memref<!tpu.dma_semaphore, #tpu.memory_space<semaphore_mem>>) src(%dma_wait3A_27 : memref<10000xf32, #tpu.memory_space<hbm>>) dst(%arg10 : memref<10000xf32, #tpu.memory_space<vmem>>)
      tpu.yield
    }) : () -> ()
    "tpu.region"() ({
      %run_scoped3A = tpu.sem_alloc : memref<!tpu.dma_semaphore, #tpu.memory_space<semaphore_mem>>
      %dma_start3A = arith.constant 20000 : i32
      %dma_start3A_22 = tpu.memref_slice %arg4[%dma_start3A] : memref<40000xf32, #tpu.memory_space<hbm>> -> memref<10000xf32, #tpu.memory_space<hbm>>
      %dma_start3A_23 = arith.constant 20000 : i32
      %dma_start3A_24 = tpu.memref_slice %arg4[%dma_start3A_23] : memref<40000xf32, #tpu.memory_space<hbm>> -> memref<10000xf32, #tpu.memory_space<hbm>>
      tpu.enqueue_dma source(%dma_start3A_24 : memref<10000xf32, #tpu.memory_space<hbm>>) target(%arg11 : memref<10000xf32, #tpu.memory_space<vmem>>) target_semaphore(%run_scoped3A : memref<!tpu.dma_semaphore, #tpu.memory_space<semaphore_mem>>)
      %dma_wait3A = arith.constant 20000 : i32
      %dma_wait3A_25 = tpu.memref_slice %arg4[%dma_wait3A] : memref<40000xf32, #tpu.memory_space<hbm>> -> memref<10000xf32, #tpu.memory_space<hbm>>
      %dma_wait3A_26 = arith.constant 20000 : i32
      %dma_wait3A_27 = tpu.memref_slice %arg4[%dma_wait3A_26] : memref<40000xf32, #tpu.memory_space<hbm>> -> memref<10000xf32, #tpu.memory_space<hbm>>
      tpu.wait_dma2 semaphore(%run_scoped3A : memref<!tpu.dma_semaphore, #tpu.memory_space<semaphore_mem>>) src(%dma_wait3A_27 : memref<10000xf32, #tpu.memory_space<hbm>>) dst(%arg11 : memref<10000xf32, #tpu.memory_space<vmem>>)
      tpu.yield
    }) : () -> ()
    "tpu.region"() ({
      %run_scoped3A = tpu.sem_alloc : memref<!tpu.dma_semaphore, #tpu.memory_space<semaphore_mem>>
      %dma_start3A = arith.constant 30000 : i32
      %dma_start3A_22 = tpu.memref_slice %arg4[%dma_start3A] : memref<40000xf32, #tpu.memory_space<hbm>> -> memref<10000xf32, #tpu.memory_space<hbm>>
      %dma_start3A_23 = arith.constant 30000 : i32
      %dma_start3A_24 = tpu.memref_slice %arg4[%dma_start3A_23] : memref<40000xf32, #tpu.memory_space<hbm>> -> memref<10000xf32, #tpu.memory_space<hbm>>
      tpu.enqueue_dma source(%dma_start3A_24 : memref<10000xf32, #tpu.memory_space<hbm>>) target(%arg12 : memref<10000xf32, #tpu.memory_space<vmem>>) target_semaphore(%run_scoped3A : memref<!tpu.dma_semaphore, #tpu.memory_space<semaphore_mem>>)
      %dma_wait3A = arith.constant 30000 : i32
      %dma_wait3A_25 = tpu.memref_slice %arg4[%dma_wait3A] : memref<40000xf32, #tpu.memory_space<hbm>> -> memref<10000xf32, #tpu.memory_space<hbm>>
      %dma_wait3A_26 = arith.constant 30000 : i32
      %dma_wait3A_27 = tpu.memref_slice %arg4[%dma_wait3A_26] : memref<40000xf32, #tpu.memory_space<hbm>> -> memref<10000xf32, #tpu.memory_space<hbm>>
      tpu.wait_dma2 semaphore(%run_scoped3A : memref<!tpu.dma_semaphore, #tpu.memory_space<semaphore_mem>>) src(%dma_wait3A_27 : memref<10000xf32, #tpu.memory_space<hbm>>) dst(%arg12 : memref<10000xf32, #tpu.memory_space<vmem>>)
      tpu.yield
    }) : () -> ()
    "tpu.region"() ({
      %run_scoped3A = tpu.sem_alloc : memref<!tpu.dma_semaphore, #tpu.memory_space<semaphore_mem>>
      tpu.enqueue_dma source(%arg5 : memref<32xf32, #tpu.memory_space<hbm>>) target(%arg13 : memref<32xf32, #tpu.memory_space<vmem>>) target_semaphore(%run_scoped3A : memref<!tpu.dma_semaphore, #tpu.memory_space<semaphore_mem>>)
      tpu.wait_dma2 semaphore(%run_scoped3A : memref<!tpu.dma_semaphore, #tpu.memory_space<semaphore_mem>>) src(%arg5 : memref<32xf32, #tpu.memory_space<hbm>>) dst(%arg13 : memref<32xf32, #tpu.memory_space<vmem>>)
      tpu.yield
    }) : () -> ()
    %broadcast_in_dim3A = arith.constant 0.000000e+00 : f32
    %broadcast_in_dim3A_3 = vector.broadcast %broadcast_in_dim3A : f32 to vector<16xf32>
    %scan3A = arith.constant 0 : i32
    %scan3A_4 = arith.constant 640 : i32
    %scan3A_5 = arith.addi %scan3A, %scan3A_4 : i32
    %scan3A_6 = arith.constant 1 : i32
    scf.for %scan3A_22 = %scan3A to %scan3A_5 step %scan3A_6  : i32 {
      %mul3A_23 = arith.constant 16 : i32
      %mul3A_24 = arith.muli %scan3A_22, %mul3A_23 : i32
      %add3A_25 = arith.constant 0 : i32
      %add3A_26 = arith.addi %add3A_25, %mul3A_24 : i32
      %swap3A = arith.index_cast %add3A_26 : i32 to index
      %swap3A_27 = tpu.vector_load %arg18[%swap3A] {strides = array<i32>} : memref<10240xf32, #tpu.memory_space<vmem>>, vector<16xf32>,
      tpu.vector_store %arg18[%swap3A], %broadcast_in_dim3A_3 {strides = array<i32>} : memref<10240xf32, #tpu.memory_space<vmem>>, vector<16xf32>,
      %swap3A_28 = arith.index_cast %add3A_26 : i32 to index
      %swap3A_29 = tpu.vector_load %arg19[%swap3A_28] {strides = array<i32>} : memref<10240xf32, #tpu.memory_space<vmem>>, vector<16xf32>,
      tpu.vector_store %arg19[%swap3A_28], %broadcast_in_dim3A_3 {strides = array<i32>} : memref<10240xf32, #tpu.memory_space<vmem>>, vector<16xf32>,
    }
    %scan3A_7 = arith.constant 640 : i32
    %get3A = arith.constant 0 : index
    %get3A_8 = tpu.vector_load %arg13[%get3A] {strides = array<i32>} : memref<32xf32, #tpu.memory_space<vmem>>, vector<16xf32>,
    %get3A_9 = arith.constant 16 : index
    %get3A_10 = tpu.vector_load %arg13[%get3A_9] {strides = array<i32>} : memref<32xf32, #tpu.memory_space<vmem>>, vector<16xf32>,
    %scan3A_11 = arith.constant 0 : i32
    %scan3A_12 = arith.constant 125 : i32
    %scan3A_13 = arith.addi %scan3A_11, %scan3A_12 : i32
    %scan3A_14 = arith.constant 1 : i32
    scf.for %scan3A_22 = %scan3A_11 to %scan3A_13 step %scan3A_14  : i32 {
      %mul3A_23 = arith.constant 1 : i32
      %mul3A_24 = arith.muli %scan3A_22, %mul3A_23 : i32
      %add3A_25 = arith.constant 0 : i32
      %add3A_26 = arith.addi %add3A_25, %mul3A_24 : i32
      %mul3A_27 = arith.constant 80 : i32
      %mul3A_28 = arith.muli %add3A_26, %mul3A_27 : i32
      %add3A_29 = arith.addi %mul3A_2, %mul3A_28 : i32
      %dma_start3A = tpu.memref_slice %arg2[%add3A_29] : memref<320000xi32, #tpu.memory_space<hbm>> -> memref<80xi32, #tpu.memory_space<hbm>>
      %dma_start3A_30 = tpu.memref_slice %arg2[%add3A_29] : memref<320000xi32, #tpu.memory_space<hbm>> -> memref<80xi32, #tpu.memory_space<hbm>>
      tpu.enqueue_dma source(%dma_start3A_30 : memref<80xi32, #tpu.memory_space<hbm>>) target(%arg14 : memref<80xi32, #tpu.memory_space<vmem>>) target_semaphore(%arg20 : memref<!tpu.dma_semaphore, #tpu.memory_space<semaphore_mem>>)
      %dma_start3A_31 = tpu.memref_slice %arg3[%add3A_29] : memref<320000xi32, #tpu.memory_space<hbm>> -> memref<80xi32, #tpu.memory_space<hbm>>
      %dma_start3A_32 = tpu.memref_slice %arg3[%add3A_29] : memref<320000xi32, #tpu.memory_space<hbm>> -> memref<80xi32, #tpu.memory_space<hbm>>
      tpu.enqueue_dma source(%dma_start3A_32 : memref<80xi32, #tpu.memory_space<hbm>>) target(%arg15 : memref<80xi32, #tpu.memory_space<vmem>>) target_semaphore(%arg20 : memref<!tpu.dma_semaphore, #tpu.memory_space<semaphore_mem>>)
      %dma_wait3A = tpu.memref_slice %arg2[%add3A_29] : memref<320000xi32, #tpu.memory_space<hbm>> -> memref<80xi32, #tpu.memory_space<hbm>>
      %dma_wait3A_33 = tpu.memref_slice %arg2[%add3A_29] : memref<320000xi32, #tpu.memory_space<hbm>> -> memref<80xi32, #tpu.memory_space<hbm>>
      tpu.wait_dma2 semaphore(%arg20 : memref<!tpu.dma_semaphore, #tpu.memory_space<semaphore_mem>>) src(%dma_wait3A_33 : memref<80xi32, #tpu.memory_space<hbm>>) dst(%arg14 : memref<80xi32, #tpu.memory_space<vmem>>)
      %dma_wait3A_34 = tpu.memref_slice %arg3[%add3A_29] : memref<320000xi32, #tpu.memory_space<hbm>> -> memref<80xi32, #tpu.memory_space<hbm>>
      %dma_wait3A_35 = tpu.memref_slice %arg3[%add3A_29] : memref<320000xi32, #tpu.memory_space<hbm>> -> memref<80xi32, #tpu.memory_space<hbm>>
      tpu.wait_dma2 semaphore(%arg20 : memref<!tpu.dma_semaphore, #tpu.memory_space<semaphore_mem>>) src(%dma_wait3A_35 : memref<80xi32, #tpu.memory_space<hbm>>) dst(%arg15 : memref<80xi32, #tpu.memory_space<vmem>>)
      %scan3A_36 = arith.constant 0 : i32
      %scan3A_37 = arith.constant 5 : i32
      %scan3A_38 = arith.addi %scan3A_36, %scan3A_37 : i32
      %scan3A_39 = arith.constant 1 : i32
      scf.for %scan3A_41 = %scan3A_36 to %scan3A_38 step %scan3A_39  : i32 {
        %mul3A_42 = arith.constant 16 : i32
        %mul3A_43 = arith.muli %scan3A_41, %mul3A_42 : i32
        %add3A_44 = arith.constant 0 : i32
        %add3A_45 = arith.addi %add3A_44, %mul3A_43 : i32
        %get3A_46 = arith.index_cast %add3A_45 : i32 to index
        %get3A_47 = tpu.vector_load %arg14[%get3A_46] {strides = array<i32>} : memref<80xi32, #tpu.memory_space<vmem>>, vector<16xi32>,
        %get3A_48 = arith.index_cast %add3A_45 : i32 to index
        %get3A_49 = tpu.vector_load %arg15[%get3A_48] {strides = array<i32>} : memref<80xi32, #tpu.memory_space<vmem>>, vector<16xi32>,
        %gather3A = tpu.vector_load_idx %arg9[%get3A_47] : memref<10000xf32, #tpu.memory_space<vmem>>[vector<16xi32>], vector<16xf32>,
        %gather3A_50 = tpu.vector_load_idx %arg10[%get3A_49] : memref<10000xf32, #tpu.memory_space<vmem>>[vector<16xi32>], vector<16xf32>,
        %add3A_51 = arith.addf %gather3A, %gather3A_50 : vector<16xf32>
        %mul3A_52 = arith.constant 2.000000e-01 : f32
        %mul3A_53 = vector.broadcast %mul3A_52 : f32 to vector<16xf32>
        %mul3A_54 = arith.mulf %mul3A_53, %add3A_51 : vector<16xf32>
        %max3A = arith.maximumf %add3A_51, %mul3A_54 : vector<16xf32>
        %sub3A = arith.subf %max3A, %get3A_8 : vector<16xf32>
        %exp3A = math.exp %sub3A : vector<16xf32>
        %gather3A_55 = tpu.vector_load_idx %arg11[%get3A_47] : memref<10000xf32, #tpu.memory_space<vmem>>[vector<16xi32>], vector<16xf32>,
        %gather3A_56 = tpu.vector_load_idx %arg12[%get3A_49] : memref<10000xf32, #tpu.memory_space<vmem>>[vector<16xi32>], vector<16xf32>,
        %add3A_57 = arith.addf %gather3A_55, %gather3A_56 : vector<16xf32>
        %mul3A_58 = arith.constant 2.000000e-01 : f32
        %mul3A_59 = vector.broadcast %mul3A_58 : f32 to vector<16xf32>
        %mul3A_60 = arith.mulf %mul3A_59, %add3A_57 : vector<16xf32>
        %max3A_61 = arith.maximumf %add3A_57, %mul3A_60 : vector<16xf32>
        %sub3A_62 = arith.subf %max3A_61, %get3A_10 : vector<16xf32>
        %exp3A_63 = math.exp %sub3A_62 : vector<16xf32>
        %swap3A = arith.index_cast %add3A_45 : i32 to index
        %swap3A_64 = tpu.vector_load %arg16[%swap3A] {strides = array<i32>} : memref<80xf32, #tpu.memory_space<vmem>>, vector<16xf32>,
        tpu.vector_store %arg16[%swap3A], %exp3A {strides = array<i32>} : memref<80xf32, #tpu.memory_space<vmem>>, vector<16xf32>,
        %swap3A_65 = arith.index_cast %add3A_45 : i32 to index
        %swap3A_66 = tpu.vector_load %arg17[%swap3A_65] {strides = array<i32>} : memref<80xf32, #tpu.memory_space<vmem>>, vector<16xf32>,
        tpu.vector_store %arg17[%swap3A_65], %exp3A_63 {strides = array<i32>} : memref<80xf32, #tpu.memory_space<vmem>>, vector<16xf32>,
        tpu.vector_store_idx %arg18[%get3A_49], %exp3A {add = true} : memref<10240xf32, #tpu.memory_space<vmem>>[vector<16xi32>], vector<16xf32>,
        tpu.vector_store_idx %arg19[%get3A_49], %exp3A_63 {add = true} : memref<10240xf32, #tpu.memory_space<vmem>>[vector<16xi32>], vector<16xf32>,
      }
      %scan3A_40 = arith.constant 5 : i32
      "tpu.region"() ({
        %run_scoped3A = tpu.sem_alloc : memref<!tpu.dma_semaphore, #tpu.memory_space<semaphore_mem>>
        %dma_start3A_41 = tpu.memref_slice %arg6[%add3A_29] : memref<320000xf32, #tpu.memory_space<hbm>> -> memref<80xf32, #tpu.memory_space<hbm>>
        %dma_start3A_42 = tpu.memref_slice %arg6[%add3A_29] : memref<320000xf32, #tpu.memory_space<hbm>> -> memref<80xf32, #tpu.memory_space<hbm>>
        tpu.enqueue_dma source(%arg16 : memref<80xf32, #tpu.memory_space<vmem>>) target(%dma_start3A_42 : memref<80xf32, #tpu.memory_space<hbm>>) target_semaphore(%run_scoped3A : memref<!tpu.dma_semaphore, #tpu.memory_space<semaphore_mem>>)
        %dma_wait3A_43 = tpu.memref_slice %arg6[%add3A_29] : memref<320000xf32, #tpu.memory_space<hbm>> -> memref<80xf32, #tpu.memory_space<hbm>>
        %dma_wait3A_44 = tpu.memref_slice %arg6[%add3A_29] : memref<320000xf32, #tpu.memory_space<hbm>> -> memref<80xf32, #tpu.memory_space<hbm>>
        tpu.wait_dma2 semaphore(%run_scoped3A : memref<!tpu.dma_semaphore, #tpu.memory_space<semaphore_mem>>) src(%arg16 : memref<80xf32, #tpu.memory_space<vmem>>) dst(%dma_wait3A_44 : memref<80xf32, #tpu.memory_space<hbm>>)
        tpu.yield
      }) : () -> ()
      "tpu.region"() ({
        %run_scoped3A = tpu.sem_alloc : memref<!tpu.dma_semaphore, #tpu.memory_space<semaphore_mem>>
        %dma_start3A_41 = tpu.memref_slice %arg7[%add3A_29] : memref<320000xf32, #tpu.memory_space<hbm>> -> memref<80xf32, #tpu.memory_space<hbm>>
        %dma_start3A_42 = tpu.memref_slice %arg7[%add3A_29] : memref<320000xf32, #tpu.memory_space<hbm>> -> memref<80xf32, #tpu.memory_space<hbm>>
        tpu.enqueue_dma source(%arg17 : memref<80xf32, #tpu.memory_space<vmem>>) target(%dma_start3A_42 : memref<80xf32, #tpu.memory_space<hbm>>) target_semaphore(%run_scoped3A : memref<!tpu.dma_semaphore, #tpu.memory_space<semaphore_mem>>)
        %dma_wait3A_43 = tpu.memref_slice %arg7[%add3A_29] : memref<320000xf32, #tpu.memory_space<hbm>> -> memref<80xf32, #tpu.memory_space<hbm>>
        %dma_wait3A_44 = tpu.memref_slice %arg7[%add3A_29] : memref<320000xf32, #tpu.memory_space<hbm>> -> memref<80xf32, #tpu.memory_space<hbm>>
        tpu.wait_dma2 semaphore(%run_scoped3A : memref<!tpu.dma_semaphore, #tpu.memory_space<semaphore_mem>>) src(%arg17 : memref<80xf32, #tpu.memory_space<vmem>>) dst(%dma_wait3A_44 : memref<80xf32, #tpu.memory_space<hbm>>)
        tpu.yield
      }) : () -> ()
    }
    %scan3A_15 = arith.constant 125 : i32
    %mul3A_16 = arith.constant 2 : i32
    %mul3A_17 = arith.muli %add3A, %mul3A_16 : i32
    %mul3A_18 = arith.constant 10240 : i32
    %mul3A_19 = arith.muli %mul3A_17, %mul3A_18 : i32
    "tpu.region"() ({
      %run_scoped3A = tpu.sem_alloc : memref<!tpu.dma_semaphore, #tpu.memory_space<semaphore_mem>>
      %dma_start3A = tpu.memref_slice %arg8[%mul3A_19] : memref<655360xf32, #tpu.memory_space<hbm>> -> memref<10240xf32, #tpu.memory_space<hbm>>
      %dma_start3A_22 = tpu.memref_slice %arg8[%mul3A_19] : memref<655360xf32, #tpu.memory_space<hbm>> -> memref<10240xf32, #tpu.memory_space<hbm>>
      tpu.enqueue_dma source(%arg18 : memref<10240xf32, #tpu.memory_space<vmem>>) target(%dma_start3A_22 : memref<10240xf32, #tpu.memory_space<hbm>>) target_semaphore(%run_scoped3A : memref<!tpu.dma_semaphore, #tpu.memory_space<semaphore_mem>>)
      %dma_wait3A = tpu.memref_slice %arg8[%mul3A_19] : memref<655360xf32, #tpu.memory_space<hbm>> -> memref<10240xf32, #tpu.memory_space<hbm>>
      %dma_wait3A_23 = tpu.memref_slice %arg8[%mul3A_19] : memref<655360xf32, #tpu.memory_space<hbm>> -> memref<10240xf32, #tpu.memory_space<hbm>>
      tpu.wait_dma2 semaphore(%run_scoped3A : memref<!tpu.dma_semaphore, #tpu.memory_space<semaphore_mem>>) src(%arg18 : memref<10240xf32, #tpu.memory_space<vmem>>) dst(%dma_wait3A_23 : memref<10240xf32, #tpu.memory_space<hbm>>)
      tpu.yield
    }) : () -> ()
    %add3A_20 = arith.constant 10240 : i32
    %add3A_21 = arith.addi %mul3A_19, %add3A_20 : i32
    "tpu.region"() ({
      %run_scoped3A = tpu.sem_alloc : memref<!tpu.dma_semaphore, #tpu.memory_space<semaphore_mem>>
      %dma_start3A = tpu.memref_slice %arg8[%add3A_21] : memref<655360xf32, #tpu.memory_space<hbm>> -> memref<10240xf32, #tpu.memory_space<hbm>>
      %dma_start3A_22 = tpu.memref_slice %arg8[%add3A_21] : memref<655360xf32, #tpu.memory_space<hbm>> -> memref<10240xf32, #tpu.memory_space<hbm>>
      tpu.enqueue_dma source(%arg19 : memref<10240xf32, #tpu.memory_space<vmem>>) target(%dma_start3A_22 : memref<10240xf32, #tpu.memory_space<hbm>>) target_semaphore(%run_scoped3A : memref<!tpu.dma_semaphore, #tpu.memory_space<semaphore_mem>>)
      %dma_wait3A = tpu.memref_slice %arg8[%add3A_21] : memref<655360xf32, #tpu.memory_space<hbm>> -> memref<10240xf32, #tpu.memory_space<hbm>>
      %dma_wait3A_23 = tpu.memref_slice %arg8[%add3A_21] : memref<655360xf32, #tpu.memory_space<hbm>> -> memref<10240xf32, #tpu.memory_space<hbm>>
      tpu.wait_dma2 semaphore(%run_scoped3A : memref<!tpu.dma_semaphore, #tpu.memory_space<semaphore_mem>>) src(%arg19 : memref<10240xf32, #tpu.memory_space<vmem>>) dst(%dma_wait3A_23 : memref<10240xf32, #tpu.memory_space<hbm>>)
      tpu.yield
    }) : () -> ()
    return
  }
}

#map = affine_map<(d0, d1) -> (0, 0)>
#map1 = affine_map<(d0, d1) -> (0)>
module attributes {stable_mosaic.version = 14 : i64} {
  func.func @_sc_row_body(%arg0: i32, %arg1: i32, %arg2: memref<10000x128xf32, #tpu.memory_space<hbm>>, %arg3: memref<320000xi32, #tpu.memory_space<hbm>>, %arg4: memref<320000xi32, #tpu.memory_space<hbm>>, %arg5: memref<320000xf32, #tpu.memory_space<hbm>>, %arg6: memref<320000xf32, #tpu.memory_space<hbm>>, %arg7: memref<20480x128xf32, #tpu.memory_space<hbm>>, %arg8: memref<80xi32, #tpu.memory_space<vmem>>, %arg9: memref<80xi32, #tpu.memory_space<vmem>>, %arg10: memref<80xf32, #tpu.memory_space<vmem>>, %arg11: memref<80xf32, #tpu.memory_space<vmem>>, %arg12: memref<80x128xf32, #tpu.memory_space<vmem>>, %arg13: memref<10240x128xf32, #tpu.memory_space<vmem_shared>>, %arg14: memref<!tpu.dma_semaphore, #tpu.memory_space<semaphore_mem>>) attributes {dimension_semantics = [#tpu.dimension_semantics<core_parallel>, #tpu.dimension_semantics<subcore_parallel>], iteration_bounds = array<i64: 2, 16>, scalar_prefetch = 0 : i64, scratch_operands = 7 : i64, tpu.core_type = #tpu.core_type<sc_vector_subcore>, window_params = [{transform_indices = #map}, {transform_indices = #map1}, {transform_indices = #map1}, {transform_indices = #map1}, {transform_indices = #map1}, {transform_indices = #map}]} {
    %mul3A = arith.constant 16 : i32
    %mul3A_0 = arith.muli %arg0, %mul3A : i32
    %add3A = arith.addi %mul3A_0, %arg1 : i32
    %mul3A_1 = arith.constant 10000 : i32
    %mul3A_2 = arith.muli %add3A, %mul3A_1 : i32
    %broadcast_in_dim3A = arith.constant 0.000000e+00 : f32
    %broadcast_in_dim3A_3 = vector.broadcast %broadcast_in_dim3A : f32 to vector<16xf32>
    %scan3A = arith.constant 0 : i32
    %scan3A_4 = arith.constant 80 : i32
    %scan3A_5 = arith.addi %scan3A, %scan3A_4 : i32
    %scan3A_6 = arith.constant 1 : i32
    scf.for %scan3A_35 = %scan3A to %scan3A_5 step %scan3A_6  : i32 {
      %mul3A_36 = arith.constant 1 : i32
      %mul3A_37 = arith.muli %scan3A_35, %mul3A_36 : i32
      %add3A_38 = arith.constant 0 : i32
      %add3A_39 = arith.addi %add3A_38, %mul3A_37 : i32
      %swap3A = arith.index_cast %add3A_39 : i32 to index
      %swap3A_40 = arith.constant 0 : index
      %swap3A_41 = tpu.vector_load %arg12[%swap3A, %swap3A_40] {strides = array<i32>} : memref<80x128xf32, #tpu.memory_space<vmem>>, vector<16xf32>,
      tpu.vector_store %arg12[%swap3A, %swap3A_40], %broadcast_in_dim3A_3 {strides = array<i32>} : memref<80x128xf32, #tpu.memory_space<vmem>>, vector<16xf32>,
      %swap3A_42 = arith.index_cast %add3A_39 : i32 to index
      %swap3A_43 = arith.constant 16 : index
      %swap3A_44 = tpu.vector_load %arg12[%swap3A_42, %swap3A_43] {strides = array<i32>} : memref<80x128xf32, #tpu.memory_space<vmem>>, vector<16xf32>,
      tpu.vector_store %arg12[%swap3A_42, %swap3A_43], %broadcast_in_dim3A_3 {strides = array<i32>} : memref<80x128xf32, #tpu.memory_space<vmem>>, vector<16xf32>,
      %swap3A_45 = arith.index_cast %add3A_39 : i32 to index
      %swap3A_46 = arith.constant 32 : index
      %swap3A_47 = tpu.vector_load %arg12[%swap3A_45, %swap3A_46] {strides = array<i32>} : memref<80x128xf32, #tpu.memory_space<vmem>>, vector<16xf32>,
      tpu.vector_store %arg12[%swap3A_45, %swap3A_46], %broadcast_in_dim3A_3 {strides = array<i32>} : memref<80x128xf32, #tpu.memory_space<vmem>>, vector<16xf32>,
      %swap3A_48 = arith.index_cast %add3A_39 : i32 to index
      %swap3A_49 = arith.constant 48 : index
      %swap3A_50 = tpu.vector_load %arg12[%swap3A_48, %swap3A_49] {strides = array<i32>} : memref<80x128xf32, #tpu.memory_space<vmem>>, vector<16xf32>,
      tpu.vector_store %arg12[%swap3A_48, %swap3A_49], %broadcast_in_dim3A_3 {strides = array<i32>} : memref<80x128xf32, #tpu.memory_space<vmem>>, vector<16xf32>,
      %swap3A_51 = arith.index_cast %add3A_39 : i32 to index
      %swap3A_52 = arith.constant 64 : index
      %swap3A_53 = tpu.vector_load %arg12[%swap3A_51, %swap3A_52] {strides = array<i32>} : memref<80x128xf32, #tpu.memory_space<vmem>>, vector<16xf32>,
      tpu.vector_store %arg12[%swap3A_51, %swap3A_52], %broadcast_in_dim3A_3 {strides = array<i32>} : memref<80x128xf32, #tpu.memory_space<vmem>>, vector<16xf32>,
      %swap3A_54 = arith.index_cast %add3A_39 : i32 to index
      %swap3A_55 = arith.constant 80 : index
      %swap3A_56 = tpu.vector_load %arg12[%swap3A_54, %swap3A_55] {strides = array<i32>} : memref<80x128xf32, #tpu.memory_space<vmem>>, vector<16xf32>,
      tpu.vector_store %arg12[%swap3A_54, %swap3A_55], %broadcast_in_dim3A_3 {strides = array<i32>} : memref<80x128xf32, #tpu.memory_space<vmem>>, vector<16xf32>,
      %swap3A_57 = arith.index_cast %add3A_39 : i32 to index
      %swap3A_58 = arith.constant 96 : index
      %swap3A_59 = tpu.vector_load %arg12[%swap3A_57, %swap3A_58] {strides = array<i32>} : memref<80x128xf32, #tpu.memory_space<vmem>>, vector<16xf32>,
      tpu.vector_store %arg12[%swap3A_57, %swap3A_58], %broadcast_in_dim3A_3 {strides = array<i32>} : memref<80x128xf32, #tpu.memory_space<vmem>>, vector<16xf32>,
      %swap3A_60 = arith.index_cast %add3A_39 : i32 to index
      %swap3A_61 = arith.constant 112 : index
      %swap3A_62 = tpu.vector_load %arg12[%swap3A_60, %swap3A_61] {strides = array<i32>} : memref<80x128xf32, #tpu.memory_space<vmem>>, vector<16xf32>,
      tpu.vector_store %arg12[%swap3A_60, %swap3A_61], %broadcast_in_dim3A_3 {strides = array<i32>} : memref<80x128xf32, #tpu.memory_space<vmem>>, vector<16xf32>,
    }
    %scan3A_7 = arith.constant 80 : i32
    %mul3A_8 = arith.constant 640 : i32
    %mul3A_9 = arith.muli %arg1, %mul3A_8 : i32
    %add3A_10 = arith.constant 0 : i32
    %add3A_11 = arith.addi %mul3A_9, %add3A_10 : i32
    "tpu.region"() ({
      %run_scoped3A = tpu.sem_alloc : memref<!tpu.dma_semaphore, #tpu.memory_space<semaphore_mem>>
      %dma_start3A = arith.constant 0 : i32
      %dma_start3A_35 = tpu.memref_slice %arg13[%add3A_11, %dma_start3A] : memref<10240x128xf32, #tpu.memory_space<vmem_shared>> -> memref<80x128xf32, #tpu.memory_space<vmem_shared>>
      %dma_start3A_36 = arith.constant 0 : i32
      %dma_start3A_37 = tpu.memref_slice %arg13[%add3A_11, %dma_start3A_36] : memref<10240x128xf32, #tpu.memory_space<vmem_shared>> -> memref<80x128xf32, #tpu.memory_space<vmem_shared>>
      tpu.enqueue_dma source(%arg12 : memref<80x128xf32, #tpu.memory_space<vmem>>) target(%dma_start3A_37 : memref<80x128xf32, #tpu.memory_space<vmem_shared>>) target_semaphore(%run_scoped3A : memref<!tpu.dma_semaphore, #tpu.memory_space<semaphore_mem>>)
      %dma_wait3A = arith.constant 0 : i32
      %dma_wait3A_38 = tpu.memref_slice %arg13[%add3A_11, %dma_wait3A] : memref<10240x128xf32, #tpu.memory_space<vmem_shared>> -> memref<80x128xf32, #tpu.memory_space<vmem_shared>>
      %dma_wait3A_39 = arith.constant 0 : i32
      %dma_wait3A_40 = tpu.memref_slice %arg13[%add3A_11, %dma_wait3A_39] : memref<10240x128xf32, #tpu.memory_space<vmem_shared>> -> memref<80x128xf32, #tpu.memory_space<vmem_shared>>
      tpu.wait_dma2 semaphore(%run_scoped3A : memref<!tpu.dma_semaphore, #tpu.memory_space<semaphore_mem>>) src(%arg12 : memref<80x128xf32, #tpu.memory_space<vmem>>) dst(%dma_wait3A_40 : memref<80x128xf32, #tpu.memory_space<vmem_shared>>)
      tpu.yield
    }) : () -> ()
    %add3A_12 = arith.constant 80 : i32
    %add3A_13 = arith.addi %mul3A_9, %add3A_12 : i32
    "tpu.region"() ({
      %run_scoped3A = tpu.sem_alloc : memref<!tpu.dma_semaphore, #tpu.memory_space<semaphore_mem>>
      %dma_start3A = arith.constant 0 : i32
      %dma_start3A_35 = tpu.memref_slice %arg13[%add3A_13, %dma_start3A] : memref<10240x128xf32, #tpu.memory_space<vmem_shared>> -> memref<80x128xf32, #tpu.memory_space<vmem_shared>>
      %dma_start3A_36 = arith.constant 0 : i32
      %dma_start3A_37 = tpu.memref_slice %arg13[%add3A_13, %dma_start3A_36] : memref<10240x128xf32, #tpu.memory_space<vmem_shared>> -> memref<80x128xf32, #tpu.memory_space<vmem_shared>>
      tpu.enqueue_dma source(%arg12 : memref<80x128xf32, #tpu.memory_space<vmem>>) target(%dma_start3A_37 : memref<80x128xf32, #tpu.memory_space<vmem_shared>>) target_semaphore(%run_scoped3A : memref<!tpu.dma_semaphore, #tpu.memory_space<semaphore_mem>>)
      %dma_wait3A = arith.constant 0 : i32
      %dma_wait3A_38 = tpu.memref_slice %arg13[%add3A_13, %dma_wait3A] : memref<10240x128xf32, #tpu.memory_space<vmem_shared>> -> memref<80x128xf32, #tpu.memory_space<vmem_shared>>
      %dma_wait3A_39 = arith.constant 0 : i32
      %dma_wait3A_40 = tpu.memref_slice %arg13[%add3A_13, %dma_wait3A_39] : memref<10240x128xf32, #tpu.memory_space<vmem_shared>> -> memref<80x128xf32, #tpu.memory_space<vmem_shared>>
      tpu.wait_dma2 semaphore(%run_scoped3A : memref<!tpu.dma_semaphore, #tpu.memory_space<semaphore_mem>>) src(%arg12 : memref<80x128xf32, #tpu.memory_space<vmem>>) dst(%dma_wait3A_40 : memref<80x128xf32, #tpu.memory_space<vmem_shared>>)
      tpu.yield
    }) : () -> ()
    %add3A_14 = arith.constant 160 : i32
    %add3A_15 = arith.addi %mul3A_9, %add3A_14 : i32
    "tpu.region"() ({
      %run_scoped3A = tpu.sem_alloc : memref<!tpu.dma_semaphore, #tpu.memory_space<semaphore_mem>>
      %dma_start3A = arith.constant 0 : i32
      %dma_start3A_35 = tpu.memref_slice %arg13[%add3A_15, %dma_start3A] : memref<10240x128xf32, #tpu.memory_space<vmem_shared>> -> memref<80x128xf32, #tpu.memory_space<vmem_shared>>
      %dma_start3A_36 = arith.constant 0 : i32
      %dma_start3A_37 = tpu.memref_slice %arg13[%add3A_15, %dma_start3A_36] : memref<10240x128xf32, #tpu.memory_space<vmem_shared>> -> memref<80x128xf32, #tpu.memory_space<vmem_shared>>
      tpu.enqueue_dma source(%arg12 : memref<80x128xf32, #tpu.memory_space<vmem>>) target(%dma_start3A_37 : memref<80x128xf32, #tpu.memory_space<vmem_shared>>) target_semaphore(%run_scoped3A : memref<!tpu.dma_semaphore, #tpu.memory_space<semaphore_mem>>)
      %dma_wait3A = arith.constant 0 : i32
      %dma_wait3A_38 = tpu.memref_slice %arg13[%add3A_15, %dma_wait3A] : memref<10240x128xf32, #tpu.memory_space<vmem_shared>> -> memref<80x128xf32, #tpu.memory_space<vmem_shared>>
      %dma_wait3A_39 = arith.constant 0 : i32
      %dma_wait3A_40 = tpu.memref_slice %arg13[%add3A_15, %dma_wait3A_39] : memref<10240x128xf32, #tpu.memory_space<vmem_shared>> -> memref<80x128xf32, #tpu.memory_space<vmem_shared>>
      tpu.wait_dma2 semaphore(%run_scoped3A : memref<!tpu.dma_semaphore, #tpu.memory_space<semaphore_mem>>) src(%arg12 : memref<80x128xf32, #tpu.memory_space<vmem>>) dst(%dma_wait3A_40 : memref<80x128xf32, #tpu.memory_space<vmem_shared>>)
      tpu.yield
    }) : () -> ()
    %add3A_16 = arith.constant 240 : i32
    %add3A_17 = arith.addi %mul3A_9, %add3A_16 : i32
    "tpu.region"() ({
      %run_scoped3A = tpu.sem_alloc : memref<!tpu.dma_semaphore, #tpu.memory_space<semaphore_mem>>
      %dma_start3A = arith.constant 0 : i32
      %dma_start3A_35 = tpu.memref_slice %arg13[%add3A_17, %dma_start3A] : memref<10240x128xf32, #tpu.memory_space<vmem_shared>> -> memref<80x128xf32, #tpu.memory_space<vmem_shared>>
      %dma_start3A_36 = arith.constant 0 : i32
      %dma_start3A_37 = tpu.memref_slice %arg13[%add3A_17, %dma_start3A_36] : memref<10240x128xf32, #tpu.memory_space<vmem_shared>> -> memref<80x128xf32, #tpu.memory_space<vmem_shared>>
      tpu.enqueue_dma source(%arg12 : memref<80x128xf32, #tpu.memory_space<vmem>>) target(%dma_start3A_37 : memref<80x128xf32, #tpu.memory_space<vmem_shared>>) target_semaphore(%run_scoped3A : memref<!tpu.dma_semaphore, #tpu.memory_space<semaphore_mem>>)
      %dma_wait3A = arith.constant 0 : i32
      %dma_wait3A_38 = tpu.memref_slice %arg13[%add3A_17, %dma_wait3A] : memref<10240x128xf32, #tpu.memory_space<vmem_shared>> -> memref<80x128xf32, #tpu.memory_space<vmem_shared>>
      %dma_wait3A_39 = arith.constant 0 : i32
      %dma_wait3A_40 = tpu.memref_slice %arg13[%add3A_17, %dma_wait3A_39] : memref<10240x128xf32, #tpu.memory_space<vmem_shared>> -> memref<80x128xf32, #tpu.memory_space<vmem_shared>>
      tpu.wait_dma2 semaphore(%run_scoped3A : memref<!tpu.dma_semaphore, #tpu.memory_space<semaphore_mem>>) src(%arg12 : memref<80x128xf32, #tpu.memory_space<vmem>>) dst(%dma_wait3A_40 : memref<80x128xf32, #tpu.memory_space<vmem_shared>>)
      tpu.yield
    }) : () -> ()
    %add3A_18 = arith.constant 320 : i32
    %add3A_19 = arith.addi %mul3A_9, %add3A_18 : i32
    "tpu.region"() ({
      %run_scoped3A = tpu.sem_alloc : memref<!tpu.dma_semaphore, #tpu.memory_space<semaphore_mem>>
      %dma_start3A = arith.constant 0 : i32
      %dma_start3A_35 = tpu.memref_slice %arg13[%add3A_19, %dma_start3A] : memref<10240x128xf32, #tpu.memory_space<vmem_shared>> -> memref<80x128xf32, #tpu.memory_space<vmem_shared>>
      %dma_start3A_36 = arith.constant 0 : i32
      %dma_start3A_37 = tpu.memref_slice %arg13[%add3A_19, %dma_start3A_36] : memref<10240x128xf32, #tpu.memory_space<vmem_shared>> -> memref<80x128xf32, #tpu.memory_space<vmem_shared>>
      tpu.enqueue_dma source(%arg12 : memref<80x128xf32, #tpu.memory_space<vmem>>) target(%dma_start3A_37 : memref<80x128xf32, #tpu.memory_space<vmem_shared>>) target_semaphore(%run_scoped3A : memref<!tpu.dma_semaphore, #tpu.memory_space<semaphore_mem>>)
      %dma_wait3A = arith.constant 0 : i32
      %dma_wait3A_38 = tpu.memref_slice %arg13[%add3A_19, %dma_wait3A] : memref<10240x128xf32, #tpu.memory_space<vmem_shared>> -> memref<80x128xf32, #tpu.memory_space<vmem_shared>>
      %dma_wait3A_39 = arith.constant 0 : i32
      %dma_wait3A_40 = tpu.memref_slice %arg13[%add3A_19, %dma_wait3A_39] : memref<10240x128xf32, #tpu.memory_space<vmem_shared>> -> memref<80x128xf32, #tpu.memory_space<vmem_shared>>
      tpu.wait_dma2 semaphore(%run_scoped3A : memref<!tpu.dma_semaphore, #tpu.memory_space<semaphore_mem>>) src(%arg12 : memref<80x128xf32, #tpu.memory_space<vmem>>) dst(%dma_wait3A_40 : memref<80x128xf32, #tpu.memory_space<vmem_shared>>)
      tpu.yield
    }) : () -> ()
    %add3A_20 = arith.constant 400 : i32
    %add3A_21 = arith.addi %mul3A_9, %add3A_20 : i32
    "tpu.region"() ({
      %run_scoped3A = tpu.sem_alloc : memref<!tpu.dma_semaphore, #tpu.memory_space<semaphore_mem>>
      %dma_start3A = arith.constant 0 : i32
      %dma_start3A_35 = tpu.memref_slice %arg13[%add3A_21, %dma_start3A] : memref<10240x128xf32, #tpu.memory_space<vmem_shared>> -> memref<80x128xf32, #tpu.memory_space<vmem_shared>>
      %dma_start3A_36 = arith.constant 0 : i32
      %dma_start3A_37 = tpu.memref_slice %arg13[%add3A_21, %dma_start3A_36] : memref<10240x128xf32, #tpu.memory_space<vmem_shared>> -> memref<80x128xf32, #tpu.memory_space<vmem_shared>>
      tpu.enqueue_dma source(%arg12 : memref<80x128xf32, #tpu.memory_space<vmem>>) target(%dma_start3A_37 : memref<80x128xf32, #tpu.memory_space<vmem_shared>>) target_semaphore(%run_scoped3A : memref<!tpu.dma_semaphore, #tpu.memory_space<semaphore_mem>>)
      %dma_wait3A = arith.constant 0 : i32
      %dma_wait3A_38 = tpu.memref_slice %arg13[%add3A_21, %dma_wait3A] : memref<10240x128xf32, #tpu.memory_space<vmem_shared>> -> memref<80x128xf32, #tpu.memory_space<vmem_shared>>
      %dma_wait3A_39 = arith.constant 0 : i32
      %dma_wait3A_40 = tpu.memref_slice %arg13[%add3A_21, %dma_wait3A_39] : memref<10240x128xf32, #tpu.memory_space<vmem_shared>> -> memref<80x128xf32, #tpu.memory_space<vmem_shared>>
      tpu.wait_dma2 semaphore(%run_scoped3A : memref<!tpu.dma_semaphore, #tpu.memory_space<semaphore_mem>>) src(%arg12 : memref<80x128xf32, #tpu.memory_space<vmem>>) dst(%dma_wait3A_40 : memref<80x128xf32, #tpu.memory_space<vmem_shared>>)
      tpu.yield
    }) : () -> ()
    %add3A_22 = arith.constant 480 : i32
    %add3A_23 = arith.addi %mul3A_9, %add3A_22 : i32
    "tpu.region"() ({
      %run_scoped3A = tpu.sem_alloc : memref<!tpu.dma_semaphore, #tpu.memory_space<semaphore_mem>>
      %dma_start3A = arith.constant 0 : i32
      %dma_start3A_35 = tpu.memref_slice %arg13[%add3A_23, %dma_start3A] : memref<10240x128xf32, #tpu.memory_space<vmem_shared>> -> memref<80x128xf32, #tpu.memory_space<vmem_shared>>
      %dma_start3A_36 = arith.constant 0 : i32
      %dma_start3A_37 = tpu.memref_slice %arg13[%add3A_23, %dma_start3A_36] : memref<10240x128xf32, #tpu.memory_space<vmem_shared>> -> memref<80x128xf32, #tpu.memory_space<vmem_shared>>
      tpu.enqueue_dma source(%arg12 : memref<80x128xf32, #tpu.memory_space<vmem>>) target(%dma_start3A_37 : memref<80x128xf32, #tpu.memory_space<vmem_shared>>) target_semaphore(%run_scoped3A : memref<!tpu.dma_semaphore, #tpu.memory_space<semaphore_mem>>)
      %dma_wait3A = arith.constant 0 : i32
      %dma_wait3A_38 = tpu.memref_slice %arg13[%add3A_23, %dma_wait3A] : memref<10240x128xf32, #tpu.memory_space<vmem_shared>> -> memref<80x128xf32, #tpu.memory_space<vmem_shared>>
      %dma_wait3A_39 = arith.constant 0 : i32
      %dma_wait3A_40 = tpu.memref_slice %arg13[%add3A_23, %dma_wait3A_39] : memref<10240x128xf32, #tpu.memory_space<vmem_shared>> -> memref<80x128xf32, #tpu.memory_space<vmem_shared>>
      tpu.wait_dma2 semaphore(%run_scoped3A : memref<!tpu.dma_semaphore, #tpu.memory_space<semaphore_mem>>) src(%arg12 : memref<80x128xf32, #tpu.memory_space<vmem>>) dst(%dma_wait3A_40 : memref<80x128xf32, #tpu.memory_space<vmem_shared>>)
      tpu.yield
    }) : () -> ()
    %add3A_24 = arith.constant 560 : i32
    %add3A_25 = arith.addi %mul3A_9, %add3A_24 : i32
    "tpu.region"() ({
      %run_scoped3A = tpu.sem_alloc : memref<!tpu.dma_semaphore, #tpu.memory_space<semaphore_mem>>
      %dma_start3A = arith.constant 0 : i32
      %dma_start3A_35 = tpu.memref_slice %arg13[%add3A_25, %dma_start3A] : memref<10240x128xf32, #tpu.memory_space<vmem_shared>> -> memref<80x128xf32, #tpu.memory_space<vmem_shared>>
      %dma_start3A_36 = arith.constant 0 : i32
      %dma_start3A_37 = tpu.memref_slice %arg13[%add3A_25, %dma_start3A_36] : memref<10240x128xf32, #tpu.memory_space<vmem_shared>> -> memref<80x128xf32, #tpu.memory_space<vmem_shared>>
      tpu.enqueue_dma source(%arg12 : memref<80x128xf32, #tpu.memory_space<vmem>>) target(%dma_start3A_37 : memref<80x128xf32, #tpu.memory_space<vmem_shared>>) target_semaphore(%run_scoped3A : memref<!tpu.dma_semaphore, #tpu.memory_space<semaphore_mem>>)
      %dma_wait3A = arith.constant 0 : i32
      %dma_wait3A_38 = tpu.memref_slice %arg13[%add3A_25, %dma_wait3A] : memref<10240x128xf32, #tpu.memory_space<vmem_shared>> -> memref<80x128xf32, #tpu.memory_space<vmem_shared>>
      %dma_wait3A_39 = arith.constant 0 : i32
      %dma_wait3A_40 = tpu.memref_slice %arg13[%add3A_25, %dma_wait3A_39] : memref<10240x128xf32, #tpu.memory_space<vmem_shared>> -> memref<80x128xf32, #tpu.memory_space<vmem_shared>>
      tpu.wait_dma2 semaphore(%run_scoped3A : memref<!tpu.dma_semaphore, #tpu.memory_space<semaphore_mem>>) src(%arg12 : memref<80x128xf32, #tpu.memory_space<vmem>>) dst(%dma_wait3A_40 : memref<80x128xf32, #tpu.memory_space<vmem_shared>>)
      tpu.yield
    }) : () -> ()
    %barrier3A = arith.constant 0 : index
    tpu.barrier barrier_id(%barrier3A)
    %scan3A_26 = arith.constant 0 : i32
    %scan3A_27 = arith.constant 125 : i32
    %scan3A_28 = arith.addi %scan3A_26, %scan3A_27 : i32
    %scan3A_29 = arith.constant 1 : i32
    scf.for %scan3A_35 = %scan3A_26 to %scan3A_28 step %scan3A_29  : i32 {
      %mul3A_36 = arith.constant 1 : i32
      %mul3A_37 = arith.muli %scan3A_35, %mul3A_36 : i32
      %add3A_38 = arith.constant 0 : i32
      %add3A_39 = arith.addi %add3A_38, %mul3A_37 : i32
      %mul3A_40 = arith.constant 80 : i32
      %mul3A_41 = arith.muli %add3A_39, %mul3A_40 : i32
      %add3A_42 = arith.addi %mul3A_2, %mul3A_41 : i32
      %dma_start3A = tpu.memref_slice %arg3[%add3A_42] : memref<320000xi32, #tpu.memory_space<hbm>> -> memref<80xi32, #tpu.memory_space<hbm>>
      %dma_start3A_43 = tpu.memref_slice %arg3[%add3A_42] : memref<320000xi32, #tpu.memory_space<hbm>> -> memref<80xi32, #tpu.memory_space<hbm>>
      tpu.enqueue_dma source(%dma_start3A_43 : memref<80xi32, #tpu.memory_space<hbm>>) target(%arg8 : memref<80xi32, #tpu.memory_space<vmem>>) target_semaphore(%arg14 : memref<!tpu.dma_semaphore, #tpu.memory_space<semaphore_mem>>)
      %dma_start3A_44 = tpu.memref_slice %arg4[%add3A_42] : memref<320000xi32, #tpu.memory_space<hbm>> -> memref<80xi32, #tpu.memory_space<hbm>>
      %dma_start3A_45 = tpu.memref_slice %arg4[%add3A_42] : memref<320000xi32, #tpu.memory_space<hbm>> -> memref<80xi32, #tpu.memory_space<hbm>>
      tpu.enqueue_dma source(%dma_start3A_45 : memref<80xi32, #tpu.memory_space<hbm>>) target(%arg9 : memref<80xi32, #tpu.memory_space<vmem>>) target_semaphore(%arg14 : memref<!tpu.dma_semaphore, #tpu.memory_space<semaphore_mem>>)
      %dma_start3A_46 = tpu.memref_slice %arg5[%add3A_42] : memref<320000xf32, #tpu.memory_space<hbm>> -> memref<80xf32, #tpu.memory_space<hbm>>
      %dma_start3A_47 = tpu.memref_slice %arg5[%add3A_42] : memref<320000xf32, #tpu.memory_space<hbm>> -> memref<80xf32, #tpu.memory_space<hbm>>
      tpu.enqueue_dma source(%dma_start3A_47 : memref<80xf32, #tpu.memory_space<hbm>>) target(%arg10 : memref<80xf32, #tpu.memory_space<vmem>>) target_semaphore(%arg14 : memref<!tpu.dma_semaphore, #tpu.memory_space<semaphore_mem>>)
      %dma_start3A_48 = tpu.memref_slice %arg6[%add3A_42] : memref<320000xf32, #tpu.memory_space<hbm>> -> memref<80xf32, #tpu.memory_space<hbm>>
      %dma_start3A_49 = tpu.memref_slice %arg6[%add3A_42] : memref<320000xf32, #tpu.memory_space<hbm>> -> memref<80xf32, #tpu.memory_space<hbm>>
      tpu.enqueue_dma source(%dma_start3A_49 : memref<80xf32, #tpu.memory_space<hbm>>) target(%arg11 : memref<80xf32, #tpu.memory_space<vmem>>) target_semaphore(%arg14 : memref<!tpu.dma_semaphore, #tpu.memory_space<semaphore_mem>>)
      %dma_wait3A = tpu.memref_slice %arg3[%add3A_42] : memref<320000xi32, #tpu.memory_space<hbm>> -> memref<80xi32, #tpu.memory_space<hbm>>
      %dma_wait3A_50 = tpu.memref_slice %arg3[%add3A_42] : memref<320000xi32, #tpu.memory_space<hbm>> -> memref<80xi32, #tpu.memory_space<hbm>>
      tpu.wait_dma2 semaphore(%arg14 : memref<!tpu.dma_semaphore, #tpu.memory_space<semaphore_mem>>) src(%dma_wait3A_50 : memref<80xi32, #tpu.memory_space<hbm>>) dst(%arg8 : memref<80xi32, #tpu.memory_space<vmem>>)
      %dma_wait3A_51 = tpu.memref_slice %arg4[%add3A_42] : memref<320000xi32, #tpu.memory_space<hbm>> -> memref<80xi32, #tpu.memory_space<hbm>>
      %dma_wait3A_52 = tpu.memref_slice %arg4[%add3A_42] : memref<320000xi32, #tpu.memory_space<hbm>> -> memref<80xi32, #tpu.memory_space<hbm>>
      tpu.wait_dma2 semaphore(%arg14 : memref<!tpu.dma_semaphore, #tpu.memory_space<semaphore_mem>>) src(%dma_wait3A_52 : memref<80xi32, #tpu.memory_space<hbm>>) dst(%arg9 : memref<80xi32, #tpu.memory_space<vmem>>)
      %dma_wait3A_53 = tpu.memref_slice %arg5[%add3A_42] : memref<320000xf32, #tpu.memory_space<hbm>> -> memref<80xf32, #tpu.memory_space<hbm>>
      %dma_wait3A_54 = tpu.memref_slice %arg5[%add3A_42] : memref<320000xf32, #tpu.memory_space<hbm>> -> memref<80xf32, #tpu.memory_space<hbm>>
      tpu.wait_dma2 semaphore(%arg14 : memref<!tpu.dma_semaphore, #tpu.memory_space<semaphore_mem>>) src(%dma_wait3A_54 : memref<80xf32, #tpu.memory_space<hbm>>) dst(%arg10 : memref<80xf32, #tpu.memory_space<vmem>>)
      %dma_wait3A_55 = tpu.memref_slice %arg6[%add3A_42] : memref<320000xf32, #tpu.memory_space<hbm>> -> memref<80xf32, #tpu.memory_space<hbm>>
      %dma_wait3A_56 = tpu.memref_slice %arg6[%add3A_42] : memref<320000xf32, #tpu.memory_space<hbm>> -> memref<80xf32, #tpu.memory_space<hbm>>
      tpu.wait_dma2 semaphore(%arg14 : memref<!tpu.dma_semaphore, #tpu.memory_space<semaphore_mem>>) src(%dma_wait3A_56 : memref<80xf32, #tpu.memory_space<hbm>>) dst(%arg11 : memref<80xf32, #tpu.memory_space<vmem>>)
      %dma_start3A_57 = arith.constant 0 : i32
      %dma_start3A_58 = arith.constant 0 : i32
      %dma_start3A_59 = tpu.memref_slice %arg2[%dma_start3A_57, %dma_start3A_58] : memref<10000x128xf32, #tpu.memory_space<hbm>> -> memref<10000x128xf32, #tpu.memory_space<hbm>>
      tpu.enqueue_indirect_dma source(%dma_start3A_59 : memref<10000x128xf32, #tpu.memory_space<hbm>>) target(%arg12 : memref<80x128xf32, #tpu.memory_space<vmem>>) offsets(%arg8 : memref<80xi32, #tpu.memory_space<vmem>>) semaphore(%arg14 : memref<!tpu.dma_semaphore, #tpu.memory_space<semaphore_mem>>)
      %dma_wait3A_60 = arith.constant 0 : i32
      %dma_wait3A_61 = arith.constant 0 : i32
      %dma_wait3A_62 = tpu.memref_slice %arg2[%dma_wait3A_60, %dma_wait3A_61] : memref<10000x128xf32, #tpu.memory_space<hbm>> -> memref<10000x128xf32, #tpu.memory_space<hbm>>
      tpu.wait_indirect_dma semaphore(%arg14 : memref<!tpu.dma_semaphore, #tpu.memory_space<semaphore_mem>>) src(%dma_wait3A_62 : memref<10000x128xf32, #tpu.memory_space<hbm>>) dst(%arg12 : memref<80x128xf32, #tpu.memory_space<vmem>>)
      %parallel_loop3A = arith.constant 0 : i32
      %parallel_loop3A_63 = arith.constant 80 : i32
      %parallel_loop3A_64 = arith.constant 1 : i32
      scf.for %parallel_loop3A_65 = %parallel_loop3A to %parallel_loop3A_63 step %parallel_loop3A_64  : i32 {
        %parallel_loop3A_66 = vector.broadcast %parallel_loop3A_65 : i32 to vector<16xi32>
        %parallel_loop3A_67 = tpu.vector_load_idx %arg10[%parallel_loop3A_66] : memref<80xf32, #tpu.memory_space<vmem>>[vector<16xi32>], vector<16xf32>,
        %parallel_loop3A_68 = tpu.vector_load_idx %arg11[%parallel_loop3A_66] : memref<80xf32, #tpu.memory_space<vmem>>[vector<16xi32>], vector<16xf32>,
        %parallel_loop3A_69 = arith.index_cast %parallel_loop3A_65 : i32 to index
        %parallel_loop3A_70 = arith.constant 0 : index
        %parallel_loop3A_71 = tpu.vector_load %arg12[%parallel_loop3A_69, %parallel_loop3A_70] {strides = array<i32>} : memref<80x128xf32, #tpu.memory_space<vmem>>, vector<16xf32>,
        %parallel_loop3A_72 = arith.mulf %parallel_loop3A_71, %parallel_loop3A_67 : vector<16xf32>
        %parallel_loop3A_73 = arith.index_cast %parallel_loop3A_65 : i32 to index
        %parallel_loop3A_74 = arith.constant 0 : index
        %parallel_loop3A_75 = tpu.vector_load %arg12[%parallel_loop3A_73, %parallel_loop3A_74] {strides = array<i32>} : memref<80x128xf32, #tpu.memory_space<vmem>>, vector<16xf32>,
        tpu.vector_store %arg12[%parallel_loop3A_73, %parallel_loop3A_74], %parallel_loop3A_72 {strides = array<i32>} : memref<80x128xf32, #tpu.memory_space<vmem>>, vector<16xf32>,
        %parallel_loop3A_76 = arith.index_cast %parallel_loop3A_65 : i32 to index
        %parallel_loop3A_77 = arith.constant 16 : index
        %parallel_loop3A_78 = tpu.vector_load %arg12[%parallel_loop3A_76, %parallel_loop3A_77] {strides = array<i32>} : memref<80x128xf32, #tpu.memory_space<vmem>>, vector<16xf32>,
        %parallel_loop3A_79 = arith.mulf %parallel_loop3A_78, %parallel_loop3A_67 : vector<16xf32>
        %parallel_loop3A_80 = arith.index_cast %parallel_loop3A_65 : i32 to index
        %parallel_loop3A_81 = arith.constant 16 : index
        %parallel_loop3A_82 = tpu.vector_load %arg12[%parallel_loop3A_80, %parallel_loop3A_81] {strides = array<i32>} : memref<80x128xf32, #tpu.memory_space<vmem>>, vector<16xf32>,
        tpu.vector_store %arg12[%parallel_loop3A_80, %parallel_loop3A_81], %parallel_loop3A_79 {strides = array<i32>} : memref<80x128xf32, #tpu.memory_space<vmem>>, vector<16xf32>,
        %parallel_loop3A_83 = arith.index_cast %parallel_loop3A_65 : i32 to index
        %parallel_loop3A_84 = arith.constant 32 : index
        %parallel_loop3A_85 = tpu.vector_load %arg12[%parallel_loop3A_83, %parallel_loop3A_84] {strides = array<i32>} : memref<80x128xf32, #tpu.memory_space<vmem>>, vector<16xf32>,
        %parallel_loop3A_86 = arith.mulf %parallel_loop3A_85, %parallel_loop3A_67 : vector<16xf32>
        %parallel_loop3A_87 = arith.index_cast %parallel_loop3A_65 : i32 to index
        %parallel_loop3A_88 = arith.constant 32 : index
        %parallel_loop3A_89 = tpu.vector_load %arg12[%parallel_loop3A_87, %parallel_loop3A_88] {strides = array<i32>} : memref<80x128xf32, #tpu.memory_space<vmem>>, vector<16xf32>,
        tpu.vector_store %arg12[%parallel_loop3A_87, %parallel_loop3A_88], %parallel_loop3A_86 {strides = array<i32>} : memref<80x128xf32, #tpu.memory_space<vmem>>, vector<16xf32>,
        %parallel_loop3A_90 = arith.index_cast %parallel_loop3A_65 : i32 to index
        %parallel_loop3A_91 = arith.constant 48 : index
        %parallel_loop3A_92 = tpu.vector_load %arg12[%parallel_loop3A_90, %parallel_loop3A_91] {strides = array<i32>} : memref<80x128xf32, #tpu.memory_space<vmem>>, vector<16xf32>,
        %parallel_loop3A_93 = arith.mulf %parallel_loop3A_92, %parallel_loop3A_67 : vector<16xf32>
        %parallel_loop3A_94 = arith.index_cast %parallel_loop3A_65 : i32 to index
        %parallel_loop3A_95 = arith.constant 48 : index
        %parallel_loop3A_96 = tpu.vector_load %arg12[%parallel_loop3A_94, %parallel_loop3A_95] {strides = array<i32>} : memref<80x128xf32, #tpu.memory_space<vmem>>, vector<16xf32>,
        tpu.vector_store %arg12[%parallel_loop3A_94, %parallel_loop3A_95], %parallel_loop3A_93 {strides = array<i32>} : memref<80x128xf32, #tpu.memory_space<vmem>>, vector<16xf32>,
        %parallel_loop3A_97 = arith.index_cast %parallel_loop3A_65 : i32 to index
        %parallel_loop3A_98 = arith.constant 64 : index
        %parallel_loop3A_99 = tpu.vector_load %arg12[%parallel_loop3A_97, %parallel_loop3A_98] {strides = array<i32>} : memref<80x128xf32, #tpu.memory_space<vmem>>, vector<16xf32>,
        %parallel_loop3A_100 = arith.mulf %parallel_loop3A_99, %parallel_loop3A_68 : vector<16xf32>
        %parallel_loop3A_101 = arith.index_cast %parallel_loop3A_65 : i32 to index
        %parallel_loop3A_102 = arith.constant 64 : index
        %parallel_loop3A_103 = tpu.vector_load %arg12[%parallel_loop3A_101, %parallel_loop3A_102] {strides = array<i32>} : memref<80x128xf32, #tpu.memory_space<vmem>>, vector<16xf32>,
        tpu.vector_store %arg12[%parallel_loop3A_101, %parallel_loop3A_102], %parallel_loop3A_100 {strides = array<i32>} : memref<80x128xf32, #tpu.memory_space<vmem>>, vector<16xf32>,
        %parallel_loop3A_104 = arith.index_cast %parallel_loop3A_65 : i32 to index
        %parallel_loop3A_105 = arith.constant 80 : index
        %parallel_loop3A_106 = tpu.vector_load %arg12[%parallel_loop3A_104, %parallel_loop3A_105] {strides = array<i32>} : memref<80x128xf32, #tpu.memory_space<vmem>>, vector<16xf32>,
        %parallel_loop3A_107 = arith.mulf %parallel_loop3A_106, %parallel_loop3A_68 : vector<16xf32>
        %parallel_loop3A_108 = arith.index_cast %parallel_loop3A_65 : i32 to index
        %parallel_loop3A_109 = arith.constant 80 : index
        %parallel_loop3A_110 = tpu.vector_load %arg12[%parallel_loop3A_108, %parallel_loop3A_109] {strides = array<i32>} : memref<80x128xf32, #tpu.memory_space<vmem>>, vector<16xf32>,
        tpu.vector_store %arg12[%parallel_loop3A_108, %parallel_loop3A_109], %parallel_loop3A_107 {strides = array<i32>} : memref<80x128xf32, #tpu.memory_space<vmem>>, vector<16xf32>,
        %parallel_loop3A_111 = arith.index_cast %parallel_loop3A_65 : i32 to index
        %parallel_loop3A_112 = arith.constant 96 : index
        %parallel_loop3A_113 = tpu.vector_load %arg12[%parallel_loop3A_111, %parallel_loop3A_112] {strides = array<i32>} : memref<80x128xf32, #tpu.memory_space<vmem>>, vector<16xf32>,
        %parallel_loop3A_114 = arith.mulf %parallel_loop3A_113, %parallel_loop3A_68 : vector<16xf32>
        %parallel_loop3A_115 = arith.index_cast %parallel_loop3A_65 : i32 to index
        %parallel_loop3A_116 = arith.constant 96 : index
        %parallel_loop3A_117 = tpu.vector_load %arg12[%parallel_loop3A_115, %parallel_loop3A_116] {strides = array<i32>} : memref<80x128xf32, #tpu.memory_space<vmem>>, vector<16xf32>,
        tpu.vector_store %arg12[%parallel_loop3A_115, %parallel_loop3A_116], %parallel_loop3A_114 {strides = array<i32>} : memref<80x128xf32, #tpu.memory_space<vmem>>, vector<16xf32>,
        %parallel_loop3A_118 = arith.index_cast %parallel_loop3A_65 : i32 to index
        %parallel_loop3A_119 = arith.constant 112 : index
        %parallel_loop3A_120 = tpu.vector_load %arg12[%parallel_loop3A_118, %parallel_loop3A_119] {strides = array<i32>} : memref<80x128xf32, #tpu.memory_space<vmem>>, vector<16xf32>,
        %parallel_loop3A_121 = arith.mulf %parallel_loop3A_120, %parallel_loop3A_68 : vector<16xf32>
        %parallel_loop3A_122 = arith.index_cast %parallel_loop3A_65 : i32 to index
        %parallel_loop3A_123 = arith.constant 112 : index
        %parallel_loop3A_124 = tpu.vector_load %arg12[%parallel_loop3A_122, %parallel_loop3A_123] {strides = array<i32>} : memref<80x128xf32, #tpu.memory_space<vmem>>, vector<16xf32>,
        tpu.vector_store %arg12[%parallel_loop3A_122, %parallel_loop3A_123], %parallel_loop3A_121 {strides = array<i32>} : memref<80x128xf32, #tpu.memory_space<vmem>>, vector<16xf32>,
      } {sc.loop_unroll_factor = 4 : i64, sc.parallel_access}
      "tpu.region"() ({
        %run_scoped3A = tpu.sem_alloc : memref<!tpu.dma_semaphore, #tpu.memory_space<semaphore_mem>>
        %dma_start3A_65 = arith.constant 0 : i32
        %dma_start3A_66 = arith.constant 0 : i32
        %dma_start3A_67 = tpu.memref_slice %arg13[%dma_start3A_65, %dma_start3A_66] : memref<10240x128xf32, #tpu.memory_space<vmem_shared>> -> memref<10240x128xf32, #tpu.memory_space<vmem_shared>>
        tpu.enqueue_indirect_dma source(%arg12 : memref<80x128xf32, #tpu.memory_space<vmem>>) target(%dma_start3A_67 : memref<10240x128xf32, #tpu.memory_space<vmem_shared>>) offsets(%arg9 : memref<80xi32, #tpu.memory_space<vmem>>) semaphore(%run_scoped3A : memref<!tpu.dma_semaphore, #tpu.memory_space<semaphore_mem>>) {add = true}
        %dma_wait3A_68 = arith.constant 0 : i32
        %dma_wait3A_69 = arith.constant 0 : i32
        %dma_wait3A_70 = tpu.memref_slice %arg13[%dma_wait3A_68, %dma_wait3A_69] : memref<10240x128xf32, #tpu.memory_space<vmem_shared>> -> memref<10240x128xf32, #tpu.memory_space<vmem_shared>>
        tpu.wait_indirect_dma semaphore(%run_scoped3A : memref<!tpu.dma_semaphore, #tpu.memory_space<semaphore_mem>>) src(%arg12 : memref<80x128xf32, #tpu.memory_space<vmem>>) dst(%dma_wait3A_70 : memref<10240x128xf32, #tpu.memory_space<vmem_shared>>)
        tpu.yield
      }) : () -> ()
    }
    %scan3A_30 = arith.constant 125 : i32
    %barrier3A_31 = arith.constant 0 : index
    tpu.barrier barrier_id(%barrier3A_31)
    %mul3A_32 = arith.constant 10240 : i32
    %mul3A_33 = arith.muli %arg0, %mul3A_32 : i32
    %add3A_34 = arith.addi %mul3A_33, %mul3A_9 : i32
    "tpu.region"() ({
      %run_scoped3A = tpu.sem_alloc : memref<!tpu.dma_semaphore, #tpu.memory_space<semaphore_mem>>
      %dma_start3A = arith.constant 0 : i32
      %dma_start3A_35 = tpu.memref_slice %arg7[%add3A_34, %dma_start3A] : memref<20480x128xf32, #tpu.memory_space<hbm>> -> memref<640x128xf32, #tpu.memory_space<hbm>>
      %dma_start3A_36 = arith.constant 0 : i32
      %dma_start3A_37 = tpu.memref_slice %arg13[%mul3A_9, %dma_start3A_36] : memref<10240x128xf32, #tpu.memory_space<vmem_shared>> -> memref<640x128xf32, #tpu.memory_space<vmem_shared>>
      tpu.enqueue_dma source(%dma_start3A_37 : memref<640x128xf32, #tpu.memory_space<vmem_shared>>) target(%dma_start3A_35 : memref<640x128xf32, #tpu.memory_space<hbm>>) target_semaphore(%run_scoped3A : memref<!tpu.dma_semaphore, #tpu.memory_space<semaphore_mem>>)
      %dma_wait3A = arith.constant 0 : i32
      %dma_wait3A_38 = tpu.memref_slice %arg7[%add3A_34, %dma_wait3A] : memref<20480x128xf32, #tpu.memory_space<hbm>> -> memref<640x128xf32, #tpu.memory_space<hbm>>
      %dma_wait3A_39 = arith.constant 0 : i32
      %dma_wait3A_40 = tpu.memref_slice %arg13[%mul3A_9, %dma_wait3A_39] : memref<10240x128xf32, #tpu.memory_space<vmem_shared>> -> memref<640x128xf32, #tpu.memory_space<vmem_shared>>
      tpu.wait_dma2 semaphore(%run_scoped3A : memref<!tpu.dma_semaphore, #tpu.memory_space<semaphore_mem>>) src(%dma_wait3A_40 : memref<640x128xf32, #tpu.memory_space<vmem_shared>>) dst(%dma_wait3A_38 : memref<640x128xf32, #tpu.memory_space<hbm>>)
      tpu.yield
    }) : () -> ()
    return
  }
}

module attributes {stable_mosaic.version = 14 : i64} {
  func.func @_tc_prep_body(%arg0: memref<10000x128xf32, #tpu.memory_space<vmem>>, %arg1: memref<10000x128xf32, #tpu.memory_space<vmem>>, %arg2: memref<128x64xf32, #tpu.memory_space<vmem>>, %arg3: memref<1x64xf32, #tpu.memory_space<vmem>>, %arg4: memref<1x64xf32, #tpu.memory_space<vmem>>, %arg5: memref<10000x128xf32, #tpu.memory_space<vmem>>, %arg6: memref<4x10000xf32, #tpu.memory_space<vmem>>, %arg7: memref<32xf32, #tpu.memory_space<vmem>>) attributes {dimension_semantics = [], scalar_prefetch = 0 : i64, scratch_operands = 0 : i64, tpu.core_type = #tpu.core_type<tc>} {
    %get3A = arith.constant 0 : index
    %get3A_0 = arith.constant 0 : index
    %get3A_1 = vector.load %arg2[%get3A, %get3A_0] : memref<128x64xf32, #tpu.memory_space<vmem>>, vector<128x64xf32>
    %get3A_2 = arith.constant 0 : index
    %get3A_3 = arith.constant 0 : index
    %get3A_4 = vector.load %arg0[%get3A_2, %get3A_3] : memref<10000x128xf32, #tpu.memory_space<vmem>>, vector<10000x128xf32>
    %dot_general3A = arith.constant dense<0.000000e+00> : vector<10000x64xf32>
    %dot_general3A_5 = tpu.matmul %get3A_4, %get3A_1, %dot_general3A {dimension_numbers = #tpu.dot_dimension_numbers<[1], [0], [0], [1], [0, 0, 1, 1], [], []>, transpose_lhs_hint = false} : vector<10000x128xf32>, vector<128x64xf32>, vector<10000x64xf32> -> vector<10000x64xf32>
    %get3A_6 = arith.constant 0 : index
    %get3A_7 = arith.constant 0 : index
    %get3A_8 = vector.load %arg1[%get3A_6, %get3A_7] : memref<10000x128xf32, #tpu.memory_space<vmem>>, vector<10000x128xf32>
    %dot_general3A_9 = arith.constant dense<0.000000e+00> : vector<10000x64xf32>
    %dot_general3A_10 = tpu.matmul %get3A_8, %get3A_1, %dot_general3A_9 {dimension_numbers = #tpu.dot_dimension_numbers<[1], [0], [0], [1], [0, 0, 1, 1], [], []>, transpose_lhs_hint = false} : vector<10000x128xf32>, vector<128x64xf32>, vector<10000x64xf32> -> vector<10000x64xf32>
    %get3A_11 = arith.constant 0 : index
    %get3A_12 = arith.constant 0 : index
    %get3A_13 = vector.load %arg3[%get3A_11, %get3A_12] : memref<1x64xf32, #tpu.memory_space<vmem>>, vector<1x64xf32>
    %get3A_14 = arith.constant 0 : index
    %get3A_15 = arith.constant 0 : index
    %get3A_16 = vector.load %arg4[%get3A_14, %get3A_15] : memref<1x64xf32, #tpu.memory_space<vmem>>, vector<1x64xf32>
    %mul3A = vector.broadcast %get3A_13 : vector<1x64xf32> to vector<10000x64xf32>
    %mul3A_17 = arith.mulf %dot_general3A_5, %mul3A : vector<10000x64xf32>
    %reduce_sum3A = arith.constant dense<0.000000e+00> : vector<10000xf32>
    %reduce_sum3A_18 = vector.multi_reduction <add>, %mul3A_17, %reduce_sum3A [1] : vector<10000x64xf32> to vector<10000xf32>
    %mul3A_19 = vector.broadcast %get3A_16 : vector<1x64xf32> to vector<10000x64xf32>
    %mul3A_20 = arith.mulf %dot_general3A_5, %mul3A_19 : vector<10000x64xf32>
    %reduce_sum3A_21 = arith.constant dense<0.000000e+00> : vector<10000xf32>
    %reduce_sum3A_22 = vector.multi_reduction <add>, %mul3A_20, %reduce_sum3A_21 [1] : vector<10000x64xf32> to vector<10000xf32>
    %reduce_max3A = vector.shape_cast %reduce_sum3A_18 : vector<10000xf32> to vector<1x10000xf32>
    %reduce_max3A_23 = arith.constant dense<0xFF800000> : vector<1xf32>
    %reduce_max3A_24 = vector.multi_reduction <maximumf>, %reduce_max3A, %reduce_max3A_23 [1] : vector<1x10000xf32> to vector<1xf32>
    %reduce_max3A_25 = vector.shape_cast %reduce_max3A_24 : vector<1xf32> to vector<1x1xf32>
    %reduce_max3A_26 = vector.extract %reduce_max3A_25[0, 0] : f32 from vector<1x1xf32>
    %reduce_max3A_27 = vector.shape_cast %reduce_sum3A_22 : vector<10000xf32> to vector<1x10000xf32>
    %reduce_max3A_28 = arith.constant dense<0xFF800000> : vector<1xf32>
    %reduce_max3A_29 = vector.multi_reduction <maximumf>, %reduce_max3A_27, %reduce_max3A_28 [1] : vector<1x10000xf32> to vector<1xf32>
    %reduce_max3A_30 = vector.shape_cast %reduce_max3A_29 : vector<1xf32> to vector<1x1xf32>
    %reduce_max3A_31 = vector.extract %reduce_max3A_30[0, 0] : f32 from vector<1x1xf32>
    %add3A = arith.addf %reduce_max3A_26, %reduce_max3A_31 : f32
    %mul3A_32 = arith.constant 2.000000e-01 : f32
    %mul3A_33 = arith.mulf %mul3A_32, %add3A : f32
    %max3A = arith.maximumf %add3A, %mul3A_33 : f32
    %get3A_34 = arith.constant 0 : index
    %get3A_35 = arith.constant 0 : index
    %get3A_36 = vector.load %arg3[%get3A_34, %get3A_35] : memref<1x64xf32, #tpu.memory_space<vmem>>, vector<1x64xf32>
    %get3A_37 = arith.constant 0 : index
    %get3A_38 = arith.constant 0 : index
    %get3A_39 = vector.load %arg4[%get3A_37, %get3A_38] : memref<1x64xf32, #tpu.memory_space<vmem>>, vector<1x64xf32>
    %mul3A_40 = vector.broadcast %get3A_36 : vector<1x64xf32> to vector<10000x64xf32>
    %mul3A_41 = arith.mulf %dot_general3A_10, %mul3A_40 : vector<10000x64xf32>
    %reduce_sum3A_42 = arith.constant dense<0.000000e+00> : vector<10000xf32>
    %reduce_sum3A_43 = vector.multi_reduction <add>, %mul3A_41, %reduce_sum3A_42 [1] : vector<10000x64xf32> to vector<10000xf32>
    %mul3A_44 = vector.broadcast %get3A_39 : vector<1x64xf32> to vector<10000x64xf32>
    %mul3A_45 = arith.mulf %dot_general3A_10, %mul3A_44 : vector<10000x64xf32>
    %reduce_sum3A_46 = arith.constant dense<0.000000e+00> : vector<10000xf32>
    %reduce_sum3A_47 = vector.multi_reduction <add>, %mul3A_45, %reduce_sum3A_46 [1] : vector<10000x64xf32> to vector<10000xf32>
    %reduce_max3A_48 = vector.shape_cast %reduce_sum3A_43 : vector<10000xf32> to vector<1x10000xf32>
    %reduce_max3A_49 = arith.constant dense<0xFF800000> : vector<1xf32>
    %reduce_max3A_50 = vector.multi_reduction <maximumf>, %reduce_max3A_48, %reduce_max3A_49 [1] : vector<1x10000xf32> to vector<1xf32>
    %reduce_max3A_51 = vector.shape_cast %reduce_max3A_50 : vector<1xf32> to vector<1x1xf32>
    %reduce_max3A_52 = vector.extract %reduce_max3A_51[0, 0] : f32 from vector<1x1xf32>
    %reduce_max3A_53 = vector.shape_cast %reduce_sum3A_47 : vector<10000xf32> to vector<1x10000xf32>
    %reduce_max3A_54 = arith.constant dense<0xFF800000> : vector<1xf32>
    %reduce_max3A_55 = vector.multi_reduction <maximumf>, %reduce_max3A_53, %reduce_max3A_54 [1] : vector<1x10000xf32> to vector<1xf32>
    %reduce_max3A_56 = vector.shape_cast %reduce_max3A_55 : vector<1xf32> to vector<1x1xf32>
    %reduce_max3A_57 = vector.extract %reduce_max3A_56[0, 0] : f32 from vector<1x1xf32>
    %add3A_58 = arith.addf %reduce_max3A_52, %reduce_max3A_57 : f32
    %mul3A_59 = arith.constant 2.000000e-01 : f32
    %mul3A_60 = arith.mulf %mul3A_59, %add3A_58 : f32
    %max3A_61 = arith.maximumf %add3A_58, %mul3A_60 : f32
    %concatenate3A = tpu.concatenate %dot_general3A_5, %dot_general3A_10 in 1 : vector<10000x64xf32>, vector<10000x64xf32> -> vector<10000x128xf32>
    %swap3A = arith.constant 0 : index
    %swap3A_62 = arith.constant 0 : index
    %swap3A_63 = vector.load %arg5[%swap3A, %swap3A_62] : memref<10000x128xf32, #tpu.memory_space<vmem>>, vector<10000x128xf32>
    tpu.vector_store %arg5[%swap3A, %swap3A_62], %concatenate3A {strides = array<i32>} : memref<10000x128xf32, #tpu.memory_space<vmem>>, vector<10000x128xf32>,
    %broadcast_in_dim3A = vector.shape_cast %reduce_sum3A_18 : vector<10000xf32> to vector<1x10000xf32>
    %broadcast_in_dim3A_64 = vector.shape_cast %reduce_sum3A_22 : vector<10000xf32> to vector<1x10000xf32>
    %broadcast_in_dim3A_65 = vector.shape_cast %reduce_sum3A_43 : vector<10000xf32> to vector<1x10000xf32>
    %broadcast_in_dim3A_66 = vector.shape_cast %reduce_sum3A_47 : vector<10000xf32> to vector<1x10000xf32>
    %concatenate3A_67 = tpu.concatenate %broadcast_in_dim3A, %broadcast_in_dim3A_64, %broadcast_in_dim3A_65, %broadcast_in_dim3A_66 in 0 : vector<1x10000xf32>, vector<1x10000xf32>, vector<1x10000xf32>, vector<1x10000xf32> -> vector<4x10000xf32>
    %swap3A_68 = arith.constant 0 : index
    %swap3A_69 = arith.constant 0 : index
    %swap3A_70 = vector.load %arg6[%swap3A_68, %swap3A_69] : memref<4x10000xf32, #tpu.memory_space<vmem>>, vector<4x10000xf32>
    tpu.vector_store %arg6[%swap3A_68, %swap3A_69], %concatenate3A_67 {strides = array<i32>} : memref<4x10000xf32, #tpu.memory_space<vmem>>, vector<4x10000xf32>,
    %broadcast_in_dim3A_71 = vector.broadcast %max3A : f32 to vector<16xf32>
    %broadcast_in_dim3A_72 = vector.broadcast %max3A_61 : f32 to vector<16xf32>
    %concatenate3A_73 = tpu.concatenate %broadcast_in_dim3A_71, %broadcast_in_dim3A_72 in 0 : vector<16xf32>, vector<16xf32> -> vector<32xf32>
    %swap3A_74 = arith.constant 0 : index
    %swap3A_75 = vector.load %arg7[%swap3A_74] : memref<32xf32, #tpu.memory_space<vmem>>, vector<32xf32>
    tpu.vector_store %arg7[%swap3A_74], %concatenate3A_73 {strides = array<i32>} : memref<32xf32, #tpu.memory_space<vmem>>, vector<32xf32>,
    return
  }
}

module attributes {stable_mosaic.version = 14 : i64} {
  func.func @_tc_mid_body(%arg0: memref<2x10240x128xf32, #tpu.memory_space<vmem>>, %arg1: memref<32x2x10240xf32, #tpu.memory_space<vmem>>, %arg2: memref<64x32xf32, #tpu.memory_space<vmem>>, %arg3: memref<1x64xf32, #tpu.memory_space<vmem>>, %arg4: memref<1x64xf32, #tpu.memory_space<vmem>>, %arg5: memref<10000x32xf32, #tpu.memory_space<vmem>>, %arg6: memref<10000x32xf32, #tpu.memory_space<vmem>>, %arg7: memref<10000x128xf32, #tpu.memory_space<vmem>>, %arg8: memref<4x10000xf32, #tpu.memory_space<vmem>>, %arg9: memref<32xf32, #tpu.memory_space<vmem>>, %arg10: memref<32xf32, #tpu.memory_space<vmem>>) attributes {dimension_semantics = [], scalar_prefetch = 0 : i64, scratch_operands = 0 : i64, tpu.core_type = #tpu.core_type<tc>} {
    %get3A = arith.constant 0 : index
    %get3A_0 = arith.constant 0 : index
    %get3A_1 = arith.constant 0 : index
    %get3A_2 = vector.load %arg0[%get3A, %get3A_0, %get3A_1] : memref<2x10240x128xf32, #tpu.memory_space<vmem>>, vector<2x10240x128xf32>
    %reduce_sum3A = arith.constant dense<0.000000e+00> : vector<10240x128xf32>
    %reduce_sum3A_3 = vector.multi_reduction <add>, %get3A_2, %reduce_sum3A [0] : vector<2x10240x128xf32> to vector<10240x128xf32>
    %slice3A = vector.extract_strided_slice %reduce_sum3A_3 {offsets = [0, 0], sizes = [10000, 128], strides = [1, 1]} : vector<10240x128xf32> to vector<10000x128xf32>
    %get3A_4 = arith.constant 0 : index
    %get3A_5 = arith.constant 0 : index
    %get3A_6 = arith.constant 0 : index
    %get3A_7 = vector.load %arg1[%get3A_4, %get3A_5, %get3A_6] : memref<32x2x10240xf32, #tpu.memory_space<vmem>>, vector<32x2x10240xf32>
    %reduce_sum3A_8 = arith.constant dense<0.000000e+00> : vector<2x10240xf32>
    %reduce_sum3A_9 = vector.multi_reduction <add>, %get3A_7, %reduce_sum3A_8 [0] : vector<32x2x10240xf32> to vector<2x10240xf32>
    %slice3A_10 = vector.extract_strided_slice %slice3A {offsets = [0, 0], sizes = [10000, 64], strides = [1, 1]} : vector<10000x128xf32> to vector<10000x64xf32>
    %slice3A_11 = vector.extract_strided_slice %reduce_sum3A_9 {offsets = [0, 0], sizes = [1, 10240], strides = [1, 1]} : vector<2x10240xf32> to vector<1x10240xf32>
    %squeeze3A = vector.shape_cast %slice3A_11 : vector<1x10240xf32> to vector<10240xf32>
    %slice3A_12 = vector.extract_strided_slice %squeeze3A {offsets = [0], sizes = [10000], strides = [1]} : vector<10240xf32> to vector<10000xf32>
    %broadcast_in_dim3A = vector.shape_cast %slice3A_12 : vector<10000xf32> to vector<10000x1xf32>
    %add3A = arith.constant 1.000000e-16 : f32
    %add3A_13 = vector.broadcast %add3A : f32 to vector<10000x1xf32>
    %add3A_14 = arith.addf %broadcast_in_dim3A, %add3A_13 : vector<10000x1xf32>
    %div3A = vector.broadcast %add3A_14 : vector<10000x1xf32> to vector<10000x64xf32>
    %div3A_15 = arith.divf %slice3A_10, %div3A : vector<10000x64xf32>
    %gt3A = arith.constant 0.000000e+00 : f32
    %gt3A_16 = vector.broadcast %gt3A : f32 to vector<10000x64xf32>
    %gt3A_17 = arith.cmpf ogt, %div3A_15, %gt3A_16 : vector<10000x64xf32>
    %min3A = arith.constant 0.000000e+00 : f32
    %min3A_18 = vector.broadcast %min3A : f32 to vector<10000x64xf32>
    %min3A_19 = arith.minimumf %div3A_15, %min3A_18 : vector<10000x64xf32>
    %exp3A = math.exp %min3A_19 : vector<10000x64xf32>
    %sub3A = arith.constant 1.000000e+00 : f32
    %sub3A_20 = vector.broadcast %sub3A : f32 to vector<10000x64xf32>
    %sub3A_21 = arith.subf %exp3A, %sub3A_20 : vector<10000x64xf32>
    %select_n3A = arith.select %gt3A_17, %div3A_15, %sub3A_21 : vector<10000x64xi1>, vector<10000x64xf32>
    %slice3A_22 = vector.extract_strided_slice %slice3A {offsets = [0, 64], sizes = [10000, 64], strides = [1, 1]} : vector<10000x128xf32> to vector<10000x64xf32>
    %slice3A_23 = vector.extract_strided_slice %reduce_sum3A_9 {offsets = [1, 0], sizes = [1, 10240], strides = [1, 1]} : vector<2x10240xf32> to vector<1x10240xf32>
    %squeeze3A_24 = vector.shape_cast %slice3A_23 : vector<1x10240xf32> to vector<10240xf32>
    %slice3A_25 = vector.extract_strided_slice %squeeze3A_24 {offsets = [0], sizes = [10000], strides = [1]} : vector<10240xf32> to vector<10000xf32>
    %broadcast_in_dim3A_26 = vector.shape_cast %slice3A_25 : vector<10000xf32> to vector<10000x1xf32>
    %add3A_27 = arith.constant 1.000000e-16 : f32
    %add3A_28 = vector.broadcast %add3A_27 : f32 to vector<10000x1xf32>
    %add3A_29 = arith.addf %broadcast_in_dim3A_26, %add3A_28 : vector<10000x1xf32>
    %div3A_30 = vector.broadcast %add3A_29 : vector<10000x1xf32> to vector<10000x64xf32>
    %div3A_31 = arith.divf %slice3A_22, %div3A_30 : vector<10000x64xf32>
    %gt3A_32 = arith.constant 0.000000e+00 : f32
    %gt3A_33 = vector.broadcast %gt3A_32 : f32 to vector<10000x64xf32>
    %gt3A_34 = arith.cmpf ogt, %div3A_31, %gt3A_33 : vector<10000x64xf32>
    %min3A_35 = arith.constant 0.000000e+00 : f32
    %min3A_36 = vector.broadcast %min3A_35 : f32 to vector<10000x64xf32>
    %min3A_37 = arith.minimumf %div3A_31, %min3A_36 : vector<10000x64xf32>
    %exp3A_38 = math.exp %min3A_37 : vector<10000x64xf32>
    %sub3A_39 = arith.constant 1.000000e+00 : f32
    %sub3A_40 = vector.broadcast %sub3A_39 : f32 to vector<10000x64xf32>
    %sub3A_41 = arith.subf %exp3A_38, %sub3A_40 : vector<10000x64xf32>
    %select_n3A_42 = arith.select %gt3A_34, %div3A_31, %sub3A_41 : vector<10000x64xi1>, vector<10000x64xf32>
    %get3A_43 = arith.constant 0 : index
    %get3A_44 = arith.constant 0 : index
    %get3A_45 = vector.load %arg2[%get3A_43, %get3A_44] : memref<64x32xf32, #tpu.memory_space<vmem>>, vector<64x32xf32>
    %dot_general3A = arith.constant dense<0.000000e+00> : vector<10000x32xf32>
    %dot_general3A_46 = tpu.matmul %select_n3A, %get3A_45, %dot_general3A {dimension_numbers = #tpu.dot_dimension_numbers<[1], [0], [0], [1], [0, 0, 1, 1], [], []>, transpose_lhs_hint = false} : vector<10000x64xf32>, vector<64x32xf32>, vector<10000x32xf32> -> vector<10000x32xf32>
    %dot_general3A_47 = arith.constant dense<0.000000e+00> : vector<10000x32xf32>
    %dot_general3A_48 = tpu.matmul %select_n3A_42, %get3A_45, %dot_general3A_47 {dimension_numbers = #tpu.dot_dimension_numbers<[1], [0], [0], [1], [0, 0, 1, 1], [], []>, transpose_lhs_hint = false} : vector<10000x64xf32>, vector<64x32xf32>, vector<10000x32xf32> -> vector<10000x32xf32>
    %swap3A = arith.constant 0 : index
    %swap3A_49 = arith.constant 0 : index
    %swap3A_50 = vector.load %arg5[%swap3A, %swap3A_49] : memref<10000x32xf32, #tpu.memory_space<vmem>>, vector<10000x32xf32>
    tpu.vector_store %arg5[%swap3A, %swap3A_49], %dot_general3A_46 {strides = array<i32>} : memref<10000x32xf32, #tpu.memory_space<vmem>>, vector<10000x32xf32>,
    %swap3A_51 = arith.constant 0 : index
    %swap3A_52 = arith.constant 0 : index
    %swap3A_53 = vector.load %arg6[%swap3A_51, %swap3A_52] : memref<10000x32xf32, #tpu.memory_space<vmem>>, vector<10000x32xf32>
    tpu.vector_store %arg6[%swap3A_51, %swap3A_52], %dot_general3A_48 {strides = array<i32>} : memref<10000x32xf32, #tpu.memory_space<vmem>>, vector<10000x32xf32>,
    %dot_general3A_54 = arith.constant dense<0.000000e+00> : vector<10000x64xf32>
    %dot_general3A_55 = tpu.matmul %dot_general3A_46, %get3A_45, %dot_general3A_54 {dimension_numbers = #tpu.dot_dimension_numbers<[1], [1], [0], [0], [0, 0, 1, 0], [], []>, transpose_lhs_hint = false} : vector<10000x32xf32>, vector<64x32xf32>, vector<10000x64xf32> -> vector<10000x64xf32>
    %dot_general3A_56 = arith.constant dense<0.000000e+00> : vector<10000x64xf32>
    %dot_general3A_57 = tpu.matmul %dot_general3A_48, %get3A_45, %dot_general3A_56 {dimension_numbers = #tpu.dot_dimension_numbers<[1], [1], [0], [0], [0, 0, 1, 0], [], []>, transpose_lhs_hint = false} : vector<10000x32xf32>, vector<64x32xf32>, vector<10000x64xf32> -> vector<10000x64xf32>
    %get3A_58 = arith.constant 0 : index
    %get3A_59 = arith.constant 0 : index
    %get3A_60 = vector.load %arg3[%get3A_58, %get3A_59] : memref<1x64xf32, #tpu.memory_space<vmem>>, vector<1x64xf32>
    %get3A_61 = arith.constant 0 : index
    %get3A_62 = arith.constant 0 : index
    %get3A_63 = vector.load %arg4[%get3A_61, %get3A_62] : memref<1x64xf32, #tpu.memory_space<vmem>>, vector<1x64xf32>
    %mul3A = vector.broadcast %get3A_60 : vector<1x64xf32> to vector<10000x64xf32>
    %mul3A_64 = arith.mulf %dot_general3A_55, %mul3A : vector<10000x64xf32>
    %reduce_sum3A_65 = arith.constant dense<0.000000e+00> : vector<10000xf32>
    %reduce_sum3A_66 = vector.multi_reduction <add>, %mul3A_64, %reduce_sum3A_65 [1] : vector<10000x64xf32> to vector<10000xf32>
    %mul3A_67 = vector.broadcast %get3A_63 : vector<1x64xf32> to vector<10000x64xf32>
    %mul3A_68 = arith.mulf %dot_general3A_55, %mul3A_67 : vector<10000x64xf32>
    %reduce_sum3A_69 = arith.constant dense<0.000000e+00> : vector<10000xf32>
    %reduce_sum3A_70 = vector.multi_reduction <add>, %mul3A_68, %reduce_sum3A_69 [1] : vector<10000x64xf32> to vector<10000xf32>
    %reduce_max3A = vector.shape_cast %reduce_sum3A_66 : vector<10000xf32> to vector<1x10000xf32>
    %reduce_max3A_71 = arith.constant dense<0xFF800000> : vector<1xf32>
    %reduce_max3A_72 = vector.multi_reduction <maximumf>, %reduce_max3A, %reduce_max3A_71 [1] : vector<1x10000xf32> to vector<1xf32>
    %reduce_max3A_73 = vector.shape_cast %reduce_max3A_72 : vector<1xf32> to vector<1x1xf32>
    %reduce_max3A_74 = vector.extract %reduce_max3A_73[0, 0] : f32 from vector<1x1xf32>
    %reduce_max3A_75 = vector.shape_cast %reduce_sum3A_70 : vector<10000xf32> to vector<1x10000xf32>
    %reduce_max3A_76 = arith.constant dense<0xFF800000> : vector<1xf32>
    %reduce_max3A_77 = vector.multi_reduction <maximumf>, %reduce_max3A_75, %reduce_max3A_76 [1] : vector<1x10000xf32> to vector<1xf32>
    %reduce_max3A_78 = vector.shape_cast %reduce_max3A_77 : vector<1xf32> to vector<1x1xf32>
    %reduce_max3A_79 = vector.extract %reduce_max3A_78[0, 0] : f32 from vector<1x1xf32>
    %add3A_80 = arith.addf %reduce_max3A_74, %reduce_max3A_79 : f32
    %mul3A_81 = arith.constant 2.000000e-01 : f32
    %mul3A_82 = arith.mulf %mul3A_81, %add3A_80 : f32
    %max3A = arith.maximumf %add3A_80, %mul3A_82 : f32
    %get3A_83 = arith.constant 0 : index
    %get3A_84 = arith.constant 0 : index
    %get3A_85 = vector.load %arg3[%get3A_83, %get3A_84] : memref<1x64xf32, #tpu.memory_space<vmem>>, vector<1x64xf32>
    %get3A_86 = arith.constant 0 : index
    %get3A_87 = arith.constant 0 : index
    %get3A_88 = vector.load %arg4[%get3A_86, %get3A_87] : memref<1x64xf32, #tpu.memory_space<vmem>>, vector<1x64xf32>
    %mul3A_89 = vector.broadcast %get3A_85 : vector<1x64xf32> to vector<10000x64xf32>
    %mul3A_90 = arith.mulf %dot_general3A_57, %mul3A_89 : vector<10000x64xf32>
    %reduce_sum3A_91 = arith.constant dense<0.000000e+00> : vector<10000xf32>
    %reduce_sum3A_92 = vector.multi_reduction <add>, %mul3A_90, %reduce_sum3A_91 [1] : vector<10000x64xf32> to vector<10000xf32>
    %mul3A_93 = vector.broadcast %get3A_88 : vector<1x64xf32> to vector<10000x64xf32>
    %mul3A_94 = arith.mulf %dot_general3A_57, %mul3A_93 : vector<10000x64xf32>
    %reduce_sum3A_95 = arith.constant dense<0.000000e+00> : vector<10000xf32>
    %reduce_sum3A_96 = vector.multi_reduction <add>, %mul3A_94, %reduce_sum3A_95 [1] : vector<10000x64xf32> to vector<10000xf32>
    %reduce_max3A_97 = vector.shape_cast %reduce_sum3A_92 : vector<10000xf32> to vector<1x10000xf32>
    %reduce_max3A_98 = arith.constant dense<0xFF800000> : vector<1xf32>
    %reduce_max3A_99 = vector.multi_reduction <maximumf>, %reduce_max3A_97, %reduce_max3A_98 [1] : vector<1x10000xf32> to vector<1xf32>
    %reduce_max3A_100 = vector.shape_cast %reduce_max3A_99 : vector<1xf32> to vector<1x1xf32>
    %reduce_max3A_101 = vector.extract %reduce_max3A_100[0, 0] : f32 from vector<1x1xf32>
    %reduce_max3A_102 = vector.shape_cast %reduce_sum3A_96 : vector<10000xf32> to vector<1x10000xf32>
    %reduce_max3A_103 = arith.constant dense<0xFF800000> : vector<1xf32>
    %reduce_max3A_104 = vector.multi_reduction <maximumf>, %reduce_max3A_102, %reduce_max3A_103 [1] : vector<1x10000xf32> to vector<1xf32>
    %reduce_max3A_105 = vector.shape_cast %reduce_max3A_104 : vector<1xf32> to vector<1x1xf32>
    %reduce_max3A_106 = vector.extract %reduce_max3A_105[0, 0] : f32 from vector<1x1xf32>
    %add3A_107 = arith.addf %reduce_max3A_101, %reduce_max3A_106 : f32
    %mul3A_108 = arith.constant 2.000000e-01 : f32
    %mul3A_109 = arith.mulf %mul3A_108, %add3A_107 : f32
    %max3A_110 = arith.maximumf %add3A_107, %mul3A_109 : f32
    %concatenate3A = tpu.concatenate %dot_general3A_55, %dot_general3A_57 in 1 : vector<10000x64xf32>, vector<10000x64xf32> -> vector<10000x128xf32>
    %swap3A_111 = arith.constant 0 : index
    %swap3A_112 = arith.constant 0 : index
    %swap3A_113 = vector.load %arg7[%swap3A_111, %swap3A_112] : memref<10000x128xf32, #tpu.memory_space<vmem>>, vector<10000x128xf32>
    tpu.vector_store %arg7[%swap3A_111, %swap3A_112], %concatenate3A {strides = array<i32>} : memref<10000x128xf32, #tpu.memory_space<vmem>>, vector<10000x128xf32>,
    %broadcast_in_dim3A_114 = vector.shape_cast %reduce_sum3A_66 : vector<10000xf32> to vector<1x10000xf32>
    %broadcast_in_dim3A_115 = vector.shape_cast %reduce_sum3A_70 : vector<10000xf32> to vector<1x10000xf32>
    %broadcast_in_dim3A_116 = vector.shape_cast %reduce_sum3A_92 : vector<10000xf32> to vector<1x10000xf32>
    %broadcast_in_dim3A_117 = vector.shape_cast %reduce_sum3A_96 : vector<10000xf32> to vector<1x10000xf32>
    %concatenate3A_118 = tpu.concatenate %broadcast_in_dim3A_114, %broadcast_in_dim3A_115, %broadcast_in_dim3A_116, %broadcast_in_dim3A_117 in 0 : vector<1x10000xf32>, vector<1x10000xf32>, vector<1x10000xf32>, vector<1x10000xf32> -> vector<4x10000xf32>
    %swap3A_119 = arith.constant 0 : index
    %swap3A_120 = arith.constant 0 : index
    %swap3A_121 = vector.load %arg8[%swap3A_119, %swap3A_120] : memref<4x10000xf32, #tpu.memory_space<vmem>>, vector<4x10000xf32>
    tpu.vector_store %arg8[%swap3A_119, %swap3A_120], %concatenate3A_118 {strides = array<i32>} : memref<4x10000xf32, #tpu.memory_space<vmem>>, vector<4x10000xf32>,
    %broadcast_in_dim3A_122 = vector.broadcast %max3A : f32 to vector<16xf32>
    %broadcast_in_dim3A_123 = vector.broadcast %max3A_110 : f32 to vector<16xf32>
    %concatenate3A_124 = tpu.concatenate %broadcast_in_dim3A_122, %broadcast_in_dim3A_123 in 0 : vector<16xf32>, vector<16xf32> -> vector<32xf32>
    %swap3A_125 = arith.constant 0 : index
    %swap3A_126 = vector.load %arg9[%swap3A_125] : memref<32xf32, #tpu.memory_space<vmem>>, vector<32xf32>
    tpu.vector_store %arg9[%swap3A_125], %concatenate3A_124 {strides = array<i32>} : memref<32xf32, #tpu.memory_space<vmem>>, vector<32xf32>,
    %reduce_sum3A_127 = arith.constant dense<0.000000e+00> : vector<32xf32>
    %reduce_sum3A_128 = vector.multi_reduction <add>, %dot_general3A_46, %reduce_sum3A_127 [0] : vector<10000x32xf32> to vector<32xf32>
    %div3A_129 = arith.constant 1.000000e+04 : f32
    %div3A_130 = vector.broadcast %div3A_129 : f32 to vector<32xf32>
    %div3A_131 = arith.divf %reduce_sum3A_128, %div3A_130 : vector<32xf32>
    %logistic3A = arith.negf %div3A_131 : vector<32xf32>
    %logistic3A_132 = math.exp %logistic3A : vector<32xf32>
    %logistic3A_133 = arith.constant 1.000000e+00 : f32
    %logistic3A_134 = vector.broadcast %logistic3A_133 : f32 to vector<32xf32>
    %logistic3A_135 = arith.addf %logistic3A_134, %logistic3A_132 : vector<32xf32>
    %logistic3A_136 = arith.divf %logistic3A_134, %logistic3A_135 : vector<32xf32>
    %swap3A_137 = arith.constant 0 : index
    %swap3A_138 = vector.load %arg10[%swap3A_137] : memref<32xf32, #tpu.memory_space<vmem>>, vector<32xf32>
    tpu.vector_store %arg10[%swap3A_137], %logistic3A_136 {strides = array<i32>} : memref<32xf32, #tpu.memory_space<vmem>>, vector<32xf32>,
    return
  }
}

module attributes {stable_mosaic.version = 14 : i64} {
  func.func @_tc_fin_body(%arg0: memref<2x10240x128xf32, #tpu.memory_space<vmem>>, %arg1: memref<32x2x10240xf32, #tpu.memory_space<vmem>>, %arg2: memref<128x64xf32, #tpu.memory_space<vmem>>, %arg3: memref<10000x128xf32, #tpu.memory_space<vmem>>, %arg4: memref<10000x128xf32, #tpu.memory_space<vmem>>) attributes {dimension_semantics = [], scalar_prefetch = 0 : i64, scratch_operands = 0 : i64, tpu.core_type = #tpu.core_type<tc>} {
    %get3A = arith.constant 0 : index
    %get3A_0 = arith.constant 0 : index
    %get3A_1 = arith.constant 0 : index
    %get3A_2 = vector.load %arg0[%get3A, %get3A_0, %get3A_1] : memref<2x10240x128xf32, #tpu.memory_space<vmem>>, vector<2x10240x128xf32>
    %reduce_sum3A = arith.constant dense<0.000000e+00> : vector<10240x128xf32>
    %reduce_sum3A_3 = vector.multi_reduction <add>, %get3A_2, %reduce_sum3A [0] : vector<2x10240x128xf32> to vector<10240x128xf32>
    %slice3A = vector.extract_strided_slice %reduce_sum3A_3 {offsets = [0, 0], sizes = [10000, 128], strides = [1, 1]} : vector<10240x128xf32> to vector<10000x128xf32>
    %get3A_4 = arith.constant 0 : index
    %get3A_5 = arith.constant 0 : index
    %get3A_6 = arith.constant 0 : index
    %get3A_7 = vector.load %arg1[%get3A_4, %get3A_5, %get3A_6] : memref<32x2x10240xf32, #tpu.memory_space<vmem>>, vector<32x2x10240xf32>
    %reduce_sum3A_8 = arith.constant dense<0.000000e+00> : vector<2x10240xf32>
    %reduce_sum3A_9 = vector.multi_reduction <add>, %get3A_7, %reduce_sum3A_8 [0] : vector<32x2x10240xf32> to vector<2x10240xf32>
    %slice3A_10 = vector.extract_strided_slice %slice3A {offsets = [0, 0], sizes = [10000, 64], strides = [1, 1]} : vector<10000x128xf32> to vector<10000x64xf32>
    %slice3A_11 = vector.extract_strided_slice %reduce_sum3A_9 {offsets = [0, 0], sizes = [1, 10240], strides = [1, 1]} : vector<2x10240xf32> to vector<1x10240xf32>
    %squeeze3A = vector.shape_cast %slice3A_11 : vector<1x10240xf32> to vector<10240xf32>
    %slice3A_12 = vector.extract_strided_slice %squeeze3A {offsets = [0], sizes = [10000], strides = [1]} : vector<10240xf32> to vector<10000xf32>
    %broadcast_in_dim3A = vector.shape_cast %slice3A_12 : vector<10000xf32> to vector<10000x1xf32>
    %add3A = arith.constant 1.000000e-16 : f32
    %add3A_13 = vector.broadcast %add3A : f32 to vector<10000x1xf32>
    %add3A_14 = arith.addf %broadcast_in_dim3A, %add3A_13 : vector<10000x1xf32>
    %div3A = vector.broadcast %add3A_14 : vector<10000x1xf32> to vector<10000x64xf32>
    %div3A_15 = arith.divf %slice3A_10, %div3A : vector<10000x64xf32>
    %gt3A = arith.constant 0.000000e+00 : f32
    %gt3A_16 = vector.broadcast %gt3A : f32 to vector<10000x64xf32>
    %gt3A_17 = arith.cmpf ogt, %div3A_15, %gt3A_16 : vector<10000x64xf32>
    %min3A = arith.constant 0.000000e+00 : f32
    %min3A_18 = vector.broadcast %min3A : f32 to vector<10000x64xf32>
    %min3A_19 = arith.minimumf %div3A_15, %min3A_18 : vector<10000x64xf32>
    %exp3A = math.exp %min3A_19 : vector<10000x64xf32>
    %sub3A = arith.constant 1.000000e+00 : f32
    %sub3A_20 = vector.broadcast %sub3A : f32 to vector<10000x64xf32>
    %sub3A_21 = arith.subf %exp3A, %sub3A_20 : vector<10000x64xf32>
    %select_n3A = arith.select %gt3A_17, %div3A_15, %sub3A_21 : vector<10000x64xi1>, vector<10000x64xf32>
    %slice3A_22 = vector.extract_strided_slice %slice3A {offsets = [0, 64], sizes = [10000, 64], strides = [1, 1]} : vector<10000x128xf32> to vector<10000x64xf32>
    %slice3A_23 = vector.extract_strided_slice %reduce_sum3A_9 {offsets = [1, 0], sizes = [1, 10240], strides = [1, 1]} : vector<2x10240xf32> to vector<1x10240xf32>
    %squeeze3A_24 = vector.shape_cast %slice3A_23 : vector<1x10240xf32> to vector<10240xf32>
    %slice3A_25 = vector.extract_strided_slice %squeeze3A_24 {offsets = [0], sizes = [10000], strides = [1]} : vector<10240xf32> to vector<10000xf32>
    %broadcast_in_dim3A_26 = vector.shape_cast %slice3A_25 : vector<10000xf32> to vector<10000x1xf32>
    %add3A_27 = arith.constant 1.000000e-16 : f32
    %add3A_28 = vector.broadcast %add3A_27 : f32 to vector<10000x1xf32>
    %add3A_29 = arith.addf %broadcast_in_dim3A_26, %add3A_28 : vector<10000x1xf32>
    %div3A_30 = vector.broadcast %add3A_29 : vector<10000x1xf32> to vector<10000x64xf32>
    %div3A_31 = arith.divf %slice3A_22, %div3A_30 : vector<10000x64xf32>
    %gt3A_32 = arith.constant 0.000000e+00 : f32
    %gt3A_33 = vector.broadcast %gt3A_32 : f32 to vector<10000x64xf32>
    %gt3A_34 = arith.cmpf ogt, %div3A_31, %gt3A_33 : vector<10000x64xf32>
    %min3A_35 = arith.constant 0.000000e+00 : f32
    %min3A_36 = vector.broadcast %min3A_35 : f32 to vector<10000x64xf32>
    %min3A_37 = arith.minimumf %div3A_31, %min3A_36 : vector<10000x64xf32>
    %exp3A_38 = math.exp %min3A_37 : vector<10000x64xf32>
    %sub3A_39 = arith.constant 1.000000e+00 : f32
    %sub3A_40 = vector.broadcast %sub3A_39 : f32 to vector<10000x64xf32>
    %sub3A_41 = arith.subf %exp3A_38, %sub3A_40 : vector<10000x64xf32>
    %select_n3A_42 = arith.select %gt3A_34, %div3A_31, %sub3A_41 : vector<10000x64xi1>, vector<10000x64xf32>
    %get3A_43 = arith.constant 0 : index
    %get3A_44 = arith.constant 0 : index
    %get3A_45 = vector.load %arg2[%get3A_43, %get3A_44] : memref<128x64xf32, #tpu.memory_space<vmem>>, vector<128x64xf32>
    %dot_general3A = arith.constant dense<0.000000e+00> : vector<10000x128xf32>
    %dot_general3A_46 = tpu.matmul %select_n3A, %get3A_45, %dot_general3A {dimension_numbers = #tpu.dot_dimension_numbers<[1], [1], [0], [0], [0, 0, 1, 0], [], []>, transpose_lhs_hint = false} : vector<10000x64xf32>, vector<128x64xf32>, vector<10000x128xf32> -> vector<10000x128xf32>
    %swap3A = arith.constant 0 : index
    %swap3A_47 = arith.constant 0 : index
    %swap3A_48 = vector.load %arg3[%swap3A, %swap3A_47] : memref<10000x128xf32, #tpu.memory_space<vmem>>, vector<10000x128xf32>
    tpu.vector_store %arg3[%swap3A, %swap3A_47], %dot_general3A_46 {strides = array<i32>} : memref<10000x128xf32, #tpu.memory_space<vmem>>, vector<10000x128xf32>,
    %dot_general3A_49 = arith.constant dense<0.000000e+00> : vector<10000x128xf32>
    %dot_general3A_50 = tpu.matmul %select_n3A_42, %get3A_45, %dot_general3A_49 {dimension_numbers = #tpu.dot_dimension_numbers<[1], [1], [0], [0], [0, 0, 1, 0], [], []>, transpose_lhs_hint = false} : vector<10000x64xf32>, vector<128x64xf32>, vector<10000x128xf32> -> vector<10000x128xf32>
    %swap3A_51 = arith.constant 0 : index
    %swap3A_52 = arith.constant 0 : index
    %swap3A_53 = vector.load %arg4[%swap3A_51, %swap3A_52] : memref<10000x128xf32, #tpu.memory_space<vmem>>, vector<10000x128xf32>
    tpu.vector_store %arg4[%swap3A_51, %swap3A_52], %dot_general3A_50 {strides = array<i32>} : memref<10000x128xf32, #tpu.memory_space<vmem>>, vector<10000x128xf32>,
    return
  }
}

</mosaic_0001>

<sc_bundles>
// kernel: gather_offload_async_start
scs
__scs_entry_jumppad:
0x0: {  	(pc) =	sbr.rel $0x88, $3  }
0x1: {  	(tag) =	ssettag $0x0;
	lr =	simm.s32 $0x1  }
0x2: {  	[smem:$0x3F99] =	sst lr;
	_ =	strace $0xD0000000  }
0x3: {  	_ = 	snop  }
0x4: {  	_ = 	snop  }
0x5: {  	_ = 	snop  }
0x6: {  	_ = 	snop  }
0x7: {  	_ = 	snop  }
__scs_overlays_trampoline_lowered:
0x8: {  	[smem:$0x3FA8] =	sst s0  }
0x9: {  	[smem:$0x3FA9] =	sst s1  }
0xa: {  	[smem:$0x3FAA] =	sst s2  }
0xb: {  	[smem:$0x3FAB] =	sst s3  }
0xc: {  	[smem:$0x3FAC] =	sst s4  }
0xd: {  	[smem:$0x3FAD] =	sst s5  }
0xe: {  	[smem:$0x3FAE] =	sst s6  }
0xf: {  	[smem:$0x3FAF] =	sst s7  }
0x10: {  	[smem:$0x3FB0] =	sst s8  }
0x11: {  	[smem:$0x3FB1] =	sst s9;
	s0 =	simm.s32 @!p0 $0x0  }
0x12: {  	s1 =	sld [smem:$0x3F97];
	s0 =	simm.s32 @p0 $0x1  }
0x13: {  	[smem:$0x3FB2] =	sst s0;
	s0 =	simm.s32 @!p1 $0x0  }
0x14: {  	s2 =	sld [smem:$0x3F96];
	s0 =	simm.s32 @p1 $0x1  }
0x15: {  	[smem:$0x3FB3] =	sst s0;
	s0 =	simm.s32 @!p2 $0x0  }
0x16: {  	s3 =	sld [smem:$0x3FDB];
	s0 =	simm.s32 @p2 $0x1  }
0x17: {  	s4 =	simm.s32 $0x1BF5;
	[smem:$0x3FB5] =	sst s0  }
0x18: {  	s0 =	sld [smem:$0x3F98];
	_ =	swait.ge [sflag:s4], $0x0  }
0x19: {  	s7 =	sld [smem:$0x3F99]  }
0x1a: {  	s8 =	sadd.s32 $0xFFFFE003, lr  }
0x1b: {  	s9 =	sadd.s32 $0xFFFFFEF7, lr;
	s5 =	simm.s32 $0xFFFFFFFF;
	p2 =	slt.u32 s8, $0xFFFFF086  }
0x1c: {  	p1 =	slt.u32 s9, $0xF7A;
	s5 =	simm.s32 @!p2 $0x0  }
0x1d: {  	s5 =	simm.s32 @p1 $0x1;
	p0 =	seq.s32 s7, s2  }
0x1e: {  	s7 =	smul.u32 @!p0 $0xF7A, s2;
	p2 =	seq.s32 @!p0 s5, $0x0  }
0x1f: {  	s9 =	smul.u32 $0xF7A, s1;
	s8 =	simm.s32 @!p0 $0x1BF5;
	p2 =	por !p2, p0  }
0x20: {  	[sflag:s8] =	ssyncset.s32 @!p0 $0xFFFFF086;
	s6 =	sadd.s32 @!p0 s3, s7;
	s7 =	simm.s32 @!p0 $0x108  }
0x21: {  	s3 =	sadd.s32 s3, s9;
	s6 =	sadd.s32 @!p0 $0x88, s6;
	s7 =	simm.s32 @p2 $0x1082  }
0x22: {  	[simem:s7], [sflag:s8] =	dma.local @!p0 [hbm:s6], $0xF7A  }
0x23: {  	s9 =	sor.u32 $0xD0000000, s2;
	s6 =	simm.s32 $0x108;
	_ =	swait.ge @!p0 [sflag:s8], $0x0  }
0x24: {  	s3 =	sadd.s32 $0x88, s3;
	s6 =	simm.s32 @!p1 $0x1082;
	[sflag:s4] =	ssyncset.s32 $0xFFFFF086  }
0x25: {  	[simem:s6], [sflag:s4] =	dma.local [hbm:s3], $0xF7A  }
0x26: {  	[smem:$0x3F99] =	sst s1;
	(tag) =	ssettag s2;
	_ =	strace s9  }
0x27: {  	s1 =	sld [smem:$0x3FA9]  }
0x28: {  	s2 =	sld [smem:$0x3FAA]  }
0x29: {  	s4 =	sld [smem:$0x3FAC]  }
0x2a: {  	p0 =	seq.s32 s5, $0x0;
	s5 =	sld [smem:$0x3FAD]  }
0x2b: {  	s6 =	sld [smem:$0x3FAE]  }
0x2c: {  	s7 =	sld [smem:$0x3FAF]  }
0x2d: {  	s3 =	simm.s32 $0x108;
	s8 =	sld [smem:$0x3FB0]  }
0x2e: {  	s3 =	simm.s32 @!p0 $0x1082;
	s9 =	sld [smem:$0x3FB1]  }
0x2f: {  	lr =	sadd.s32 s0, s3;
	s0 =	sld [smem:$0x3FA8]  }
0x30: {  	s3 =	sld [smem:$0x3FAB]  }
0x31: {  	[smem:$0x3FB4] =	sst s10  }
0x32: {  	s10 =	sld [smem:$0x3FB2];
	_ =	sdelay $0x3  }
0x33: {  	p0 =	seq.s32 s10, $0x1;
	s10 =	sld [smem:$0x3FB4];
	_ =	sdelay $0x3  }
0x34: {  	[smem:$0x3FB4] =	sst s10  }
0x35: {  	s10 =	sld [smem:$0x3FB3];
	_ =	sdelay $0x3  }
0x36: {  	p1 =	seq.s32 s10, $0x1;
	s10 =	sld [smem:$0x3FB4];
	_ =	sdelay $0x3  }
0x37: {  	[smem:$0x3FB4] =	sst s10  }
0x38: {  	s10 =	sld [smem:$0x3FB5]  }
0x39: {  	_ = 	snop;
	(pc) =	sbr.ind lr, $3  }
0x3a: {  	_ = 	snop  }
0x3b: {  	_ = 	snop  }
0x3c: {  	p2 =	seq.s32 s10, $0x1;
	s10 =	sld [smem:$0x3FB4]  }
0x3d: {  	_ =	shalt  }
0x3e: {  	_ =	shalt  }
0x3f: {  	_ =	shalt  }
0x40: {  	_ =	shalt  }
0x41: {  	_ =	shalt  }
0x42: {  	_ =	shalt  }
0x43: {  	_ =	shalt  }
0x44: {  	_ =	shalt  }
0x45: {  	_ =	shalt  }
0x46: {  	_ =	shalt  }
0x47: {  	_ =	shalt  }
0x48: {  	_ =	shalt  }
0x49: {  	_ =	shalt  }
0x4a: {  	_ =	shalt  }
0x4b: {  	_ =	shalt  }
0x4c: {  	_ =	shalt  }
0x4d: {  	_ =	shalt  }
0x4e: {  	_ =	shalt  }
0x4f: {  	_ =	shalt  }
0x50: {  	_ =	shalt  }
0x51: {  	_ =	shalt  }
0x52: {  	_ =	shalt  }
0x53: {  	_ =	shalt  }
0x54: {  	_ =	shalt  }
0x55: {  	_ =	shalt  }
0x56: {  	_ =	shalt  }
0x57: {  	_ =	shalt  }
0x58: {  	_ =	shalt  }
0x59: {  	_ =	shalt  }
0x5a: {  	_ =	shalt  }
0x5b: {  	_ =	shalt  }
0x5c: {  	_ =	shalt  }
0x5d: {  	_ =	shalt  }
0x5e: {  	_ =	shalt  }
0x5f: {  	_ =	shalt  }
0x60: {  	_ =	shalt  }
0x61: {  	_ =	shalt  }
0x62: {  	_ =	shalt  }
0x63: {  	_ =	shalt  }
0x64: {  	_ =	shalt  }
0x65: {  	_ =	shalt  }
0x66: {  	_ =	shalt  }
0x67: {  	_ =	shalt  }
0x68: {  	_ =	shalt  }
0x69: {  	_ =	shalt  }
0x6a: {  	_ =	shalt  }
0x6b: {  	_ =	shalt  }
0x6c: {  	_ =	shalt  }
0x6d: {  	_ =	shalt  }
0x6e: {  	_ =	shalt  }
0x6f: {  	_ =	shalt  }
0x70: {  	_ =	shalt  }
0x71: {  	_ =	shalt  }
0x72: {  	_ =	shalt  }
0x73: {  	_ =	shalt  }
0x74: {  	_ =	shalt  }
0x75: {  	_ =	shalt  }
0x76: {  	_ =	shalt  }
0x77: {  	_ =	shalt  }
0x78: {  	_ =	shalt  }
0x79: {  	_ =	shalt  }
0x7a: {  	_ =	shalt  }
0x7b: {  	_ =	shalt  }
0x7c: {  	_ =	shalt  }
0x7d: {  	_ =	shalt  }
0x7e: {  	_ =	shalt  }
0x7f: {  	_ =	shalt  }
0x80: {  	_ =	shalt  }
0x81: {  	_ =	shalt  }
0x82: {  	_ =	shalt  }
0x83: {  	_ =	shalt  }
0x84: {  	_ =	shalt  }
0x85: {  	_ =	shalt  }
0x86: {  	_ =	shalt  }
0x87: {  	_ =	shalt  }
.Lfunc_end0:
.L_simem_size_0:
called_computation_lowered:
.L_overlay_start_0:
0x88: {  	s0 =	sld [smem:$0x3FD9]  }
0x89: {  	s1 =	sld [smem:$0x3FFE];
	_ =	sdelay $0x3  }
0x8a: {  	s0 =	sadd.s32 s1, s0  }
0x8b: {  	[smem:$0x3FC0] =	sst s0  }
0x8c: {  	_ = 	snop  }
0x8d: {  	s0 =	sld [smem:$0x3FD0];
	_ =	sdelay $0x2  }
0x8e: {  	s2 =	simm.s32 $0xA;
	s3 =	simm.s32 $0x10;
	s14 =	sld [smem:$0x3FC9]  }
0x8f: {  	[smem:s3], [sflag:s2] =	dma.local [hbm:s0], $0x1  }
0x90: {  	_ =	swait.eq [sflag:s2], $0x1  }
0x91: {  	[sflag:s2] =	ssyncset.done $0x0  }
0x92: {  	s15 =	sld [smem:$0x13];
	[sflag:s2] =	ssyncadd.s32 $0xFFFFFFFF  }
0x93: {  	s16 =	sld [smem:$0x15];
	(tm) =	ssettm $0x1  }
0x94: {  	s17 =	sld [smem:$0x3FFB];
	_ =	sdelay $0x3  }
0x95: {  	_ =	strace s17  }
0x96: {  	s3 =	sld [smem:$0x3FFC];
	_ =	sdelay $0x3  }
0x97: {  	_ =	strace s3  }
0x98: {  	s3 =	sld [smem:$0x3FFD];
	_ =	sdelay $0x3  }
0x99: {  	_ =	strace s3  }
0x9a: {  	_ =	strace $0x8FFFFFFF  }
0x9b: {  	s18 =	sld [smem:$0x3FDB];
	_ =	sdelay $0x1  }
0x9c: {  	s4 =	simm.s32 $_scs_section_size  }
0x9d: {  	s5 =	simm.s32 $_size__tile_overlayer_lowered;
	s6 =	simm.s32 $_tile_overlayer_lowered  }
0x9e: {  	s21 =	simm.s32 $0x1BFF;
	s20 =	sshll.u32 s6, $0x1;
	s3 =	sadd.s32 s4, s18  }
0x9f: {  	s7 =	simm.s32 $0x0;
	s19 =	sshll.u32 s5, $0x1;
	s5 =	sadd.s32 s20, s3  }
0xa0: {  	[timem:s7], [sflag:s21] =	dma.local [hbm:s5], s19  }
0xa1: {  	_ =	swait.ge [sflag:s21], s19  }
0xa2: {  	s4 =	ssub.s32 $0x0, s19;
	[sflag:s21] =	ssyncset.done $0x0  }
0xa3: {  	[sflag:s21] =	ssyncadd.s32 s4;
	_ =	sdelay $0x1  }
0xa4: {  	s22 =	simm.s32 $0x1B8B  }
0xa5: {  	_ =	swait.ge [sflag:s22], $0x1  }
0xa6: {  	[sflag:s22] =	ssyncset.done $0x0  }
0xa7: {  	s23 =	simm.s32 $0x1B8E;
	[sflag:s22] =	ssyncadd.s32 $0xFFFFFFFF  }
0xa8: {  	s24 =	simm.s32 $execute0_lowered;
	[smem:$0x3FD2] =	sst s23  }
0xa9: {  	s4 =	sshll.u32 s24, $0x1;
	_ =	strace $0x80000046;
	[dreg:$0x1] =	wrdreg $0xFFFFFFFF  }
0xaa: {  	s25 =	simm.s32 $_size_execute0_lowered;
	s3 =	sadd.s32 s3, s4;
	[dreg:$0x0] =	wrdreg $0x0  }
0xab: {  	s4 =	sshll.u32 s25, $0x1;
	[dreg:$0x2] =	wrdreg s3  }
0xac: {  	[dreg:$0x3] =	wrdreg s4  }
0xad: {  	[dreg:$0x4] =	wrdreg $0xC0  }
0xae: {  	_ =	task [dreg:s7], $0x5FFFF  }
0xaf: {  	[dreg:$0x1] =	wrdreg $0xFFFFFFFF  }
0xb0: {  	[dreg:$0x0] =	wrdreg $0x60  }
0xb1: {  	[dreg:$0x2] =	wrdreg s14  }
0xb2: {  	[dreg:$0x3] =	wrdreg s15  }
0xb3: {  	[dreg:$0x4] =	wrdreg s16  }
0xb4: {  	[dreg:$0x5] =	wrdreg $0x9  }
0xb5: {  	_ =	task.clear_ibuf [dreg:s7], $0x6FFFF;
	_ =	strace $0x90000046  }
0xb6: {  	s26 =	simm.s32 $0x9;
	_ =	strace $0x80000048  }
0xb7: {  	_ =	swait.ge [sflag:s26], $0x1  }
0xb8: {  	[sflag:s26] =	ssyncadd.s32 $0xFFFFFFFF  }
0xb9: {  	_ =	strace $0x90000048  }
0xba: {  	_ =	sfence  }
0xbb: {  	s28 =	sld [smem:$0x0];
	_ =	sdelay $0x1  }
0xbc: {  	s29 =	srdreg.scid  }
0xbd: {  	s30 =	sshll.u32 s29, $0xD;
	s31 =	sshrl.u32 s29, $0x2  }
0xbe: {  	s1 =	sand.u32 $0x1, s29;
	s2 =	sand.u32 $0x4000, s30;
	s0 =	sadd.s32 s31, s28  }
0xbf: {  	s1 =	sor.u32 s2, s1;
	s0 =	sshll.u32 s0, $0x11  }
0xc0: {  	s0 =	sor.u32 s0, s1  }
0xc1: {  	s0 =	sadd.s32 $0x8F2B, s0  }
0xc2: {  	[sflag:s0] =	ssyncadd.remote.s32 $0x1  }
0xc3: {  	_ =	sfence.sel $0xFFFF  }
0xc4: {  	[dreg:$0x0] =	wrdreg $0xFFFFFFFF;
	(pc) =	sbr.abs _section_cstart, $3  }
0xc5: {  	[dreg:$0x1] =	wrdreg $0xFFFFFFFF  }
0xc6: {  	_ =	task.clear_ibuf [dreg:s7], $0x2FFFF;
	_ =	strace $0x9FFFFFFF  }
0xc7: {  	(tm) =	ssettm $0x7FFFFFFF  }
tec
execute0_lowered:
.L_overlay_start_1:
0x0: {  	(tag) =	ssettag $0x1  }
0x1: {  	s0 =	stileid.u32  }
0x2: {  	s1 =	smin.u32 s0, $0x9  }
0x3: {  	s1 =	sadd.s32 s0, s1  }
0x4: {  	s2 =	simm.s32 $0x320;
	p0 =	slt.u32 s0, $0x9;
	s1 =	smul.u32 $0x190, s1  }
0x5: {  	s2 =	simm.s32 @!p0 $0x190  }
0x6: {  	s2 =	sadd.s32 s2, s1  }
0x7: {  	s3 =	smin.u32 s2, $0x2710  }
0x8: {  	s8 =	ssub.s32 s3, s1  }
0x9: {  	p0 =	sgt.s32 s8, $0x0  }
0xa: {  	s8 =	simm.s32 @!p0 $0x0  }
0xb: {  	s31 =	sand.u32 $0xFFF0, s8  }
0xc: {  	s2 =	sshrl.u32 s31, $0x4  }
0xd: {  	s4 =	rddreg [dreg:$0x0];
	s2 =	smul.u32 $0xA3E, s2  }
0xe: {  	s5 =	rddreg [dreg:$0x1]  }
0xf: {  	s6 =	rddreg [dreg:$0x2];
	s7 =	simm.s32 $0x1;
	s9 =	sshrl.u32 s2, $0x10  }
0x10: {  	s11 =	simm.s32 $0x3;
	s13 =	simm.s32 $0x0;
	s10 =	smul.u32 $0x190, s9  }
.Ltmp0:
0x11: {  	s12 =	simm.s32 $0x0;
	s2 =	rddreg [dreg:$0x3];
	(pc) =	sbr.rel .LBB2_1-.Ltmp0, $4  }
0x12: {  	_ =	strace $0x80000047;
	p0 =	sne.s32 s8, s10;
	s10 =	simm.s32 $0x1  }
0x13: {  	[sflag:s7] =	ssyncpa.u1 $0x0;
	s8 =	simm.s32 $0x2;
	s10 =	simm.s32 @!p0 $0x0  }
0x14: {  	[sflag:s8] =	ssyncpa.u1 $0x0;
	p0 =	por $0x0, $0x0;
	s9 =	sadd.s32 s9, s10  }
0x15: {  	vm0 =	vmmov $0xff;
	vm1 =	vcmask $0x3F20;
	[sflag:s11] =	ssyncpa.u1 $0x0;
	s11 =	smov.u32 s1;
	s10 =	sadd.s32 $0x1, s9  }
.LBB2_6:
0x16: {  	[hbm:s17] =	stream.linear.scatter [tilespmem:s14], [sflag:$0x3], $0x400, $0x38;
	[tilespmem:$0x19320] =	vst v63  }
.LBB2_7:
0x17: {  	s13 =	sadd.s32 $0x190, s11  }
0x18: {  	s15 =	smov.u32 s1;
	p2 =	slt.s32 s13, s3  }
0x19: {  	s15 =	smov.u32 @p2 s13;
	p2 =	sne.s32 s12, s10  }
.Ltmp1:
0x1a: {  	p1 =	slt.u32 s12, $0x2;
	(pc) =	sbr.rel @!p2 .LBB2_8-.Ltmp1, $4  }
0x1b: {  	s14 =	simm.s32 @!p1 $0x3  }
0x1c: {  	s16 =	sadd.s32 $0x1, s12;
	_ =	swait.ge @!p1 [sflag:s14], $0xC800  }
0x1d: {  	p0 =	por !p0, !p0;
	s13 =	smov.u32 s11;
	[sflag:s14] =	ssyncset.done @!p1 $0x0  }
0x1e: {  	s12 =	smov.u32 s16;
	s11 =	smov.u32 s15;
	[sflag:s14] =	ssyncadd.s32 @!p1 $0xFFFF3800  }
.LBB2_1:
0x1f: {  	p1 =	sge.u32 s12, s9  }
0x20: {  	s14 =	sxor.u32 @!p1 $0xFFFFFFFF, s12  }
0x21: {  	s14 =	sand.u32 @!p1 $0x1, s14  }
0x22: {  	s14 =	smul.u32 @!p1 $0x640, s14  }
0x23: {  	s31 =	sadd.s32 $0xFFFFFFFF, s12;
	s15 =	sshrl.u32 @!p1 s11, $0x3  }
0x24: {  	s16 =	sand.u32 @!p1 $0x7, s11;
	s15 =	sadd.s32 @!p1 s5, s15;
	s14 =	sshrl.u32 @!p1 s14, $0x2  }
0x25: {  	[tilespmem:s14], [sflag:$0x2] =	stream.linear.gather @!p1 [hbm4b:s15+s16], $0x190, $0x38;
	[tilespmem:$0x19320] =	vst v63  }
0x26: {  	p1 =	sge.u32 s31, s9  }
.Ltmp2:
0x27: {  	_ = 	snop;
	(pc) =	sbr.rel @p1 .LBB2_7-.Ltmp2, $1  }
0x28: {  	_ =	sdelay $0x3  }
0x29: {  	s14 =	simm.s32 $0x1  }
0x2a: {  	s14 =	simm.s32 @!p0 $0x0  }
0x2b: {  	s15 =	smul.u32 $0x640, s14  }
0x2c: {  	_ =	swait.ge [sflag:s8], $0x190  }
0x2d: {  	[sflag:s8] =	ssyncset.done $0x0;
	s16 =	sshrl.u32 s15, $0x2  }
0x2e: {  	[sflag:s8] =	ssyncadd.s32 $0xFFFFFE70;
	s15 =	sadd.s32 $0x0, s16  }
0x2f: {  	v0 =	vld.msk [tilespmem:s15+$0x0 ss:$0x1], $0xffff;
	_ =	sdelay $0x4  }
0x30: {  	vm2 =	vgt.s32 v0, $0x0  }
0x31: {  	v0 =	vnsel vm2, $0x0, v0  }
0x32: {  	v0 =	vmin.u32 v0, $0x270F  }
0x33: {  	v0 =	vshll.u32 v0, $0x4  }
0x34: {  	s14 =	smul.u32 $0x32000, s14;
	_ =	sdelay $0x1  }
0x35: {  	s14 =	sshrl.u32 s14, $0x2  }
0x36: {  	s14 =	sor.u32 $0x320, s14  }
0x37: {  	[tilespmem:s14], [sflag:$0x1] =	stream.indirect_vreg.gather [hbm:s4], $0x80, v0, vm0, $0x38;
	[tilespmem:$0x19320] =	vst v63  }
0x38: {  	s17 =	sadd.s32 $0x10, s16;
	s15 =	sadd.s32 $0x400, s14  }
0x39: {  	[tilespmem:s15], [sflag:$0x1] =	stream.indirect_vreg.gather [hbm:s4], $0x80, v0, vm1, $0x38;
	[tilespmem:$0x19320] =	vst v63  }
0x3a: {  	s18 =	simm.s32 $0x80;
	v0 =	vld.msk [tilespmem:s17+$0x0 ss:$0x1], $0xffff;
	s17 =	smov.u32 s14  }
.LBB2_3:
0x3b: {  	p1 =	sne.s32 s18, $0x600;
	_ =	sdelay $0x4  }
0x3c: {  	vm2 =	vgt.s32 v0, $0x0  }
0x3d: {  	v0 =	vnsel vm2, $0x0, v0  }
0x3e: {  	v0 =	vmin.u32 v0, $0x270F  }
0x3f: {  	v0 =	vshll.u32 v0, $0x4;
	_ =	sdelay $0x3  }
.Ltmp3:
0x40: {  	s19 =	sshra.s32 s18, $0x2;
	s17 =	sadd.s32 $0x800, s17;
	(pc) =	sbr.rel @p1 .LBB2_3-.Ltmp3, $4  }
0x41: {  	[tilespmem:s17], [sflag:$0x1] =	stream.indirect_vreg.gather [hbm:s4], $0x80, v0, vm0, $0x38;
	[tilespmem:$0x19320] =	vst v63  }
0x42: {  	s19 =	sadd.s32 s19, s16;
	s20 =	sadd.s32 $0x400, s17  }
0x43: {  	[tilespmem:s20], [sflag:$0x1] =	stream.indirect_vreg.gather [hbm:s4], $0x80, v0, vm1, $0x38;
	[tilespmem:$0x19320] =	vst v63  }
0x44: {  	s18 =	sadd.s32 $0x40, s18;
	v0 =	vld.msk [tilespmem:s19+$0x0 ss:$0x1], $0xffff  }
0x45: {  	_ =	sdelay $0x3  }
0x46: {  	vm2 =	vgt.s32 v0, $0x0  }
0x47: {  	v0 =	vnsel vm2, $0x0, v0  }
0x48: {  	v0 =	vmin.u32 v0, $0x270F  }
0x49: {  	v0 =	vshll.u32 v0, $0x4;
	_ =	sdelay $0x3  }
0x4a: {  	s16 =	sadd.s32 $0x800, s17  }
0x4b: {  	[tilespmem:s16], [sflag:$0x1] =	stream.indirect_vreg.gather [hbm:s4], $0x80, v0, vm0, $0x38;
	[tilespmem:$0x19320] =	vst v63  }
0x4c: {  	s16 =	sadd.s32 $0x400, s16  }
0x4d: {  	[tilespmem:s16], [sflag:$0x1] =	stream.indirect_vreg.gather [hbm:s4], $0x80, v0, vm1, $0x38;
	[tilespmem:$0x19320] =	vst v63  }
0x4e: {  	s13 =	sshll.u32 s13, $0x4;
	_ =	swait.ge [sflag:s7], $0xC800  }
0x4f: {  	s13 =	sadd.s32 s13, s6;
	[sflag:s7] =	ssyncset.done $0x0  }
0x50: {  	s17 =	sadd.s32 $0x0, s13;
	s16 =	simm.s32 $0x80;
	[sflag:s7] =	ssyncadd.s32 $0xFFFF3800  }
.LBB2_5:
0x51: {  	[hbm:s17] =	stream.linear.scatter [tilespmem:s14], [sflag:$0x3], $0x400, $0x38;
	[tilespmem:$0x19320] =	vst v63  }
0x52: {  	s17 =	smov.u32 s16;
	s14 =	smov.u32 s15;
	p1 =	sne.s32 s16, $0x1880  }
.Ltmp4:
0x53: {  	s16 =	sadd.s32 $0x80, s16;
	(pc) =	sbr.rel @p1 .LBB2_5-.Ltmp4, $2  }
0x54: {  	_ =	sdelay $0x2  }
0x55: {  	s15 =	sadd.s32 $0x400, s15;
	s17 =	sadd.s32 s17, s13  }
.Ltmp5:
0x56: {  	_ = 	snop;
	(pc) =	sbr.rel .LBB2_6-.Ltmp5, $1  }
0x57: {  	_ =	sdelay $0x3  }
.LBB2_8:
0x58: {  	_ =	sfence.sel $0x180000  }
0x59: {  	s1 =	simm.s32 $0x2;
	[bflag:$0x0] =	sbarrier.arrive $0xFFFF  }
0x5a: {  	s30 =	simm.s32 $0x3;
	[sflag:s1] =	ssyncpa.u1 $0x1  }
0x5b: {  	s31 =	simm.s32 $0x1;
	[sflag:s30] =	ssyncpa.u1 $0x1  }
0x5c: {  	[sflag:s31] =	ssyncpa.u1 $0x1  }
0x5d: {  	p0 =	sne.s32 s0, $0x0;
	_ =	strace $0x90000047  }
0x5e: {  	s0 =	sadd.s32 @!p0 $0x100000, s2;
	[bflag:$0x2] =	sbarrier.arrive $0xFFFF  }
0x5f: {  	[sflag:s0] =	ssyncadd.tile.s32 @!p0 $0x1;
	_ =	shalt  }
.Lfunc_end2:
_tile_overlayer_lowered:
.L_overlay_start_2:
0x60: {  	(tag) =	ssettag $0x2  }
0x61: {  	s0 =	rddreg [dreg:$0x0];
	s2 =	stileid.u32  }
0x62: {  	s1 =	rddreg [dreg:$0x1];
	p0 =	sne.s32 s2, $0x0  }
0x63: {  	s3 =	rddreg [dreg:$0x2];
	[bflag:$0x3] =	sbarrier.arrive $0xFFFF;
	s2 =	simm.s32 @!p0 $0x1C01  }
0x64: {  	[timem:s3], [sflag:s2] =	dma.local @!p0 [hbm:s0], s1  }
0x65: {  	s0 =	simm.s32 @!p0 $0x1  }
0x66: {  	_ =	swait.ge @!p0 [sflag:s0], s1  }
0x67: {  	s1 =	ssub.s32 @!p0 $0x0, s1;
	[sflag:s0] =	ssyncset.done @!p0 $0x0  }
0x68: {  	[sflag:s0] =	ssyncadd.s32 @!p0 s1  }
0x69: {  	[bflag:$0x3] =	sbarrier.arrive $0xFFFF  }
0x6a: {  	_ =	shalt  }

// kernel: kernel.12.cloned.1.call-start
scs
__scs_entry_jumppad:
0x0: {  	(pc) =	sbr.rel $0x88, $3  }
0x1: {  	(tag) =	ssettag $0x0;
	lr =	simm.s32 $0x1  }
0x2: {  	[smem:$0x3F99] =	sst lr;
	_ =	strace $0xD0000000  }
0x3: {  	_ = 	snop  }
0x4: {  	_ = 	snop  }
0x5: {  	_ = 	snop  }
0x6: {  	_ = 	snop  }
0x7: {  	_ = 	snop  }
__scs_overlays_trampoline_lowered:
0x8: {  	[smem:$0x3FA8] =	sst s0  }
0x9: {  	[smem:$0x3FA9] =	sst s1  }
0xa: {  	[smem:$0x3FAA] =	sst s2  }
0xb: {  	[smem:$0x3FAB] =	sst s3  }
0xc: {  	[smem:$0x3FAC] =	sst s4  }
0xd: {  	[smem:$0x3FAD] =	sst s5  }
0xe: {  	[smem:$0x3FAE] =	sst s6  }
0xf: {  	[smem:$0x3FAF] =	sst s7  }
0x10: {  	[smem:$0x3FB0] =	sst s8  }
0x11: {  	[smem:$0x3FB1] =	sst s9;
	s0 =	simm.s32 @!p0 $0x0  }
0x12: {  	s1 =	sld [smem:$0x3F97];
	s0 =	simm.s32 @p0 $0x1  }
0x13: {  	[smem:$0x3FB2] =	sst s0;
	s0 =	simm.s32 @!p1 $0x0  }
0x14: {  	s2 =	sld [smem:$0x3F96];
	s0 =	simm.s32 @p1 $0x1  }
0x15: {  	[smem:$0x3FB3] =	sst s0;
	s0 =	simm.s32 @!p2 $0x0  }
0x16: {  	s3 =	sld [smem:$0x3FDB];
	s0 =	simm.s32 @p2 $0x1  }
0x17: {  	s4 =	simm.s32 $0x1BF5;
	[smem:$0x3FB5] =	sst s0  }
0x18: {  	s0 =	sld [smem:$0x3F98];
	_ =	swait.ge [sflag:s4], $0x0  }
0x19: {  	s7 =	sld [smem:$0x3F99]  }
0x1a: {  	s8 =	sadd.s32 $0xFFFFE003, lr  }
0x1b: {  	s9 =	sadd.s32 $0xFFFFFEF7, lr;
	s5 =	simm.s32 $0xFFFFFFFF;
	p2 =	slt.u32 s8, $0xFFFFF086  }
0x1c: {  	p1 =	slt.u32 s9, $0xF7A;
	s5 =	simm.s32 @!p2 $0x0  }
0x1d: {  	s5 =	simm.s32 @p1 $0x1;
	p0 =	seq.s32 s7, s2  }
0x1e: {  	s7 =	smul.u32 @!p0 $0xF7A, s2;
	p2 =	seq.s32 @!p0 s5, $0x0  }
0x1f: {  	s9 =	smul.u32 $0xF7A, s1;
	s8 =	simm.s32 @!p0 $0x1BF5;
	p2 =	por !p2, p0  }
0x20: {  	[sflag:s8] =	ssyncset.s32 @!p0 $0xFFFFF086;
	s6 =	sadd.s32 @!p0 s3, s7;
	s7 =	simm.s32 @!p0 $0x108  }
0x21: {  	s3 =	sadd.s32 s3, s9;
	s6 =	sadd.s32 @!p0 $0x88, s6;
	s7 =	simm.s32 @p2 $0x1082  }
0x22: {  	[simem:s7], [sflag:s8] =	dma.local @!p0 [hbm:s6], $0xF7A  }
0x23: {  	s9 =	sor.u32 $0xD0000000, s2;
	s6 =	simm.s32 $0x108;
	_ =	swait.ge @!p0 [sflag:s8], $0x0  }
0x24: {  	s3 =	sadd.s32 $0x88, s3;
	s6 =	simm.s32 @!p1 $0x1082;
	[sflag:s4] =	ssyncset.s32 $0xFFFFF086  }
0x25: {  	[simem:s6], [sflag:s4] =	dma.local [hbm:s3], $0xF7A  }
0x26: {  	[smem:$0x3F99] =	sst s1;
	(tag) =	ssettag s2;
	_ =	strace s9  }
0x27: {  	s1 =	sld [smem:$0x3FA9]  }
0x28: {  	s2 =	sld [smem:$0x3FAA]  }
0x29: {  	s4 =	sld [smem:$0x3FAC]  }
0x2a: {  	p0 =	seq.s32 s5, $0x0;
	s5 =	sld [smem:$0x3FAD]  }
0x2b: {  	s6 =	sld [smem:$0x3FAE]  }
0x2c: {  	s7 =	sld [smem:$0x3FAF]  }
0x2d: {  	s3 =	simm.s32 $0x108;
	s8 =	sld [smem:$0x3FB0]  }
0x2e: {  	s3 =	simm.s32 @!p0 $0x1082;
	s9 =	sld [smem:$0x3FB1]  }
0x2f: {  	lr =	sadd.s32 s0, s3;
	s0 =	sld [smem:$0x3FA8]  }
0x30: {  	s3 =	sld [smem:$0x3FAB]  }
0x31: {  	[smem:$0x3FB4] =	sst s10  }
0x32: {  	s10 =	sld [smem:$0x3FB2];
	_ =	sdelay $0x3  }
0x33: {  	p0 =	seq.s32 s10, $0x1;
	s10 =	sld [smem:$0x3FB4];
	_ =	sdelay $0x3  }
0x34: {  	[smem:$0x3FB4] =	sst s10  }
0x35: {  	s10 =	sld [smem:$0x3FB3];
	_ =	sdelay $0x3  }
0x36: {  	p1 =	seq.s32 s10, $0x1;
	s10 =	sld [smem:$0x3FB4];
	_ =	sdelay $0x3  }
0x37: {  	[smem:$0x3FB4] =	sst s10  }
0x38: {  	s10 =	sld [smem:$0x3FB5]  }
0x39: {  	_ = 	snop;
	(pc) =	sbr.ind lr, $3  }
0x3a: {  	_ = 	snop  }
0x3b: {  	_ = 	snop  }
0x3c: {  	p2 =	seq.s32 s10, $0x1;
	s10 =	sld [smem:$0x3FB4]  }
0x3d: {  	_ =	shalt  }
0x3e: {  	_ =	shalt  }
0x3f: {  	_ =	shalt  }
0x40: {  	_ =	shalt  }
0x41: {  	_ =	shalt  }
0x42: {  	_ =	shalt  }
0x43: {  	_ =	shalt  }
0x44: {  	_ =	shalt  }
0x45: {  	_ =	shalt  }
0x46: {  	_ =	shalt  }
0x47: {  	_ =	shalt  }
0x48: {  	_ =	shalt  }
0x49: {  	_ =	shalt  }
0x4a: {  	_ =	shalt  }
0x4b: {  	_ =	shalt  }
0x4c: {  	_ =	shalt  }
0x4d: {  	_ =	shalt  }
0x4e: {  	_ =	shalt  }
0x4f: {  	_ =	shalt  }
0x50: {  	_ =	shalt  }
0x51: {  	_ =	shalt  }
0x52: {  	_ =	shalt  }
0x53: {  	_ =	shalt  }
0x54: {  	_ =	shalt  }
0x55: {  	_ =	shalt  }
0x56: {  	_ =	shalt  }
0x57: {  	_ =	shalt  }
0x58: {  	_ =	shalt  }
0x59: {  	_ =	shalt  }
0x5a: {  	_ =	shalt  }
0x5b: {  	_ =	shalt  }
0x5c: {  	_ =	shalt  }
0x5d: {  	_ =	shalt  }
0x5e: {  	_ =	shalt  }
0x5f: {  	_ =	shalt  }
0x60: {  	_ =	shalt  }
0x61: {  	_ =	shalt  }
0x62: {  	_ =	shalt  }
0x63: {  	_ =	shalt  }
0x64: {  	_ =	shalt  }
0x65: {  	_ =	shalt  }
0x66: {  	_ =	shalt  }
0x67: {  	_ =	shalt  }
0x68: {  	_ =	shalt  }
0x69: {  	_ =	shalt  }
0x6a: {  	_ =	shalt  }
0x6b: {  	_ =	shalt  }
0x6c: {  	_ =	shalt  }
0x6d: {  	_ =	shalt  }
0x6e: {  	_ =	shalt  }
0x6f: {  	_ =	shalt  }
0x70: {  	_ =	shalt  }
0x71: {  	_ =	shalt  }
0x72: {  	_ =	shalt  }
0x73: {  	_ =	shalt  }
0x74: {  	_ =	shalt  }
0x75: {  	_ =	shalt  }
0x76: {  	_ =	shalt  }
0x77: {  	_ =	shalt  }
0x78: {  	_ =	shalt  }
0x79: {  	_ =	shalt  }
0x7a: {  	_ =	shalt  }
0x7b: {  	_ =	shalt  }
0x7c: {  	_ =	shalt  }
0x7d: {  	_ =	shalt  }
0x7e: {  	_ =	shalt  }
0x7f: {  	_ =	shalt  }
0x80: {  	_ =	shalt  }
0x81: {  	_ =	shalt  }
0x82: {  	_ =	shalt  }
0x83: {  	_ =	shalt  }
0x84: {  	_ =	shalt  }
0x85: {  	_ =	shalt  }
0x86: {  	_ =	shalt  }
0x87: {  	_ =	shalt  }
.Lfunc_end0:
.L_simem_size_0:
called_computation.2_lowered:
.L_overlay_start_0:
0x88: {  	s2 =	sld [smem:$0x3FD9]  }
0x89: {  	s3 =	sld [smem:$0x3FFE];
	_ =	sdelay $0x1  }
0x8a: {  	s1 =	srdreg.scid  }
0x8b: {  	s0 =	sand.u32 $0x1, s1  }
0x8c: {  	s14 =	sshll.u32 s0, $0xA;
	s2 =	sadd.s32 s3, s2  }
0x8d: {  	s2 =	sadd.s32 s2, s14  }
0x8e: {  	[smem:$0x3FC0] =	sst s2  }
0x8f: {  	_ = 	snop  }
0x90: {  	s2 =	sld [smem:$0x3FD0];
	_ =	sdelay $0x2  }
0x91: {  	s15 =	simm.s32 $0xA;
	s4 =	simm.s32 $0x10  }
0x92: {  	[smem:s4], [sflag:s15] =	dma.local [hbm:s2], $0x1  }
0x93: {  	_ =	swait.eq [sflag:s15], $0x1  }
0x94: {  	s16 =	sld [smem:$0x10]  }
0x95: {  	s17 =	sld [smem:$0x11]  }
0x96: {  	s5 =	sld [smem:$0x13];
	[sflag:s15] =	ssyncset.done $0x0  }
0x97: {  	s6 =	sld [smem:$0x14];
	[sflag:s15] =	ssyncadd.s32 $0xFFFFFFFF  }
0x98: {  	s18 =	sld [smem:$0x15];
	(tm) =	ssettm $0x1  }
0x99: {  	s7 =	sld [smem:$0x3FFB];
	_ =	sdelay $0x3  }
0x9a: {  	_ =	strace s7  }
0x9b: {  	s7 =	sld [smem:$0x3FFC];
	_ =	sdelay $0x3  }
0x9c: {  	_ =	strace s7  }
0x9d: {  	s7 =	sld [smem:$0x3FFD];
	_ =	sdelay $0x3  }
0x9e: {  	_ =	strace s7  }
0x9f: {  	_ =	strace $0x8FFFFFFF  }
0xa0: {  	s19 =	sld [smem:$0x3FDB];
	_ =	sdelay $0x1  }
0xa1: {  	s8 =	simm.s32 $_scs_section_size  }
0xa2: {  	s9 =	simm.s32 $_size__tile_overlayer_lowered;
	s10 =	simm.s32 $_tile_overlayer_lowered  }
0xa3: {  	s22 =	simm.s32 $0x1BFF;
	s21 =	sshll.u32 s10, $0x1;
	s7 =	sadd.s32 s8, s19  }
0xa4: {  	s11 =	simm.s32 $0x0;
	s20 =	sshll.u32 s9, $0x1;
	s9 =	sadd.s32 s21, s7  }
0xa5: {  	[timem:s11], [sflag:s22] =	dma.local [hbm:s9], s20  }
0xa6: {  	_ =	swait.ge [sflag:s22], s20  }
0xa7: {  	s8 =	ssub.s32 $0x0, s20;
	[sflag:s22] =	ssyncset.done $0x0  }
0xa8: {  	[sflag:s22] =	ssyncadd.s32 s8;
	_ =	sdelay $0x1  }
0xa9: {  	s23 =	simm.s32 $0x1B8B  }
0xaa: {  	_ =	swait.ge [sflag:s23], $0x1  }
0xab: {  	[sflag:s23] =	ssyncset.done $0x0  }
0xac: {  	s25 =	simm.s32 $0x1B8E;
	s24 =	sld [smem:$0x3FFE];
	[sflag:s23] =	ssyncadd.s32 $0xFFFFFFFF  }
0xad: {  	s26 =	simm.s32 $execute0_lowered;
	[smem:$0x3FD2] =	sst s25  }
0xae: {  	s9 =	sshll.u32 s26, $0x1;
	_ =	strace $0x8000004C;
	[dreg:$0x1] =	wrdreg $0xFFFFFFFF  }
0xaf: {  	s28 =	simm.s32 $_size_execute0_lowered;
	s7 =	sadd.s32 s7, s9;
	[dreg:$0x0] =	wrdreg $0x0  }
0xb0: {  	s9 =	sshll.u32 s28, $0x1;
	[dreg:$0x2] =	wrdreg s7  }
0xb1: {  	[dreg:$0x3] =	wrdreg s9  }
0xb2: {  	[dreg:$0x4] =	wrdreg $0xC0  }
0xb3: {  	_ =	task [dreg:s11], $0x5FFFF  }
0xb4: {  	[dreg:$0x1] =	wrdreg $0xFFFFFFFF  }
0xb5: {  	[dreg:$0x0] =	wrdreg $0x60  }
0xb6: {  	[dreg:$0x2] =	wrdreg s18  }
0xb7: {  	[dreg:$0x3] =	wrdreg s17  }
0xb8: {  	[dreg:$0x4] =	wrdreg s6  }
0xb9: {  	[dreg:$0x5] =	wrdreg s5  }
0xba: {  	[dreg:$0x6] =	wrdreg s16  }
0xbb: {  	[dreg:$0x7] =	wrdreg s24  }
0xbc: {  	[dreg:$0x8] =	wrdreg $0x2A000  }
0xbd: {  	[dreg:$0x9] =	wrdreg $0x9  }
0xbe: {  	_ =	task.clear_ibuf [dreg:s11], $0xAFFFF;
	_ =	strace $0x9000004C  }
0xbf: {  	s29 =	simm.s32 $0x9;
	_ =	strace $0x8000004E  }
0xc0: {  	_ =	swait.ge [sflag:s29], $0x1  }
0xc1: {  	[sflag:s29] =	ssyncadd.s32 $0xFFFFFFFF  }
0xc2: {  	_ =	strace $0x9000004E  }
0xc3: {  	_ =	sfence  }
0xc4: {  	s30 =	sld [smem:$0x0];
	_ =	sdelay $0x2  }
0xc5: {  	s31 =	sshll.u32 s1, $0xD;
	s1 =	sshrl.u32 s1, $0x2  }
0xc6: {  	s3 =	sand.u32 $0x4000, s31;
	s1 =	sadd.s32 s1, s30  }
0xc7: {  	s0 =	sor.u32 s3, s0;
	s1 =	sshll.u32 s1, $0x11  }
0xc8: {  	s0 =	sor.u32 s1, s0  }
0xc9: {  	s0 =	sadd.s32 $0x8F2B, s0  }
0xca: {  	[sflag:s0] =	ssyncadd.remote.s32 $0x1  }
0xcb: {  	_ =	sfence.sel $0xFFFF  }
0xcc: {  	[dreg:$0x0] =	wrdreg $0xFFFFFFFF;
	(pc) =	sbr.abs _section_cstart, $3  }
0xcd: {  	[dreg:$0x1] =	wrdreg $0xFFFFFFFF  }
0xce: {  	_ =	task.clear_ibuf [dreg:s11], $0x2FFFF;
	_ =	strace $0x9FFFFFFF  }
0xcf: {  	(tm) =	ssettm $0x7FFFFFFF  }
tec
execute0_lowered:
.L_overlay_start_1:
0x0: {  	(tag) =	ssettag $0x1  }
0x1: {  	s0 =	rddreg [dreg:$0x0]  }
0x2: {  	s1 =	rddreg [dreg:$0x1]  }
0x3: {  	s3 =	rddreg [dreg:$0x2]  }
0x4: {  	s4 =	rddreg [dreg:$0x3]  }
0x5: {  	s5 =	rddreg [dreg:$0x4]  }
0x6: {  	s6 =	srdreg.scid;
	s9 =	rddreg [dreg:$0x5]  }
0x7: {  	s2 =	stileid.u32;
	s7 =	rddreg [dreg:$0x6]  }
0x8: {  	s8 =	simm.s32 $0x0;
	s20 =	simm.s32 $0x200;
	s21 =	simm.s32 $0x2  }
0x9: {  	s22 =	simm.s32 $0x80;
	s23 =	simm.s32 $0x100;
	s24 =	simm.s32 $0x180  }
0xa: {  	s25 =	simm.s32 $0x1;
	s26 =	simm.s32 $0x50;
	s10 =	smul.u32 $0x2800, s2  }
0xb: {  	s6 =	sand.u32 $0x1, s6;
	[smem:$0x7FF] =	sst s8;
	s28 =	smul.u32 $0x50000, s2  }
0xc: {  	s11 =	smul.u32 $0x28000, s6;
	_ =	strace $0x8000004D;
	s29 =	ssub.s32 $0x2, s6  }
0xd: {  	s6 =	sshll.u32 s6, $0x4;
	s30 =	sshrl.u32 s28, $0x2;
	s31 =	sshrl.u32 s29, $0x1  }
0xe: {  	s6 =	sor.u32 s2, s6;
	s10 =	sadd.s32 s10, s11;
	s19 =	ssub.s32 s29, s31  }
0xf: {  	s18 =	sadd.s32 s10, s9;
	s9 =	sadd.s32 s30, s7;
	s10 =	smul.u32 $0x2710, s6  }
0x10: {  	s19 =	smax.u32 s19, $0x1;
	s11 =	sadd.s32 $0x2800, s9;
	s12 =	sadd.s32 $0x5000, s9  }
0x11: {  	s13 =	sadd.s32 $0x7800, s9;
	s14 =	sadd.s32 $0xA000, s9;
	s15 =	sadd.s32 $0xC800, s9  }
0x12: {  	v0 =	vimm.f32 $0.0e+00;
	s16 =	sadd.s32 $0xF000, s9;
	s17 =	sadd.s32 $0x11800, s9;
	s18 =	sadd.s32 $0x2C00, s18  }
.LBB2_1:
0x13: {  	s28 =	simm.s32 $0x0;
	s29 =	simm.s32 $0x200  }
.LBB2_2:
0x14: {  	p0 =	sne.s32 s29, $0x9E00;
	[tilespmem:s28+$0x270] =	vst v0  }
0x15: {  	[tilespmem:s28+$0x200] =	vst v0  }
0x16: {  	[tilespmem:s28+$0x210] =	vst v0  }
.Ltmp0:
0x17: {  	[tilespmem:s28+$0x220] =	vst v0;
	(pc) =	sbr.rel @p0 .LBB2_2-.Ltmp0, $4  }
0x18: {  	[tilespmem:s28+$0x230] =	vst v0  }
0x19: {  	[tilespmem:s28+$0x240] =	vst v0  }
0x1a: {  	[tilespmem:s28+$0x250] =	vst v0  }
0x1b: {  	[tilespmem:s28+$0x260] =	vst v0;
	s28 =	sshra.s32 s29, $0x2;
	s29 =	sadd.s32 $0x200, s29  }
0x1c: {  	[tilespmem:s28+$0x270] =	vst v0  }
0x1d: {  	[tilespmem:s28+$0x200] =	vst v0  }
0x1e: {  	[tilespmem:s28+$0x210] =	vst v0  }
0x1f: {  	[tilespmem:s28+$0x220] =	vst v0  }
0x20: {  	[tilespmem:s28+$0x230] =	vst v0  }
0x21: {  	[tilespmem:s28+$0x240] =	vst v0  }
0x22: {  	[tilespmem:s28+$0x250] =	vst v0  }
0x23: {  	[tilespmem:s28+$0x260] =	vst v0  }
0x24: {  	[spmem:s9] =	stream.linear.scatter [tilespmem:s20], [sflag:$0x2], $0x2800, $0x38;
	[tilespmem:$0x16A00] =	vst v63  }
0x25: {  	_ =	swait.ge [sflag:s21], $0x2800  }
0x26: {  	[sflag:s21] =	ssyncset.done $0x0  }
0x27: {  	[sflag:s21] =	ssyncadd.s32 $0xFFFFD800  }
0x28: {  	[spmem:s11] =	stream.linear.scatter [tilespmem:s20], [sflag:$0x2], $0x2800, $0x38;
	[tilespmem:$0x16A00] =	vst v63  }
0x29: {  	_ =	swait.ge [sflag:s21], $0x2800  }
0x2a: {  	[sflag:s21] =	ssyncset.done $0x0  }
0x2b: {  	[sflag:s21] =	ssyncadd.s32 $0xFFFFD800  }
0x2c: {  	[spmem:s12] =	stream.linear.scatter [tilespmem:s20], [sflag:$0x2], $0x2800, $0x38;
	[tilespmem:$0x16A00] =	vst v63  }
0x2d: {  	_ =	swait.ge [sflag:s21], $0x2800  }
0x2e: {  	[sflag:s21] =	ssyncset.done $0x0  }
0x2f: {  	[sflag:s21] =	ssyncadd.s32 $0xFFFFD800  }
0x30: {  	[spmem:s13] =	stream.linear.scatter [tilespmem:s20], [sflag:$0x2], $0x2800, $0x38;
	[tilespmem:$0x16A00] =	vst v63  }
0x31: {  	_ =	swait.ge [sflag:s21], $0x2800  }
0x32: {  	[sflag:s21] =	ssyncset.done $0x0  }
0x33: {  	[sflag:s21] =	ssyncadd.s32 $0xFFFFD800  }
0x34: {  	[spmem:s14] =	stream.linear.scatter [tilespmem:s20], [sflag:$0x2], $0x2800, $0x38;
	[tilespmem:$0x16A00] =	vst v63  }
0x35: {  	_ =	swait.ge [sflag:s21], $0x2800  }
0x36: {  	[sflag:s21] =	ssyncset.done $0x0  }
0x37: {  	[sflag:s21] =	ssyncadd.s32 $0xFFFFD800  }
0x38: {  	[spmem:s15] =	stream.linear.scatter [tilespmem:s20], [sflag:$0x2], $0x2800, $0x38;
	[tilespmem:$0x16A00] =	vst v63  }
0x39: {  	_ =	swait.ge [sflag:s21], $0x2800  }
0x3a: {  	[sflag:s21] =	ssyncset.done $0x0  }
0x3b: {  	[sflag:s21] =	ssyncadd.s32 $0xFFFFD800  }
0x3c: {  	[spmem:s16] =	stream.linear.scatter [tilespmem:s20], [sflag:$0x2], $0x2800, $0x38;
	[tilespmem:$0x16A00] =	vst v63  }
0x3d: {  	_ =	swait.ge [sflag:s21], $0x2800  }
0x3e: {  	[sflag:s21] =	ssyncset.done $0x0  }
0x3f: {  	[sflag:s21] =	ssyncadd.s32 $0xFFFFD800  }
0x40: {  	[spmem:s17] =	stream.linear.scatter [tilespmem:s20], [sflag:$0x2], $0x2800, $0x38;
	[tilespmem:$0x16A00] =	vst v63  }
0x41: {  	_ =	swait.ge [sflag:s21], $0x2800  }
0x42: {  	[sflag:s21] =	ssyncset.done $0x0  }
0x43: {  	[sflag:s21] =	ssyncadd.s32 $0xFFFFD800  }
0x44: {  	s28 =	simm.s32 $0x0;
	s29 =	simm.s32 $0x0;
	[bflag:$0x0] =	sbarrier.arrive $0xFFFF  }
.LBB2_4:
0x45: {  	s6 =	smul.u32 $0x50, s29;
	_ =	sdelay $0x1  }
0x46: {  	s6 =	sadd.s32 s10, s6  }
0x47: {  	s6 =	sshrl.u32 s6, $0x3  }
0x48: {  	s30 =	sadd.s32 s1, s6  }
0x49: {  	[tilespmem:s28], [sflag:$0x1] =	stream.linear.gather [hbm4b:s30+s28], $0x50, $0x38;
	[tilespmem:$0x16A00] =	vst v63  }
0x4a: {  	s30 =	sadd.s32 s3, s6  }
0x4b: {  	[tilespmem:s22], [sflag:$0x1] =	stream.linear.gather [hbm4b:s30+s28], $0x50, $0x38;
	[tilespmem:$0x16A00] =	vst v63  }
0x4c: {  	s30 =	sadd.s32 s4, s6  }
0x4d: {  	[tilespmem:s23], [sflag:$0x1] =	stream.linear.gather [hbm4b:s30+s28], $0x50, $0x38;
	[tilespmem:$0x16A00] =	vst v63  }
0x4e: {  	s6 =	sadd.s32 s5, s6  }
0x4f: {  	[tilespmem:s24], [sflag:$0x1] =	stream.linear.gather [hbm4b:s6+s28], $0x50, $0x38;
	[tilespmem:$0x16A00] =	vst v63  }
0x50: {  	_ =	swait.ge [sflag:s25], $0x50  }
0x51: {  	[sflag:s25] =	ssyncset.done $0x0  }
0x52: {  	[sflag:s25] =	ssyncadd.s32 $0xFFFFFFB0  }
0x53: {  	_ =	swait.ge [sflag:s25], $0x50  }
0x54: {  	[sflag:s25] =	ssyncset.done $0x0  }
0x55: {  	[sflag:s25] =	ssyncadd.s32 $0xFFFFFFB0  }
0x56: {  	_ =	swait.ge [sflag:s25], $0x50  }
0x57: {  	[sflag:s25] =	ssyncset.done $0x0  }
0x58: {  	[sflag:s25] =	ssyncadd.s32 $0xFFFFFFB0  }
0x59: {  	v1 =	vmov s28;
	_ =	swait.ge [sflag:s25], $0x50  }
0x5a: {  	s2 =	simm.s32 $0x3;
	v1 =	vand.u32 $0xFFFFFFFC, v1;
	s30 =	simm.s32 $0x1;
	[sflag:s25] =	ssyncset.done $0x0  }
0x5b: {  	v2 =	vmov s2;
	s2 =	simm.s32 $0x2;
	v3 =	vbroadcast v1, $0x0;
	v1 =	vmov s30;
	[sflag:s25] =	ssyncadd.s32 $0xFFFFFFB0  }
0x5c: {  	v4 =	vmov s2;
	v1 =	vand.u32 $0xFFFFFFFD, v1;
	[tilespmem:s20], [sflag:$0x1] =	stream.indirect.gather [hbm4b:s0+s26], $0x80, s28, s26, $0xb8;
	[tilespmem:$0x16A00] =	vst v63  }
0x5d: {  	v5 =	vbroadcast v1, $0x0;
	v1 =	vand.u32 $0xFFFFFFFE, v4;
	_ =	swait.ge [sflag:s25], $0x2800  }
0x5e: {  	v4 =	vbroadcast v1, $0x0;
	[sflag:s25] =	ssyncset.done $0x0  }
0x5f: {  	[sflag:s25] =	ssyncadd.s32 $0xFFFFD800  }
0x60: {  	v1 =	vld.idx.msk [tilespmem:v2+s23+$0x0], $0xffff  }
0x61: {  	v6 =	vld.idx.msk [tilespmem:v3+s23+$0x0], $0xffff  }
0x62: {  	v3 =	vld.idx.msk [tilespmem:v3+s24+$0x0], $0xffff  }
0x63: {  	v7 =	vld.idx.msk [tilespmem:v5+s23+$0x0], $0xffff  }
0x64: {  	s30 =	simm.s32 $0x300;
	v9 =	vld.idx.msk [tilespmem:v4+s24+$0x0], $0xffff  }
0x65: {  	v8 =	vld [tilespmem:s30+$0xFFFFFF00]  }
0x66: {  	v10 =	vld [tilespmem:s30+$0x70]  }
0x67: {  	v11 =	vld [tilespmem:s30+$0xFFFFFF10]  }
0x68: {  	v12 =	vld [tilespmem:s30+$0xFFFFFF20]  }
0x69: {  	v13 =	vld [tilespmem:s30+$0xFFFFFF30]  }
0x6a: {  	v14 =	vld [tilespmem:s30+$0xFFFFFF40]  }
0x6b: {  	v15 =	vld [tilespmem:s30+$0xFFFFFF50]  }
0x6c: {  	v5 =	vld.idx.msk [tilespmem:v5+s24+$0x0], $0xffff  }
0x6d: {  	v4 =	vld.idx.msk [tilespmem:v4+s23+$0x0], $0xffff;
	v8 =	vmul.f32 v8, v6  }
0x6e: {  	v16 =	vld [tilespmem:s30+$0xFFFFFF80];
	v11 =	vmul.f32 v11, v6  }
0x6f: {  	v2 =	vld.idx.msk [tilespmem:v2+s24+$0x0], $0xffff;
	v10 =	vmul.f32 v10, v9;
	[tilespmem:s30+$0xFFFFFF00] =	vst v8  }
0x70: {  	v12 =	vmul.f32 v12, v6;
	v6 =	vmul.f32 v13, v6;
	v8 =	vld [tilespmem:s30+$0xFFFFFF60];
	[tilespmem:s30+$0xFFFFFF10] =	vst v11  }
0x71: {  	v11 =	vld [tilespmem:s30+$0xFFFFFF70];
	[tilespmem:s30+$0x70] =	vst v10  }
0x72: {  	v10 =	vld [tilespmem:s30+$0xFFFFFF90];
	[tilespmem:s30+$0xFFFFFF30] =	vst v6;
	v6 =	vmul.f32 v15, v3  }
0x73: {  	v13 =	vld [tilespmem:s30+$0xFFFFFFA0];
	[tilespmem:s30+$0xFFFFFF20] =	vst v12;
	v12 =	vmul.f32 v14, v3  }
0x74: {  	v14 =	vld [tilespmem:s30+$0xFFFFFFB0];
	[tilespmem:s30+$0xFFFFFF50] =	vst v6;
	v6 =	vmul.f32 v16, v7  }
0x75: {  	[tilespmem:s30+$0xFFFFFF40] =	vst v12;
	v12 =	vld [tilespmem:s30+$0xFFFFFFC0];
	v8 =	vmul.f32 v8, v3  }
0x76: {  	v15 =	vld [tilespmem:s30+$0xFFFFFFD0];
	[tilespmem:s30+$0xFFFFFF80] =	vst v6;
	v3 =	vmul.f32 v11, v3  }
0x77: {  	v10 =	vmul.f32 v10, v7;
	[tilespmem:s30+$0xFFFFFF60] =	vst v8;
	v8 =	vld [tilespmem:s30+$0xFFFFFFE0]  }
0x78: {  	v6 =	vld [tilespmem:s30+$0xFFFFFFF0];
	[tilespmem:s30+$0xFFFFFF70] =	vst v3;
	v3 =	vmul.f32 v13, v7  }
0x79: {  	[tilespmem:s30+$0xFFFFFF90] =	vst v10;
	v7 =	vmul.f32 v14, v7;
	v10 =	vld [tilespmem:s30+$0x0]  }
0x7a: {  	v11 =	vld [tilespmem:s30+$0x10];
	[tilespmem:s30+$0xFFFFFFA0] =	vst v3;
	v3 =	vmul.f32 v12, v5  }
0x7b: {  	[tilespmem:s30+$0xFFFFFFB0] =	vst v7;
	v7 =	vmul.f32 v15, v5;
	v12 =	vld [tilespmem:s30+$0x20]  }
0x7c: {  	[tilespmem:s30+$0xFFFFFFC0] =	vst v3;
	v3 =	vmul.f32 v8, v5;
	v8 =	vld [tilespmem:s30+$0x30]  }
0x7d: {  	[tilespmem:s30+$0xFFFFFFD0] =	vst v7;
	v5 =	vmul.f32 v6, v5;
	v6 =	vld [tilespmem:s30+$0x40]  }
0x7e: {  	v7 =	vld [tilespmem:s30+$0x50];
	[tilespmem:s30+$0xFFFFFFE0] =	vst v3;
	v3 =	vmul.f32 v10, v4  }
0x7f: {  	[tilespmem:s30+$0xFFFFFFF0] =	vst v5;
	v5 =	vmul.f32 v11, v4;
	v10 =	vld [tilespmem:s30+$0x60]  }
0x80: {  	v13 =	vld [tilespmem:s30+$0x80];
	v11 =	vmul.f32 v12, v4;
	[tilespmem:s30+$0x0] =	vst v3  }
0x81: {  	s2 =	simm.s32 $0x4;
	[tilespmem:s30+$0x10] =	vst v5;
	v3 =	vld [tilespmem:s30+$0x90];
	v5 =	vmul.f32 v8, v4  }
0x82: {  	[tilespmem:s30+$0x20] =	vst v11;
	v8 =	vmov s2;
	v6 =	vmul.f32 v6, v9;
	v4 =	vld [tilespmem:s30+$0xA0];
	s2 =	simm.s32 $0x7  }
0x83: {  	s31 =	simm.s32 $0x5;
	v14 =	vmul.f32 v7, v9;
	v11 =	vand.u32 $0xFFFFFFFC, v8;
	v8 =	vmov s2;
	[tilespmem:s30+$0x30] =	vst v5;
	v5 =	vld [tilespmem:s30+$0xB0]  }
0x84: {  	v7 =	vbroadcast v11, $0x0;
	v11 =	vmov s31;
	[tilespmem:s30+$0x40] =	vst v6;
	v6 =	vld [tilespmem:s30+$0xC0];
	v10 =	vmul.f32 v10, v9  }
0x85: {  	s6 =	simm.s32 $0x6;
	[tilespmem:s30+$0x50] =	vst v14;
	s31 =	simm.s32 $0x8;
	v9 =	vld [tilespmem:s30+$0xD0];
	v12 =	vand.u32 $0xFFFFFFFD, v11;
	v11 =	vmul.f32 v13, v1  }
.LBB2_5:
0x86: {  	p0 =	slt.u32 s31, $0x4C;
	v12 =	vbroadcast v12, $0x0;
	v13 =	vmov s6;
	[tilespmem:s30+$0x60] =	vst v10;
	v3 =	vmul.f32 v3, v1;
	v10 =	vld [tilespmem:s30+$0xE0]  }
0x87: {  	v13 =	vand.u32 $0xFFFFFFFE, v13;
	[tilespmem:s30+$0x80] =	vst v11;
	v4 =	vmul.f32 v4, v1;
	v11 =	vld [tilespmem:s30+$0xF0]  }
0x88: {  	v13 =	vbroadcast v13, $0x0;
	[tilespmem:s30+$0x90] =	vst v3;
	v3 =	vmul.f32 v5, v1;
	v1 =	vld.idx.msk [tilespmem:v8+s23+$0x0], $0xffff  }
0x89: {  	v5 =	vld.idx.msk [tilespmem:v8+s24+$0x0], $0xffff;
	[tilespmem:s30+$0xA0] =	vst v4;
	v4 =	vmul.f32 v6, v2  }
0x8a: {  	v6 =	vld.idx.msk [tilespmem:v7+s23+$0x0], $0xffff;
	[tilespmem:s30+$0xB0] =	vst v3;
	v3 =	vmul.f32 v9, v2  }
0x8b: {  	v7 =	vld.idx.msk [tilespmem:v7+s24+$0x0], $0xffff;
	[tilespmem:s30+$0xC0] =	vst v4;
	v4 =	vmul.f32 v10, v2  }
0x8c: {  	v8 =	vld.idx.msk [tilespmem:v12+s23+$0x0], $0xffff;
	[tilespmem:s30+$0xD0] =	vst v3;
	v10 =	vmul.f32 v11, v2  }
0x8d: {  	v3 =	vld.idx.msk [tilespmem:v12+s24+$0x0], $0xffff;
	[tilespmem:s30+$0xE0] =	vst v4  }
0x8e: {  	v9 =	vld.idx.msk [tilespmem:v13+s24+$0x0], $0xffff;
	[tilespmem:s30+$0xF0] =	vst v10;
	s30 =	sadd.s32 $0x200, s30  }
0x8f: {  	v2 =	vmov v5;
	v4 =	vld [tilespmem:s30+$0x70]  }
0x90: {  	v5 =	vld [tilespmem:s30+$0xFFFFFF00]  }
0x91: {  	v10 =	vld [tilespmem:s30+$0xFFFFFF10]  }
0x92: {  	v11 =	vld [tilespmem:s30+$0xFFFFFF20]  }
0x93: {  	v12 =	vld [tilespmem:s30+$0xFFFFFF30]  }
0x94: {  	v14 =	vld [tilespmem:s30+$0xFFFFFF40];
	v4 =	vmul.f32 v4, v9  }
0x95: {  	v5 =	vmul.f32 v5, v6;
	v15 =	vld [tilespmem:s30+$0xFFFFFF50]  }
0x96: {  	v10 =	vmul.f32 v10, v6;
	v13 =	vld.idx.msk [tilespmem:v13+s23+$0x0], $0xffff;
	[tilespmem:s30+$0x70] =	vst v4  }
0x97: {  	[tilespmem:s30+$0xFFFFFF00] =	vst v5;
	v4 =	vmul.f32 v11, v6;
	v5 =	vld [tilespmem:s30+$0xFFFFFF60]  }
0x98: {  	[tilespmem:s30+$0xFFFFFF10] =	vst v10;
	v6 =	vmul.f32 v12, v6;
	v10 =	vld [tilespmem:s30+$0xFFFFFF70]  }
0x99: {  	[tilespmem:s30+$0xFFFFFF20] =	vst v4;
	v4 =	vmul.f32 v14, v7;
	v11 =	vld [tilespmem:s30+$0xFFFFFF80]  }
0x9a: {  	[tilespmem:s30+$0xFFFFFF30] =	vst v6;
	v6 =	vmul.f32 v15, v7;
	v12 =	vld [tilespmem:s30+$0xFFFFFF90]  }
0x9b: {  	[tilespmem:s30+$0xFFFFFF40] =	vst v4;
	v4 =	vld [tilespmem:s30+$0xFFFFFFA0]  }
0x9c: {  	[tilespmem:s30+$0xFFFFFF50] =	vst v6;
	v5 =	vmul.f32 v5, v7;
	v6 =	vld [tilespmem:s30+$0xFFFFFFB0]  }
0x9d: {  	v7 =	vmul.f32 v10, v7;
	v10 =	vld [tilespmem:s30+$0xFFFFFFC0]  }
0x9e: {  	[tilespmem:s30+$0xFFFFFF60] =	vst v5;
	v5 =	vmul.f32 v11, v8;
	v11 =	vld [tilespmem:s30+$0xFFFFFFD0]  }
0x9f: {  	[tilespmem:s30+$0xFFFFFF70] =	vst v7;
	v7 =	vmul.f32 v12, v8;
	v12 =	vld [tilespmem:s30+$0xFFFFFFE0]  }
0xa0: {  	[tilespmem:s30+$0xFFFFFF80] =	vst v5;
	v4 =	vmul.f32 v4, v8;
	v5 =	vld [tilespmem:s30+$0xFFFFFFF0]  }
0xa1: {  	[tilespmem:s30+$0xFFFFFF90] =	vst v7;
	v6 =	vmul.f32 v6, v8;
	v7 =	vld [tilespmem:s30+$0x0]  }
0xa2: {  	[tilespmem:s30+$0xFFFFFFA0] =	vst v4;
	v4 =	vmul.f32 v10, v3;
	v8 =	vld [tilespmem:s30+$0x10]  }
0xa3: {  	[tilespmem:s30+$0xFFFFFFB0] =	vst v6;
	v6 =	vmul.f32 v11, v3;
	v10 =	vld [tilespmem:s30+$0x20]  }
0xa4: {  	[tilespmem:s30+$0xFFFFFFC0] =	vst v4;
	v4 =	vmul.f32 v12, v3;
	v11 =	vld [tilespmem:s30+$0x30]  }
0xa5: {  	[tilespmem:s30+$0xFFFFFFD0] =	vst v6;
	v3 =	vmul.f32 v5, v3;
	v5 =	vld [tilespmem:s30+$0x40]  }
0xa6: {  	[tilespmem:s30+$0xFFFFFFE0] =	vst v4;
	v4 =	vmul.f32 v7, v13;
	v6 =	vld [tilespmem:s30+$0x50]  }
0xa7: {  	[tilespmem:s30+$0xFFFFFFF0] =	vst v3;
	v3 =	vmul.f32 v8, v13;
	v12 =	vld [tilespmem:s30+$0x60]  }
0xa8: {  	[tilespmem:s30+$0x0] =	vst v4;
	v4 =	vmul.f32 v10, v13;
	v14 =	vld [tilespmem:s30+$0x80]  }
.Ltmp1:
0xa9: {  	[tilespmem:s30+$0x10] =	vst v3;
	v7 =	vmul.f32 v11, v13;
	v3 =	vld [tilespmem:s30+$0x90];
	(pc) =	sbr.rel @p0 .LBB2_5-.Ltmp1, $4  }
0xaa: {  	s6 =	sadd.s32 $0x3, s31;
	v8 =	vmov s31;
	[tilespmem:s30+$0x20] =	vst v4;
	v10 =	vmul.f32 v5, v9;
	v4 =	vld [tilespmem:s30+$0xA0]  }
0xab: {  	s2 =	sadd.s32 $0x1, s31;
	v11 =	vand.u32 $0xFFFFFFFC, v8;
	v8 =	vmov s6;
	[tilespmem:s30+$0x30] =	vst v7;
	v13 =	vmul.f32 v6, v9;
	v5 =	vld [tilespmem:s30+$0xB0]  }
0xac: {  	v7 =	vbroadcast v11, $0x0;
	v11 =	vmov s2;
	[tilespmem:s30+$0x40] =	vst v10;
	v10 =	vmul.f32 v12, v9;
	v6 =	vld [tilespmem:s30+$0xC0]  }
0xad: {  	s6 =	sadd.s32 $0x2, s31;
	s31 =	sadd.s32 $0x4, s31;
	v12 =	vand.u32 $0xFFFFFFFD, v11;
	[tilespmem:s30+$0x50] =	vst v13;
	v11 =	vmul.f32 v14, v1;
	v9 =	vld [tilespmem:s30+$0xD0]  }
0xae: {  	_ =	sdelay $0x1  }
0xaf: {  	v13 =	vld [tilespmem:s30+$0xE0]  }
0xb0: {  	v28 =	vld [tilespmem:s30+$0xF0]  }
0xb1: {  	v15 =	vld.idx.msk [tilespmem:v8+s23+$0x0], $0xffff  }
0xb2: {  	v29 =	vld.idx.msk [tilespmem:v8+s24+$0x0], $0xffff  }
0xb3: {  	v16 =	vld.idx.msk [tilespmem:v7+s23+$0x0], $0xffff  }
0xb4: {  	v30 =	vld.idx.msk [tilespmem:v7+s24+$0x0], $0xffff;
	s31 =	sadd.s32 $0x200, s30  }
0xb5: {  	v31 =	vld [tilespmem:s31+$0x70]  }
0xb6: {  	v33 =	vld [tilespmem:s31+$0xFFFFFF10]  }
0xb7: {  	v3 =	vmul.f32 v3, v1;
	[tilespmem:s30+$0x60] =	vst v10;
	v34 =	vld [tilespmem:s31+$0xFFFFFF20]  }
0xb8: {  	[tilespmem:s30+$0x80] =	vst v11;
	v4 =	vmul.f32 v4, v1;
	v36 =	vld [tilespmem:s31+$0xFFFFFF30]  }
0xb9: {  	v14 =	vmov s6;
	v38 =	vld [tilespmem:s31+$0xFFFFFF50];
	[tilespmem:s30+$0x90] =	vst v3;
	v1 =	vmul.f32 v5, v1  }
0xba: {  	v27 =	vand.u32 $0xFFFFFFFE, v14;
	v3 =	vld [tilespmem:s31+$0xFFFFFF00];
	[tilespmem:s30+$0xA0] =	vst v4;
	v32 =	vmul.f32 v6, v2  }
0xbb: {  	v39 =	vld [tilespmem:s31+$0xFFFFFF60];
	v11 =	vbroadcast v27, $0x0;
	[tilespmem:s30+$0xB0] =	vst v1;
	v1 =	vmul.f32 v9, v2  }
0xbc: {  	v12 =	vbroadcast v12, $0x0;
	v40 =	vld [tilespmem:s31+$0xFFFFFF70];
	[tilespmem:s30+$0xC0] =	vst v32;
	v35 =	vmul.f32 v13, v2  }
0xbd: {  	v42 =	vld [tilespmem:s31+$0xFFFFFF80];
	[tilespmem:s30+$0xD0] =	vst v1;
	v1 =	vmul.f32 v28, v2  }
0xbe: {  	v2 =	vld [tilespmem:s31+$0xFFFFFF40];
	v5 =	vmul.f32 v33, v16;
	[tilespmem:s30+$0xE0] =	vst v35  }
0xbf: {  	v44 =	vld [tilespmem:s31+$0xFFFFFFA0];
	[tilespmem:s30+$0xF0] =	vst v1;
	v1 =	vmul.f32 v3, v16  }
0xc0: {  	v45 =	vld [tilespmem:s31+$0xFFFFFFB0];
	v41 =	vmul.f32 v36, v16;
	[tilespmem:s31+$0xFFFFFF10] =	vst v5  }
0xc1: {  	v18 =	vld.idx.msk [tilespmem:v11+s24+$0x0], $0xffff;
	[tilespmem:s31+$0xFFFFFF00] =	vst v1;
	v1 =	vmul.f32 v34, v16  }
0xc2: {  	v17 =	vld.idx.msk [tilespmem:v12+s23+$0x0], $0xffff;
	v43 =	vmul.f32 v38, v30;
	[tilespmem:s31+$0xFFFFFF30] =	vst v41  }
0xc3: {  	[tilespmem:s31+$0xFFFFFF20] =	vst v1;
	v1 =	vmul.f32 v2, v30;
	v2 =	vld [tilespmem:s31+$0xFFFFFF90]  }
0xc4: {  	v47 =	vld [tilespmem:s31+$0xFFFFFFC0];
	v46 =	vmul.f32 v40, v30;
	[tilespmem:s31+$0xFFFFFF50] =	vst v43  }
0xc5: {  	v48 =	vld [tilespmem:s31+$0xFFFFFFD0];
	[tilespmem:s31+$0xFFFFFF40] =	vst v1;
	v1 =	vmul.f32 v39, v30  }
0xc6: {  	v12 =	vld.idx.msk [tilespmem:v12+s24+$0x0], $0xffff;
	[tilespmem:s31+$0xFFFFFF70] =	vst v46;
	v37 =	vmul.f32 v31, v18  }
0xc7: {  	v49 =	vld [tilespmem:s31+$0xFFFFFFE0];
	[tilespmem:s31+$0xFFFFFF60] =	vst v1;
	v1 =	vmul.f32 v42, v17  }
0xc8: {  	v3 =	vld.idx.msk [tilespmem:v11+s23+$0x0], $0xffff;
	[tilespmem:s31+$0x70] =	vst v37;
	v2 =	vmul.f32 v2, v17  }
0xc9: {  	v50 =	vld [tilespmem:s31+$0xFFFFFFF0];
	[tilespmem:s31+$0xFFFFFF80] =	vst v1;
	v1 =	vmul.f32 v44, v17  }
0xca: {  	v51 =	vld [tilespmem:s31+$0x0];
	[tilespmem:s31+$0xFFFFFF90] =	vst v2;
	v2 =	vmul.f32 v45, v17  }
0xcb: {  	v52 =	vld [tilespmem:s31+$0x10];
	[tilespmem:s31+$0xFFFFFFA0] =	vst v1;
	v1 =	vmul.f32 v47, v12  }
0xcc: {  	v53 =	vld [tilespmem:s31+$0x20];
	[tilespmem:s31+$0xFFFFFFB0] =	vst v2;
	v2 =	vmul.f32 v48, v12  }
0xcd: {  	v54 =	vld [tilespmem:s31+$0x30];
	[tilespmem:s31+$0xFFFFFFC0] =	vst v1;
	v1 =	vmul.f32 v49, v12  }
0xce: {  	v55 =	vld [tilespmem:s31+$0x40];
	[tilespmem:s31+$0xFFFFFFD0] =	vst v2;
	v2 =	vmul.f32 v50, v12  }
0xcf: {  	v56 =	vld [tilespmem:s31+$0x50];
	[tilespmem:s31+$0xFFFFFFE0] =	vst v1;
	v1 =	vmul.f32 v51, v3  }
0xd0: {  	v57 =	vld [tilespmem:s31+$0x60];
	[tilespmem:s31+$0xFFFFFFF0] =	vst v2;
	v2 =	vmul.f32 v52, v3  }
0xd1: {  	v58 =	vld [tilespmem:s31+$0x80];
	[tilespmem:s31+$0x0] =	vst v1;
	v1 =	vmul.f32 v53, v3  }
0xd2: {  	[tilespmem:s31+$0x10] =	vst v2;
	v2 =	vmul.f32 v54, v3;
	v3 =	vld [tilespmem:s31+$0x90]  }
0xd3: {  	v59 =	vld [tilespmem:s31+$0xA0];
	[tilespmem:s31+$0x20] =	vst v1;
	v1 =	vmul.f32 v55, v18  }
0xd4: {  	v60 =	vld [tilespmem:s31+$0xB0];
	[tilespmem:s31+$0x30] =	vst v2;
	v2 =	vmul.f32 v56, v18  }
0xd5: {  	v61 =	vld [tilespmem:s31+$0xC0];
	[tilespmem:s31+$0x40] =	vst v1;
	v1 =	vmul.f32 v57, v18  }
0xd6: {  	v62 =	vld [tilespmem:s31+$0xD0];
	[tilespmem:s31+$0x50] =	vst v2;
	v2 =	vmul.f32 v58, v15  }
0xd7: {  	[tilespmem:s31+$0x60] =	vst v1;
	v1 =	vmul.f32 v3, v15;
	v3 =	vld [tilespmem:s31+$0xE0]  }
0xd8: {  	v63 =	vld [tilespmem:s31+$0xF0];
	[tilespmem:s31+$0x80] =	vst v2;
	v2 =	vmul.f32 v59, v15  }
0xd9: {  	[tilespmem:s31+$0x90] =	vst v1;
	v1 =	vmul.f32 v60, v15  }
0xda: {  	[tilespmem:s31+$0xA0] =	vst v2;
	v2 =	vmul.f32 v61, v29  }
0xdb: {  	[tilespmem:s31+$0xB0] =	vst v1;
	v1 =	vmul.f32 v62, v29  }
0xdc: {  	[tilespmem:s31+$0xC0] =	vst v2;
	v2 =	vmul.f32 v3, v29  }
0xdd: {  	s29 =	sadd.s32 $0x1, s29;
	[tilespmem:s31+$0xD0] =	vst v1;
	v1 =	vmul.f32 v63, v29  }
0xde: {  	p0 =	sne.s32 s29, $0x7D;
	[tilespmem:s31+$0xE0] =	vst v2  }
.Ltmp2:
0xdf: {  	[tilespmem:s31+$0xF0] =	vst v1;
	(pc) =	sbr.rel @p0 .LBB2_4-.Ltmp2, $4  }
0xe0: {  	[spmem:s7] =	stream.indirect.scatter.add.f32 [tilespmem:s20], [sflag:$0x2], $0x80, s22, s26, $0xb8;
	[tilespmem:$0x16A00] =	vst v63  }
0xe1: {  	_ =	swait.ge [sflag:s21], $0x2800  }
0xe2: {  	[sflag:s21] =	ssyncset.done $0x0  }
0xe3: {  	[sflag:s21] =	ssyncadd.s32 $0xFFFFD800  }
0xe4: {  	s2 =	stileid.u32;
	s8 =	sadd.s32 $0x1, s8  }
0xe5: {  	[bflag:$0x0] =	sbarrier.arrive $0xFFFF;
	s2 =	sshll.u32 s2, $0x6;
	p0 =	sne.s32 s8, s19  }
.Ltmp3:
0xe6: {  	s6 =	sshrl.u32 s9, $0x3;
	s2 =	sor.u32 $0x1C02, s2;
	(pc) =	sbr.rel @p0 .LBB2_1-.Ltmp3, $4  }
0xe7: {  	[hbm:s18], [sflag:s2] =	dma.local [spmem:s6], $0x2800  }
0xe8: {  	_ =	swait.ge [sflag:s21], $0x2800  }
0xe9: {  	[sflag:s21] =	ssyncset.done $0x0  }
0xea: {  	[sflag:s21] =	ssyncadd.s32 $0xFFFFD800  }
0xeb: {  	_ =	sfence.sel $0x180000  }
0xec: {  	[bflag:$0x0] =	sbarrier.arrive $0xFFFF  }
0xed: {  	_ =	strace $0x9000004D  }
0xee: {  	s0 =	stileid.u32;
	[bflag:$0x2] =	sbarrier.arrive $0xFFFF  }
0xef: {  	p0 =	sne.s32 s0, $0x0;
	s0 =	rddreg [dreg:$0x7]  }
0xf0: {  	s0 =	sadd.s32 @!p0 $0x100000, s0  }
0xf1: {  	[sflag:s0] =	ssyncadd.tile.s32 @!p0 $0x1;
	_ =	shalt  }
.Lfunc_end2:
_tile_overlayer_lowered:
.L_overlay_start_2:
0xf2: {  	(tag) =	ssettag $0x2  }
0xf3: {  	s0 =	rddreg [dreg:$0x0];
	s2 =	stileid.u32  }
0xf4: {  	s1 =	rddreg [dreg:$0x1];
	p0 =	sne.s32 s2, $0x0  }
0xf5: {  	s3 =	rddreg [dreg:$0x2];
	[bflag:$0x3] =	sbarrier.arrive $0xFFFF;
	s2 =	simm.s32 @!p0 $0x1C02  }
0xf6: {  	[timem:s3], [sflag:s2] =	dma.local @!p0 [hbm:s0], s1  }
0xf7: {  	s0 =	simm.s32 @!p0 $0x2  }
0xf8: {  	_ =	swait.ge @!p0 [sflag:s0], s1  }
0xf9: {  	s1 =	ssub.s32 @!p0 $0x0, s1;
	[sflag:s0] =	ssyncset.done @!p0 $0x0  }
0xfa: {  	[sflag:s0] =	ssyncadd.s32 @!p0 s1  }
0xfb: {  	[bflag:$0x3] =	sbarrier.arrive $0xFFFF  }
0xfc: {  	_ =	shalt  }

// kernel: kernel.15.cloned.1.call-start
scs
__scs_entry_jumppad:
0x0: {  	(pc) =	sbr.rel $0x88, $3  }
0x1: {  	(tag) =	ssettag $0x0;
	lr =	simm.s32 $0x1  }
0x2: {  	[smem:$0x3F99] =	sst lr;
	_ =	strace $0xD0000000  }
0x3: {  	_ = 	snop  }
0x4: {  	_ = 	snop  }
0x5: {  	_ = 	snop  }
0x6: {  	_ = 	snop  }
0x7: {  	_ = 	snop  }
__scs_overlays_trampoline_lowered:
0x8: {  	[smem:$0x3FA8] =	sst s0  }
0x9: {  	[smem:$0x3FA9] =	sst s1  }
0xa: {  	[smem:$0x3FAA] =	sst s2  }
0xb: {  	[smem:$0x3FAB] =	sst s3  }
0xc: {  	[smem:$0x3FAC] =	sst s4  }
0xd: {  	[smem:$0x3FAD] =	sst s5  }
0xe: {  	[smem:$0x3FAE] =	sst s6  }
0xf: {  	[smem:$0x3FAF] =	sst s7  }
0x10: {  	[smem:$0x3FB0] =	sst s8  }
0x11: {  	[smem:$0x3FB1] =	sst s9;
	s0 =	simm.s32 @!p0 $0x0  }
0x12: {  	s1 =	sld [smem:$0x3F97];
	s0 =	simm.s32 @p0 $0x1  }
0x13: {  	[smem:$0x3FB2] =	sst s0;
	s0 =	simm.s32 @!p1 $0x0  }
0x14: {  	s2 =	sld [smem:$0x3F96];
	s0 =	simm.s32 @p1 $0x1  }
0x15: {  	[smem:$0x3FB3] =	sst s0;
	s0 =	simm.s32 @!p2 $0x0  }
0x16: {  	s3 =	sld [smem:$0x3FDB];
	s0 =	simm.s32 @p2 $0x1  }
0x17: {  	s4 =	simm.s32 $0x1BF5;
	[smem:$0x3FB5] =	sst s0  }
0x18: {  	s0 =	sld [smem:$0x3F98];
	_ =	swait.ge [sflag:s4], $0x0  }
0x19: {  	s7 =	sld [smem:$0x3F99]  }
0x1a: {  	s8 =	sadd.s32 $0xFFFFE003, lr  }
0x1b: {  	s9 =	sadd.s32 $0xFFFFFEF7, lr;
	s5 =	simm.s32 $0xFFFFFFFF;
	p2 =	slt.u32 s8, $0xFFFFF086  }
0x1c: {  	p1 =	slt.u32 s9, $0xF7A;
	s5 =	simm.s32 @!p2 $0x0  }
0x1d: {  	s5 =	simm.s32 @p1 $0x1;
	p0 =	seq.s32 s7, s2  }
0x1e: {  	s7 =	smul.u32 @!p0 $0xF7A, s2;
	p2 =	seq.s32 @!p0 s5, $0x0  }
0x1f: {  	s9 =	smul.u32 $0xF7A, s1;
	s8 =	simm.s32 @!p0 $0x1BF5;
	p2 =	por !p2, p0  }
0x20: {  	[sflag:s8] =	ssyncset.s32 @!p0 $0xFFFFF086;
	s6 =	sadd.s32 @!p0 s3, s7;
	s7 =	simm.s32 @!p0 $0x108  }
0x21: {  	s3 =	sadd.s32 s3, s9;
	s6 =	sadd.s32 @!p0 $0x88, s6;
	s7 =	simm.s32 @p2 $0x1082  }
0x22: {  	[simem:s7], [sflag:s8] =	dma.local @!p0 [hbm:s6], $0xF7A  }
0x23: {  	s9 =	sor.u32 $0xD0000000, s2;
	s6 =	simm.s32 $0x108;
	_ =	swait.ge @!p0 [sflag:s8], $0x0  }
0x24: {  	s3 =	sadd.s32 $0x88, s3;
	s6 =	simm.s32 @!p1 $0x1082;
	[sflag:s4] =	ssyncset.s32 $0xFFFFF086  }
0x25: {  	[simem:s6], [sflag:s4] =	dma.local [hbm:s3], $0xF7A  }
0x26: {  	[smem:$0x3F99] =	sst s1;
	(tag) =	ssettag s2;
	_ =	strace s9  }
0x27: {  	s1 =	sld [smem:$0x3FA9]  }
0x28: {  	s2 =	sld [smem:$0x3FAA]  }
0x29: {  	s4 =	sld [smem:$0x3FAC]  }
0x2a: {  	p0 =	seq.s32 s5, $0x0;
	s5 =	sld [smem:$0x3FAD]  }
0x2b: {  	s6 =	sld [smem:$0x3FAE]  }
0x2c: {  	s7 =	sld [smem:$0x3FAF]  }
0x2d: {  	s3 =	simm.s32 $0x108;
	s8 =	sld [smem:$0x3FB0]  }
0x2e: {  	s3 =	simm.s32 @!p0 $0x1082;
	s9 =	sld [smem:$0x3FB1]  }
0x2f: {  	lr =	sadd.s32 s0, s3;
	s0 =	sld [smem:$0x3FA8]  }
0x30: {  	s3 =	sld [smem:$0x3FAB]  }
0x31: {  	[smem:$0x3FB4] =	sst s10  }
0x32: {  	s10 =	sld [smem:$0x3FB2];
	_ =	sdelay $0x3  }
0x33: {  	p0 =	seq.s32 s10, $0x1;
	s10 =	sld [smem:$0x3FB4];
	_ =	sdelay $0x3  }
0x34: {  	[smem:$0x3FB4] =	sst s10  }
0x35: {  	s10 =	sld [smem:$0x3FB3];
	_ =	sdelay $0x3  }
0x36: {  	p1 =	seq.s32 s10, $0x1;
	s10 =	sld [smem:$0x3FB4];
	_ =	sdelay $0x3  }
0x37: {  	[smem:$0x3FB4] =	sst s10  }
0x38: {  	s10 =	sld [smem:$0x3FB5]  }
0x39: {  	_ = 	snop;
	(pc) =	sbr.ind lr, $3  }
0x3a: {  	_ = 	snop  }
0x3b: {  	_ = 	snop  }
0x3c: {  	p2 =	seq.s32 s10, $0x1;
	s10 =	sld [smem:$0x3FB4]  }
0x3d: {  	_ =	shalt  }
0x3e: {  	_ =	shalt  }
0x3f: {  	_ =	shalt  }
0x40: {  	_ =	shalt  }
0x41: {  	_ =	shalt  }
0x42: {  	_ =	shalt  }
0x43: {  	_ =	shalt  }
0x44: {  	_ =	shalt  }
0x45: {  	_ =	shalt  }
0x46: {  	_ =	shalt  }
0x47: {  	_ =	shalt  }
0x48: {  	_ =	shalt  }
0x49: {  	_ =	shalt  }
0x4a: {  	_ =	shalt  }
0x4b: {  	_ =	shalt  }
0x4c: {  	_ =	shalt  }
0x4d: {  	_ =	shalt  }
0x4e: {  	_ =	shalt  }
0x4f: {  	_ =	shalt  }
0x50: {  	_ =	shalt  }
0x51: {  	_ =	shalt  }
0x52: {  	_ =	shalt  }
0x53: {  	_ =	shalt  }
0x54: {  	_ =	shalt  }
0x55: {  	_ =	shalt  }
0x56: {  	_ =	shalt  }
0x57: {  	_ =	shalt  }
0x58: {  	_ =	shalt  }
0x59: {  	_ =	shalt  }
0x5a: {  	_ =	shalt  }
0x5b: {  	_ =	shalt  }
0x5c: {  	_ =	shalt  }
0x5d: {  	_ =	shalt  }
0x5e: {  	_ =	shalt  }
0x5f: {  	_ =	shalt  }
0x60: {  	_ =	shalt  }
0x61: {  	_ =	shalt  }
0x62: {  	_ =	shalt  }
0x63: {  	_ =	shalt  }
0x64: {  	_ =	shalt  }
0x65: {  	_ =	shalt  }
0x66: {  	_ =	shalt  }
0x67: {  	_ =	shalt  }
0x68: {  	_ =	shalt  }
0x69: {  	_ =	shalt  }
0x6a: {  	_ =	shalt  }
0x6b: {  	_ =	shalt  }
0x6c: {  	_ =	shalt  }
0x6d: {  	_ =	shalt  }
0x6e: {  	_ =	shalt  }
0x6f: {  	_ =	shalt  }
0x70: {  	_ =	shalt  }
0x71: {  	_ =	shalt  }
0x72: {  	_ =	shalt  }
0x73: {  	_ =	shalt  }
0x74: {  	_ =	shalt  }
0x75: {  	_ =	shalt  }
0x76: {  	_ =	shalt  }
0x77: {  	_ =	shalt  }
0x78: {  	_ =	shalt  }
0x79: {  	_ =	shalt  }
0x7a: {  	_ =	shalt  }
0x7b: {  	_ =	shalt  }
0x7c: {  	_ =	shalt  }
0x7d: {  	_ =	shalt  }
0x7e: {  	_ =	shalt  }
0x7f: {  	_ =	shalt  }
0x80: {  	_ =	shalt  }
0x81: {  	_ =	shalt  }
0x82: {  	_ =	shalt  }
0x83: {  	_ =	shalt  }
0x84: {  	_ =	shalt  }
0x85: {  	_ =	shalt  }
0x86: {  	_ =	shalt  }
0x87: {  	_ =	shalt  }
.Lfunc_end0:
.L_simem_size_0:
called_computation.3_lowered:
.L_overlay_start_0:
0x88: {  	s2 =	sld [smem:$0x3FD9]  }
0x89: {  	s3 =	sld [smem:$0x3FFE];
	_ =	sdelay $0x1  }
0x8a: {  	s1 =	srdreg.scid  }
0x8b: {  	s0 =	sand.u32 $0x1, s1  }
0x8c: {  	s14 =	sshll.u32 s0, $0xA;
	s2 =	sadd.s32 s3, s2  }
0x8d: {  	s2 =	sadd.s32 s2, s14  }
0x8e: {  	[smem:$0x3FC0] =	sst s2  }
0x8f: {  	_ = 	snop  }
0x90: {  	s2 =	sld [smem:$0x3FD0];
	_ =	sdelay $0x2  }
0x91: {  	s15 =	simm.s32 $0xA;
	s4 =	simm.s32 $0x10  }
0x92: {  	[smem:s4], [sflag:s15] =	dma.local [hbm:s2], $0x1  }
0x93: {  	_ =	swait.eq [sflag:s15], $0x1  }
0x94: {  	s16 =	sld [smem:$0x10]  }
0x95: {  	s17 =	sld [smem:$0x11]  }
0x96: {  	s5 =	sld [smem:$0x12];
	[sflag:s15] =	ssyncset.done $0x0  }
0x97: {  	s6 =	sld [smem:$0x13];
	[sflag:s15] =	ssyncadd.s32 $0xFFFFFFFF  }
0x98: {  	s18 =	sld [smem:$0x14];
	(tm) =	ssettm $0x1  }
0x99: {  	s7 =	sld [smem:$0x3FFB];
	_ =	sdelay $0x3  }
0x9a: {  	_ =	strace s7  }
0x9b: {  	s7 =	sld [smem:$0x3FFC];
	_ =	sdelay $0x3  }
0x9c: {  	_ =	strace s7  }
0x9d: {  	s7 =	sld [smem:$0x3FFD];
	_ =	sdelay $0x3  }
0x9e: {  	_ =	strace s7  }
0x9f: {  	_ =	strace $0x8FFFFFFF  }
0xa0: {  	s19 =	sld [smem:$0x3FDB];
	_ =	sdelay $0x1  }
0xa1: {  	s8 =	simm.s32 $_scs_section_size  }
0xa2: {  	s9 =	simm.s32 $_size__tile_overlayer_lowered;
	s10 =	simm.s32 $_tile_overlayer_lowered  }
0xa3: {  	s22 =	simm.s32 $0x1BFF;
	s21 =	sshll.u32 s10, $0x1;
	s7 =	sadd.s32 s8, s19  }
0xa4: {  	s11 =	simm.s32 $0x0;
	s20 =	sshll.u32 s9, $0x1;
	s9 =	sadd.s32 s21, s7  }
0xa5: {  	[timem:s11], [sflag:s22] =	dma.local [hbm:s9], s20  }
0xa6: {  	_ =	swait.ge [sflag:s22], s20  }
0xa7: {  	s8 =	ssub.s32 $0x0, s20;
	[sflag:s22] =	ssyncset.done $0x0  }
0xa8: {  	[sflag:s22] =	ssyncadd.s32 s8;
	_ =	sdelay $0x1  }
0xa9: {  	s23 =	simm.s32 $0x1B8B  }
0xaa: {  	_ =	swait.ge [sflag:s23], $0x1  }
0xab: {  	[sflag:s23] =	ssyncset.done $0x0  }
0xac: {  	s25 =	simm.s32 $0x1B8E;
	s24 =	sld [smem:$0x3FFE];
	[sflag:s23] =	ssyncadd.s32 $0xFFFFFFFF  }
0xad: {  	s26 =	simm.s32 $execute0_lowered;
	[smem:$0x3FD2] =	sst s25  }
0xae: {  	s9 =	sshll.u32 s26, $0x1;
	_ =	strace $0x8000004F;
	[dreg:$0x1] =	wrdreg $0xFFFFFFFF  }
0xaf: {  	s28 =	simm.s32 $_size_execute0_lowered;
	s7 =	sadd.s32 s7, s9;
	[dreg:$0x0] =	wrdreg $0x0  }
0xb0: {  	s9 =	sshll.u32 s28, $0x1;
	[dreg:$0x2] =	wrdreg s7  }
0xb1: {  	[dreg:$0x3] =	wrdreg s9  }
0xb2: {  	[dreg:$0x4] =	wrdreg $0xC0  }
0xb3: {  	_ =	task [dreg:s11], $0x5FFFF  }
0xb4: {  	[dreg:$0x1] =	wrdreg $0xFFFFFFFF  }
0xb5: {  	[dreg:$0x0] =	wrdreg $0x60  }
0xb6: {  	[dreg:$0x2] =	wrdreg s17  }
0xb7: {  	[dreg:$0x3] =	wrdreg s18  }
0xb8: {  	[dreg:$0x4] =	wrdreg s6  }
0xb9: {  	[dreg:$0x5] =	wrdreg s16  }
0xba: {  	[dreg:$0x6] =	wrdreg s24  }
0xbb: {  	[dreg:$0x7] =	wrdreg s5  }
0xbc: {  	[dreg:$0x8] =	wrdreg $0x9  }
0xbd: {  	_ =	task.clear_ibuf [dreg:s11], $0x9FFFF;
	_ =	strace $0x9000004F  }
0xbe: {  	s29 =	simm.s32 $0x9;
	_ =	strace $0x80000051  }
0xbf: {  	_ =	swait.ge [sflag:s29], $0x1  }
0xc0: {  	[sflag:s29] =	ssyncadd.s32 $0xFFFFFFFF  }
0xc1: {  	_ =	strace $0x90000051  }
0xc2: {  	_ =	sfence  }
0xc3: {  	s30 =	sld [smem:$0x0];
	_ =	sdelay $0x2  }
0xc4: {  	s31 =	sshll.u32 s1, $0xD;
	s1 =	sshrl.u32 s1, $0x2  }
0xc5: {  	s3 =	sand.u32 $0x4000, s31;
	s1 =	sadd.s32 s1, s30  }
0xc6: {  	s0 =	sor.u32 s3, s0;
	s1 =	sshll.u32 s1, $0x11  }
0xc7: {  	s0 =	sor.u32 s1, s0  }
0xc8: {  	s0 =	sadd.s32 $0x8F2B, s0  }
0xc9: {  	[sflag:s0] =	ssyncadd.remote.s32 $0x1  }
0xca: {  	_ =	sfence.sel $0xFFFF  }
0xcb: {  	[dreg:$0x0] =	wrdreg $0xFFFFFFFF;
	(pc) =	sbr.abs _section_cstart, $3  }
0xcc: {  	[dreg:$0x1] =	wrdreg $0xFFFFFFFF  }
0xcd: {  	_ =	task.clear_ibuf [dreg:s11], $0x2FFFF;
	_ =	strace $0x9FFFFFFF  }
0xce: {  	(tm) =	ssettm $0x7FFFFFFF  }
0xcf: {  	_ =	shalt  }
tec
execute0_lowered:
.L_overlay_start_1:
0x0: {  	(tag) =	ssettag $0x1  }
0x1: {  	s14 =	rddreg [dreg:$0x0]  }
0x2: {  	s13 =	rddreg [dreg:$0x1]  }
0x3: {  	s0 =	rddreg [dreg:$0x2]  }
0x4: {  	s2 =	rddreg [dreg:$0x3]  }
0x5: {  	s5 =	rddreg [dreg:$0x4]  }
0x6: {  	s8 =	rddreg [dreg:$0x5]  }
0x7: {  	s1 =	srdreg.scid;
	s3 =	rddreg [dreg:$0x6];
	s4 =	simm.s32 $0x0  }
0x8: {  	s16 =	simm.s32 $0x2780;
	s17 =	simm.s32 $0x4F00;
	s18 =	simm.s32 $0x7680  }
0x9: {  	s19 =	simm.s32 $0x9E00;
	s20 =	simm.s32 $0x9E80;
	s21 =	simm.s32 $0x9F00  }
0xa: {  	s22 =	simm.s32 $0x1;
	s23 =	simm.s32 $0xA080;
	s24 =	simm.s32 $0xC880  }
0xb: {  	s25 =	simm.s32 $0x9F80;
	s6 =	sand.u32 $0x1, s1;
	s1 =	stileid.u32  }
0xc: {  	s28 =	simm.s32 $0x0;
	[smem:$0x7FF] =	sst s4;
	s7 =	smul.u32 $0x27100, s6  }
0xd: {  	s9 =	smul.u32 $0x2710, s1;
	s10 =	sshll.u32 s6, $0x4;
	s6 =	ssub.s32 $0x2, s6  }
0xe: {  	_ =	strace $0x80000050;
	s10 =	sor.u32 s1, s10;
	s29 =	sshrl.u32 s6, $0x1  }
0xf: {  	s7 =	sadd.s32 s9, s7;
	s26 =	smul.u32 $0x5000, s10;
	s31 =	ssub.s32 s6, s29  }
0x10: {  	s15 =	sshrl.u32 s7, $0x3;
	s7 =	sadd.s32 $0x9C4, s0;
	s10 =	smax.u32 s31, $0x1  }
0x11: {  	s12 =	sadd.s32 s15, s5;
	s30 =	sshrl.u32 s26, $0x3;
	s5 =	sadd.s32 $0x4E2, s0  }
0x12: {  	s13 =	sadd.s32 s15, s13;
	s14 =	sadd.s32 s15, s14;
	s15 =	simm.s32 $0x2  }
0x13: {  	s26 =	simm.s32 $0xA000;
	s6 =	sadd.s32 s8, s30;
	s8 =	sadd.s32 $0xEA6, s0  }
0x14: {  	v0 =	vimm.f32 $0.0e+00;
	s11 =	sadd.s32 $0xCA00, s12;
	s12 =	sadd.s32 $0x2C00, s12;
	s9 =	sadd.s32 $0x500, s6  }
.LBB2_1:
0x15: {  	[tilespmem:s4], [sflag:$0x2] =	stream.linear.gather [hbm4b:s0+s4], $0x2710, $0x38;
	[tilespmem:$0xF080] =	vst v63  }
0x16: {  	_ =	swait.ge [sflag:s15], $0x2710  }
0x17: {  	[sflag:s15] =	ssyncset.done $0x0  }
0x18: {  	[sflag:s15] =	ssyncadd.s32 $0xFFFFD8F0  }
0x19: {  	[tilespmem:s16], [sflag:$0x2] =	stream.linear.gather [hbm4b:s5+s4], $0x2710, $0x38;
	[tilespmem:$0xF080] =	vst v63  }
0x1a: {  	_ =	swait.ge [sflag:s15], $0x2710  }
0x1b: {  	[sflag:s15] =	ssyncset.done $0x0  }
0x1c: {  	[sflag:s15] =	ssyncadd.s32 $0xFFFFD8F0  }
0x1d: {  	[tilespmem:s17], [sflag:$0x2] =	stream.linear.gather [hbm4b:s7+s4], $0x2710, $0x38;
	[tilespmem:$0xF080] =	vst v63  }
0x1e: {  	_ =	swait.ge [sflag:s15], $0x2710  }
0x1f: {  	[sflag:s15] =	ssyncset.done $0x0  }
0x20: {  	[sflag:s15] =	ssyncadd.s32 $0xFFFFD8F0  }
0x21: {  	[tilespmem:s18], [sflag:$0x2] =	stream.linear.gather [hbm4b:s8+s4], $0x2710, $0x38;
	[tilespmem:$0xF080] =	vst v63  }
0x22: {  	_ =	swait.ge [sflag:s15], $0x2710  }
0x23: {  	[sflag:s15] =	ssyncset.done $0x0  }
0x24: {  	[sflag:s15] =	ssyncadd.s32 $0xFFFFD8F0  }
0x25: {  	[tilespmem:s19], [sflag:$0x2] =	stream.linear.gather [hbm4b:s2+s4], $0x80, $0x38;
	[tilespmem:$0xF080] =	vst v63  }
0x26: {  	_ =	swait.ge [sflag:s15], $0x80  }
0x27: {  	[sflag:s15] =	ssyncset.done $0x0  }
0x28: {  	s29 =	simm.s32 $0x40;
	s30 =	simm.s32 $0x0;
	[sflag:s15] =	ssyncadd.s32 $0xFFFFFF80  }
.LBB2_2:
0x29: {  	p0 =	sne.s32 s29, $0x9FC0;
	[tilespmem:s30+$0xA080] =	vst v0;
	s31 =	smov.u32 s29;
	s29 =	sadd.s32 $0x40, s29  }
.Ltmp0:
0x2a: {  	[tilespmem:s30+$0xC880] =	vst v0;
	(pc) =	sbr.rel @p0 .LBB2_2-.Ltmp0, $2  }
0x2b: {  	_ =	sdelay $0x2  }
0x2c: {  	s30 =	sshra.s32 s31, $0x2  }
0x2d: {  	[tilespmem:s30+$0xA080] =	vst v0  }
0x2e: {  	[tilespmem:s30+$0xC880] =	vst v0  }
0x2f: {  	v1 =	vld [tilespmem:$0x9E00]  }
0x30: {  	s29 =	simm.s32 $0x0;
	v2 =	vld [tilespmem:$0x9E10]  }
.LBB2_4:
0x31: {  	s30 =	sadd.s32 s29, s14  }
0x32: {  	[tilespmem:s20], [sflag:$0x1] =	stream.linear.gather [hbm4b:s30+s4], $0x50, $0x38;
	[tilespmem:$0xF080] =	vst v63  }
0x33: {  	s31 =	sadd.s32 s29, s13  }
0x34: {  	[tilespmem:s21], [sflag:$0x1] =	stream.linear.gather [hbm4b:s31+s4], $0x50, $0x38;
	[tilespmem:$0xF080] =	vst v63  }
0x35: {  	_ =	swait.ge [sflag:s22], $0x50  }
0x36: {  	[sflag:s22] =	ssyncset.done $0x0  }
0x37: {  	[sflag:s22] =	ssyncadd.s32 $0xFFFFFFB0  }
0x38: {  	_ =	swait.ge [sflag:s22], $0x50  }
0x39: {  	[sflag:s22] =	ssyncset.done $0x0  }
0x3a: {  	[sflag:s22] =	ssyncadd.s32 $0xFFFFFFB0  }
0x3b: {  	v3 =	vld [tilespmem:$0x9E80]  }
0x3c: {  	v4 =	vld [tilespmem:$0x9F00];
	_ =	sdelay $0x6  }
0x3d: {  	v5 =	vld.idx.msk [tilespmem:v3+s4+$0x0], $0xffff  }
0x3e: {  	v6 =	vld.idx.msk [tilespmem:v4+s16+$0x0], $0xffff  }
0x3f: {  	v3 =	vld.idx.msk [tilespmem:v3+s17+$0x0], $0xffff  }
0x40: {  	v7 =	vld.idx.msk [tilespmem:v4+s18+$0x0], $0xffff;
	_ =	sdelay $0x3  }
0x41: {  	v5 =	vadd.f32 v6, v5  }
0x42: {  	v3 =	vadd.f32 v7, v3  }
0x43: {  	v6 =	vmul.f32 $2.000000030e-01, v5  }
0x44: {  	v7 =	vmul.f32 $2.000000030e-01, v3  }
0x45: {  	v5 =	vmax.f32 v5, v6  }
0x46: {  	v3 =	vmax.f32 v3, v7;
	v5 =	vsub.f32 v5, v1  }
0x47: {  	v3 =	vsub.f32 v3, v2  }
0x48: {  	v5 =	vmul.f32 $1.442695020e+00, v5  }
0x49: {  	v3 =	vmul.f32 $1.442695020e+00, v3  }
0x4a: {  	(erf) = vpow2.f32 v5  }
0x4b: {  	(erf) = vpow2.f32 v3;
	_ =	sdelay $0x7  }
0x4c: {  	v3 =	vpop (erf)  }
0x4d: {  	v51 =	vpop (erf);
	[tilespmem:$0x9F80] =	vst v3  }
0x4e: {  	[tilespmem:$0xA000] =	vst v51  }
0x4f: {  	[tilespmem:v4+s23+$0x0] =	vst.idx.add.f32.msk $0xffff, v3  }
0x50: {  	[tilespmem:v4+s24+$0x0] =	vst.idx.add.f32.msk $0xffff, v51  }
0x51: {  	v3 =	vld [tilespmem:$0x9E90]  }
0x52: {  	v4 =	vld [tilespmem:$0x9F10];
	_ =	sdelay $0x6  }
0x53: {  	v5 =	vld.idx.msk [tilespmem:v3+s4+$0x0], $0xffff  }
0x54: {  	v52 =	vld.idx.msk [tilespmem:v4+s16+$0x0], $0xffff  }
0x55: {  	v3 =	vld.idx.msk [tilespmem:v3+s17+$0x0], $0xffff  }
0x56: {  	v53 =	vld.idx.msk [tilespmem:v4+s18+$0x0], $0xffff;
	_ =	sdelay $0x3  }
0x57: {  	v5 =	vadd.f32 v52, v5  }
0x58: {  	v3 =	vadd.f32 v53, v3  }
0x59: {  	v6 =	vmul.f32 $2.000000030e-01, v5  }
0x5a: {  	v7 =	vmul.f32 $2.000000030e-01, v3  }
0x5b: {  	v5 =	vmax.f32 v5, v6  }
0x5c: {  	v3 =	vmax.f32 v3, v7;
	v5 =	vsub.f32 v5, v1  }
0x5d: {  	v3 =	vsub.f32 v3, v2  }
0x5e: {  	v5 =	vmul.f32 $1.442695020e+00, v5  }
0x5f: {  	v3 =	vmul.f32 $1.442695020e+00, v3  }
0x60: {  	(erf) = vpow2.f32 v5  }
0x61: {  	(erf) = vpow2.f32 v3;
	_ =	sdelay $0x7  }
0x62: {  	v3 =	vpop (erf)  }
0x63: {  	v54 =	vpop (erf);
	[tilespmem:$0x9F90] =	vst v3  }
0x64: {  	[tilespmem:$0xA010] =	vst v54  }
0x65: {  	[tilespmem:v4+s23+$0x0] =	vst.idx.add.f32.msk $0xffff, v3  }
0x66: {  	[tilespmem:v4+s24+$0x0] =	vst.idx.add.f32.msk $0xffff, v54  }
0x67: {  	v3 =	vld [tilespmem:$0x9EA0]  }
0x68: {  	v4 =	vld [tilespmem:$0x9F20];
	_ =	sdelay $0x6  }
0x69: {  	v5 =	vld.idx.msk [tilespmem:v3+s4+$0x0], $0xffff  }
0x6a: {  	v55 =	vld.idx.msk [tilespmem:v4+s16+$0x0], $0xffff  }
0x6b: {  	v3 =	vld.idx.msk [tilespmem:v3+s17+$0x0], $0xffff  }
0x6c: {  	v56 =	vld.idx.msk [tilespmem:v4+s18+$0x0], $0xffff;
	_ =	sdelay $0x3  }
0x6d: {  	v5 =	vadd.f32 v55, v5  }
0x6e: {  	v3 =	vadd.f32 v56, v3  }
0x6f: {  	v6 =	vmul.f32 $2.000000030e-01, v5  }
0x70: {  	v7 =	vmul.f32 $2.000000030e-01, v3  }
0x71: {  	v5 =	vmax.f32 v5, v6  }
0x72: {  	v3 =	vmax.f32 v3, v7;
	v5 =	vsub.f32 v5, v1  }
0x73: {  	v3 =	vsub.f32 v3, v2  }
0x74: {  	v5 =	vmul.f32 $1.442695020e+00, v5  }
0x75: {  	v3 =	vmul.f32 $1.442695020e+00, v3  }
0x76: {  	(erf) = vpow2.f32 v5  }
0x77: {  	(erf) = vpow2.f32 v3;
	_ =	sdelay $0x7  }
0x78: {  	v3 =	vpop (erf)  }
0x79: {  	v57 =	vpop (erf);
	[tilespmem:$0x9FA0] =	vst v3  }
0x7a: {  	[tilespmem:$0xA020] =	vst v57  }
0x7b: {  	[tilespmem:v4+s23+$0x0] =	vst.idx.add.f32.msk $0xffff, v3  }
0x7c: {  	[tilespmem:v4+s24+$0x0] =	vst.idx.add.f32.msk $0xffff, v57  }
0x7d: {  	v3 =	vld [tilespmem:$0x9EB0]  }
0x7e: {  	v4 =	vld [tilespmem:$0x9F30];
	_ =	sdelay $0x6  }
0x7f: {  	v5 =	vld.idx.msk [tilespmem:v3+s4+$0x0], $0xffff  }
0x80: {  	v58 =	vld.idx.msk [tilespmem:v4+s16+$0x0], $0xffff  }
0x81: {  	v3 =	vld.idx.msk [tilespmem:v3+s17+$0x0], $0xffff  }
0x82: {  	v59 =	vld.idx.msk [tilespmem:v4+s18+$0x0], $0xffff;
	_ =	sdelay $0x3  }
0x83: {  	v5 =	vadd.f32 v58, v5  }
0x84: {  	v3 =	vadd.f32 v59, v3  }
0x85: {  	v6 =	vmul.f32 $2.000000030e-01, v5  }
0x86: {  	v7 =	vmul.f32 $2.000000030e-01, v3  }
0x87: {  	v5 =	vmax.f32 v5, v6  }
0x88: {  	v3 =	vmax.f32 v3, v7;
	v5 =	vsub.f32 v5, v1  }
0x89: {  	v3 =	vsub.f32 v3, v2  }
0x8a: {  	v5 =	vmul.f32 $1.442695020e+00, v5  }
0x8b: {  	v3 =	vmul.f32 $1.442695020e+00, v3  }
0x8c: {  	(erf) = vpow2.f32 v5  }
0x8d: {  	(erf) = vpow2.f32 v3;
	_ =	sdelay $0x7  }
0x8e: {  	v3 =	vpop (erf)  }
0x8f: {  	v60 =	vpop (erf);
	[tilespmem:$0x9FB0] =	vst v3  }
0x90: {  	[tilespmem:$0xA030] =	vst v60  }
0x91: {  	[tilespmem:v4+s23+$0x0] =	vst.idx.add.f32.msk $0xffff, v3  }
0x92: {  	[tilespmem:v4+s24+$0x0] =	vst.idx.add.f32.msk $0xffff, v60  }
0x93: {  	v3 =	vld [tilespmem:$0x9EC0]  }
0x94: {  	v4 =	vld [tilespmem:$0x9F40];
	_ =	sdelay $0x6  }
0x95: {  	v5 =	vld.idx.msk [tilespmem:v3+s4+$0x0], $0xffff  }
0x96: {  	v61 =	vld.idx.msk [tilespmem:v4+s16+$0x0], $0xffff  }
0x97: {  	v3 =	vld.idx.msk [tilespmem:v3+s17+$0x0], $0xffff  }
0x98: {  	v62 =	vld.idx.msk [tilespmem:v4+s18+$0x0], $0xffff;
	_ =	sdelay $0x3  }
0x99: {  	v5 =	vadd.f32 v61, v5  }
0x9a: {  	v3 =	vadd.f32 v62, v3  }
0x9b: {  	v6 =	vmul.f32 $2.000000030e-01, v5  }
0x9c: {  	v7 =	vmul.f32 $2.000000030e-01, v3  }
0x9d: {  	v5 =	vmax.f32 v5, v6  }
0x9e: {  	v3 =	vmax.f32 v3, v7;
	v5 =	vsub.f32 v5, v1  }
0x9f: {  	v3 =	vsub.f32 v3, v2  }
0xa0: {  	v5 =	vmul.f32 $1.442695020e+00, v5  }
0xa1: {  	v3 =	vmul.f32 $1.442695020e+00, v3  }
0xa2: {  	(erf) = vpow2.f32 v5  }
0xa3: {  	(erf) = vpow2.f32 v3;
	_ =	sdelay $0x7  }
0xa4: {  	v3 =	vpop (erf)  }
0xa5: {  	v63 =	vpop (erf);
	[tilespmem:$0x9FC0] =	vst v3  }
0xa6: {  	[tilespmem:$0xA040] =	vst v63  }
0xa7: {  	[tilespmem:v4+s23+$0x0] =	vst.idx.add.f32.msk $0xffff, v3  }
0xa8: {  	s31 =	sadd.s32 s29, s12;
	[tilespmem:v4+s24+$0x0] =	vst.idx.add.f32.msk $0xffff, v63  }
0xa9: {  	[hbm4b:s31+s4] =	stream.linear.scatter [tilespmem:s25], [sflag:$0x2], $0x50, $0x38;
	[tilespmem:$0xF080] =	vst v63  }
0xaa: {  	_ =	swait.ge [sflag:s15], $0x50  }
0xab: {  	p0 =	sne.s32 s29, $0x4D8;
	[sflag:s15] =	ssyncset.done $0x0  }
.Ltmp1:
0xac: {  	s31 =	sadd.s32 s29, s11;
	[sflag:s15] =	ssyncadd.s32 $0xFFFFFFB0;
	(pc) =	sbr.rel @p0 .LBB2_4-.Ltmp1, $4  }
0xad: {  	[hbm4b:s31+s4] =	stream.linear.scatter [tilespmem:s26], [sflag:$0x2], $0x50, $0x38;
	[tilespmem:$0xF080] =	vst v63  }
0xae: {  	_ =	swait.ge [sflag:s15], $0x50  }
0xaf: {  	[sflag:s15] =	ssyncset.done $0x0  }
0xb0: {  	s29 =	sadd.s32 $0xA, s29;
	[sflag:s15] =	ssyncadd.s32 $0xFFFFFFB0  }
0xb1: {  	[hbm4b:s6+s4] =	stream.linear.scatter [tilespmem:s23], [sflag:$0x2], $0x2800, $0x38;
	[tilespmem:$0xF080] =	vst v63  }
0xb2: {  	s28 =	sadd.s32 $0x1, s28;
	_ =	swait.ge [sflag:s15], $0x2800  }
0xb3: {  	p0 =	sne.s32 s28, s10;
	[sflag:s15] =	ssyncset.done $0x0  }
.Ltmp2:
0xb4: {  	[sflag:s15] =	ssyncadd.s32 $0xFFFFD800;
	(pc) =	sbr.rel @p0 .LBB2_1-.Ltmp2, $4  }
0xb5: {  	[hbm4b:s9+s4] =	stream.linear.scatter [tilespmem:s24], [sflag:$0x2], $0x2800, $0x38;
	[tilespmem:$0xF080] =	vst v63  }
0xb6: {  	_ =	swait.ge [sflag:s15], $0x2800  }
0xb7: {  	[sflag:s15] =	ssyncset.done $0x0  }
0xb8: {  	[sflag:s15] =	ssyncadd.s32 $0xFFFFD800  }
0xb9: {  	_ =	sfence.sel $0x180000  }
0xba: {  	[bflag:$0x0] =	sbarrier.arrive $0xFFFF  }
0xbb: {  	p0 =	sne.s32 s1, $0x0;
	_ =	strace $0x90000050  }
0xbc: {  	s0 =	sadd.s32 @!p0 $0x100000, s3;
	[bflag:$0x2] =	sbarrier.arrive $0xFFFF  }
0xbd: {  	[sflag:s0] =	ssyncadd.tile.s32 @!p0 $0x1;
	_ =	shalt  }
.Lfunc_end2:
_tile_overlayer_lowered:
.L_overlay_start_2:
0xbe: {  	(tag) =	ssettag $0x2  }
0xbf: {  	s0 =	rddreg [dreg:$0x0];
	s2 =	stileid.u32  }
0xc0: {  	s1 =	rddreg [dreg:$0x1];
	p0 =	sne.s32 s2, $0x0  }
0xc1: {  	s3 =	rddreg [dreg:$0x2];
	[bflag:$0x3] =	sbarrier.arrive $0xFFFF;
	s2 =	simm.s32 @!p0 $0x1C02  }
0xc2: {  	[timem:s3], [sflag:s2] =	dma.local @!p0 [hbm:s0], s1  }
0xc3: {  	s0 =	simm.s32 @!p0 $0x2  }
0xc4: {  	_ =	swait.ge @!p0 [sflag:s0], s1  }
0xc5: {  	s1 =	ssub.s32 @!p0 $0x0, s1;
	[sflag:s0] =	ssyncset.done @!p0 $0x0  }
0xc6: {  	[sflag:s0] =	ssyncadd.s32 @!p0 s1  }
0xc7: {  	[bflag:$0x3] =	sbarrier.arrive $0xFFFF  }
0xc8: {  	_ =	shalt  }

// kernel: kernel.18.cloned.1.call-start
scs
__scs_entry_jumppad:
0x0: {  	(pc) =	sbr.rel $0x88, $3  }
0x1: {  	(tag) =	ssettag $0x0;
	lr =	simm.s32 $0x1  }
0x2: {  	[smem:$0x3F99] =	sst lr;
	_ =	strace $0xD0000000  }
0x3: {  	_ = 	snop  }
0x4: {  	_ = 	snop  }
0x5: {  	_ = 	snop  }
0x6: {  	_ = 	snop  }
0x7: {  	_ = 	snop  }
__scs_overlays_trampoline_lowered:
0x8: {  	[smem:$0x3FA8] =	sst s0  }
0x9: {  	[smem:$0x3FA9] =	sst s1  }
0xa: {  	[smem:$0x3FAA] =	sst s2  }
0xb: {  	[smem:$0x3FAB] =	sst s3  }
0xc: {  	[smem:$0x3FAC] =	sst s4  }
0xd: {  	[smem:$0x3FAD] =	sst s5  }
0xe: {  	[smem:$0x3FAE] =	sst s6  }
0xf: {  	[smem:$0x3FAF] =	sst s7  }
0x10: {  	[smem:$0x3FB0] =	sst s8  }
0x11: {  	[smem:$0x3FB1] =	sst s9;
	s0 =	simm.s32 @!p0 $0x0  }
0x12: {  	s1 =	sld [smem:$0x3F97];
	s0 =	simm.s32 @p0 $0x1  }
0x13: {  	[smem:$0x3FB2] =	sst s0;
	s0 =	simm.s32 @!p1 $0x0  }
0x14: {  	s2 =	sld [smem:$0x3F96];
	s0 =	simm.s32 @p1 $0x1  }
0x15: {  	[smem:$0x3FB3] =	sst s0;
	s0 =	simm.s32 @!p2 $0x0  }
0x16: {  	s3 =	sld [smem:$0x3FDB];
	s0 =	simm.s32 @p2 $0x1  }
0x17: {  	s4 =	simm.s32 $0x1BF5;
	[smem:$0x3FB5] =	sst s0  }
0x18: {  	s0 =	sld [smem:$0x3F98];
	_ =	swait.ge [sflag:s4], $0x0  }
0x19: {  	s7 =	sld [smem:$0x3F99]  }
0x1a: {  	s8 =	sadd.s32 $0xFFFFE003, lr  }
0x1b: {  	s9 =	sadd.s32 $0xFFFFFEF7, lr;
	s5 =	simm.s32 $0xFFFFFFFF;
	p2 =	slt.u32 s8, $0xFFFFF086  }
0x1c: {  	p1 =	slt.u32 s9, $0xF7A;
	s5 =	simm.s32 @!p2 $0x0  }
0x1d: {  	s5 =	simm.s32 @p1 $0x1;
	p0 =	seq.s32 s7, s2  }
0x1e: {  	s7 =	smul.u32 @!p0 $0xF7A, s2;
	p2 =	seq.s32 @!p0 s5, $0x0  }
0x1f: {  	s9 =	smul.u32 $0xF7A, s1;
	s8 =	simm.s32 @!p0 $0x1BF5;
	p2 =	por !p2, p0  }
0x20: {  	[sflag:s8] =	ssyncset.s32 @!p0 $0xFFFFF086;
	s6 =	sadd.s32 @!p0 s3, s7;
	s7 =	simm.s32 @!p0 $0x108  }
0x21: {  	s3 =	sadd.s32 s3, s9;
	s6 =	sadd.s32 @!p0 $0x88, s6;
	s7 =	simm.s32 @p2 $0x1082  }
0x22: {  	[simem:s7], [sflag:s8] =	dma.local @!p0 [hbm:s6], $0xF7A  }
0x23: {  	s9 =	sor.u32 $0xD0000000, s2;
	s6 =	simm.s32 $0x108;
	_ =	swait.ge @!p0 [sflag:s8], $0x0  }
0x24: {  	s3 =	sadd.s32 $0x88, s3;
	s6 =	simm.s32 @!p1 $0x1082;
	[sflag:s4] =	ssyncset.s32 $0xFFFFF086  }
0x25: {  	[simem:s6], [sflag:s4] =	dma.local [hbm:s3], $0xF7A  }
0x26: {  	[smem:$0x3F99] =	sst s1;
	(tag) =	ssettag s2;
	_ =	strace s9  }
0x27: {  	s1 =	sld [smem:$0x3FA9]  }
0x28: {  	s2 =	sld [smem:$0x3FAA]  }
0x29: {  	s4 =	sld [smem:$0x3FAC]  }
0x2a: {  	p0 =	seq.s32 s5, $0x0;
	s5 =	sld [smem:$0x3FAD]  }
0x2b: {  	s6 =	sld [smem:$0x3FAE]  }
0x2c: {  	s7 =	sld [smem:$0x3FAF]  }
0x2d: {  	s3 =	simm.s32 $0x108;
	s8 =	sld [smem:$0x3FB0]  }
0x2e: {  	s3 =	simm.s32 @!p0 $0x1082;
	s9 =	sld [smem:$0x3FB1]  }
0x2f: {  	lr =	sadd.s32 s0, s3;
	s0 =	sld [smem:$0x3FA8]  }
0x30: {  	s3 =	sld [smem:$0x3FAB]  }
0x31: {  	[smem:$0x3FB4] =	sst s10  }
0x32: {  	s10 =	sld [smem:$0x3FB2];
	_ =	sdelay $0x3  }
0x33: {  	p0 =	seq.s32 s10, $0x1;
	s10 =	sld [smem:$0x3FB4];
	_ =	sdelay $0x3  }
0x34: {  	[smem:$0x3FB4] =	sst s10  }
0x35: {  	s10 =	sld [smem:$0x3FB3];
	_ =	sdelay $0x3  }
0x36: {  	p1 =	seq.s32 s10, $0x1;
	s10 =	sld [smem:$0x3FB4];
	_ =	sdelay $0x3  }
0x37: {  	[smem:$0x3FB4] =	sst s10  }
0x38: {  	s10 =	sld [smem:$0x3FB5]  }
0x39: {  	_ = 	snop;
	(pc) =	sbr.ind lr, $3  }
0x3a: {  	_ = 	snop  }
0x3b: {  	_ = 	snop  }
0x3c: {  	p2 =	seq.s32 s10, $0x1;
	s10 =	sld [smem:$0x3FB4]  }
0x3d: {  	_ =	shalt  }
0x3e: {  	_ =	shalt  }
0x3f: {  	_ =	shalt  }
0x40: {  	_ =	shalt  }
0x41: {  	_ =	shalt  }
0x42: {  	_ =	shalt  }
0x43: {  	_ =	shalt  }
0x44: {  	_ =	shalt  }
0x45: {  	_ =	shalt  }
0x46: {  	_ =	shalt  }
0x47: {  	_ =	shalt  }
0x48: {  	_ =	shalt  }
0x49: {  	_ =	shalt  }
0x4a: {  	_ =	shalt  }
0x4b: {  	_ =	shalt  }
0x4c: {  	_ =	shalt  }
0x4d: {  	_ =	shalt  }
0x4e: {  	_ =	shalt  }
0x4f: {  	_ =	shalt  }
0x50: {  	_ =	shalt  }
0x51: {  	_ =	shalt  }
0x52: {  	_ =	shalt  }
0x53: {  	_ =	shalt  }
0x54: {  	_ =	shalt  }
0x55: {  	_ =	shalt  }
0x56: {  	_ =	shalt  }
0x57: {  	_ =	shalt  }
0x58: {  	_ =	shalt  }
0x59: {  	_ =	shalt  }
0x5a: {  	_ =	shalt  }
0x5b: {  	_ =	shalt  }
0x5c: {  	_ =	shalt  }
0x5d: {  	_ =	shalt  }
0x5e: {  	_ =	shalt  }
0x5f: {  	_ =	shalt  }
0x60: {  	_ =	shalt  }
0x61: {  	_ =	shalt  }
0x62: {  	_ =	shalt  }
0x63: {  	_ =	shalt  }
0x64: {  	_ =	shalt  }
0x65: {  	_ =	shalt  }
0x66: {  	_ =	shalt  }
0x67: {  	_ =	shalt  }
0x68: {  	_ =	shalt  }
0x69: {  	_ =	shalt  }
0x6a: {  	_ =	shalt  }
0x6b: {  	_ =	shalt  }
0x6c: {  	_ =	shalt  }
0x6d: {  	_ =	shalt  }
0x6e: {  	_ =	shalt  }
0x6f: {  	_ =	shalt  }
0x70: {  	_ =	shalt  }
0x71: {  	_ =	shalt  }
0x72: {  	_ =	shalt  }
0x73: {  	_ =	shalt  }
0x74: {  	_ =	shalt  }
0x75: {  	_ =	shalt  }
0x76: {  	_ =	shalt  }
0x77: {  	_ =	shalt  }
0x78: {  	_ =	shalt  }
0x79: {  	_ =	shalt  }
0x7a: {  	_ =	shalt  }
0x7b: {  	_ =	shalt  }
0x7c: {  	_ =	shalt  }
0x7d: {  	_ =	shalt  }
0x7e: {  	_ =	shalt  }
0x7f: {  	_ =	shalt  }
0x80: {  	_ =	shalt  }
0x81: {  	_ =	shalt  }
0x82: {  	_ =	shalt  }
0x83: {  	_ =	shalt  }
0x84: {  	_ =	shalt  }
0x85: {  	_ =	shalt  }
0x86: {  	_ =	shalt  }
0x87: {  	_ =	shalt  }
.Lfunc_end0:
.L_simem_size_0:
called_computation.4_lowered:
.L_overlay_start_0:
0x88: {  	s2 =	sld [smem:$0x3FD9]  }
0x89: {  	s3 =	sld [smem:$0x3FFE];
	_ =	sdelay $0x1  }
0x8a: {  	s1 =	srdreg.scid  }
0x8b: {  	s0 =	sand.u32 $0x1, s1  }
0x8c: {  	s14 =	sshll.u32 s0, $0xA;
	s2 =	sadd.s32 s3, s2  }
0x8d: {  	s2 =	sadd.s32 s2, s14  }
0x8e: {  	[smem:$0x3FC0] =	sst s2  }
0x8f: {  	_ = 	snop  }
0x90: {  	s2 =	sld [smem:$0x3FD0];
	_ =	sdelay $0x2  }
0x91: {  	s15 =	simm.s32 $0xA;
	s4 =	simm.s32 $0x10  }
0x92: {  	[smem:s4], [sflag:s15] =	dma.local [hbm:s2], $0x1  }
0x93: {  	_ =	swait.eq [sflag:s15], $0x1  }
0x94: {  	s16 =	sld [smem:$0x11];
	[sflag:s15] =	ssyncset.done $0x0  }
0x95: {  	s17 =	sld [smem:$0x14];
	[sflag:s15] =	ssyncadd.s32 $0xFFFFFFFF  }
0x96: {  	s18 =	sld [smem:$0x15];
	(tm) =	ssettm $0x1  }
0x97: {  	s5 =	sld [smem:$0x3FFB];
	_ =	sdelay $0x3  }
0x98: {  	_ =	strace s5  }
0x99: {  	s5 =	sld [smem:$0x3FFC];
	_ =	sdelay $0x3  }
0x9a: {  	_ =	strace s5  }
0x9b: {  	s5 =	sld [smem:$0x3FFD];
	_ =	sdelay $0x3  }
0x9c: {  	_ =	strace s5  }
0x9d: {  	_ =	strace $0x8FFFFFFF  }
0x9e: {  	s19 =	sld [smem:$0x3FDB];
	_ =	sdelay $0x1  }
0x9f: {  	s6 =	simm.s32 $_scs_section_size  }
0xa0: {  	s7 =	simm.s32 $_size__tile_overlayer_lowered;
	s8 =	simm.s32 $_tile_overlayer_lowered  }
0xa1: {  	s22 =	simm.s32 $0x1BFF;
	s21 =	sshll.u32 s8, $0x1;
	s5 =	sadd.s32 s6, s19  }
0xa2: {  	s9 =	simm.s32 $0x0;
	s20 =	sshll.u32 s7, $0x1;
	s7 =	sadd.s32 s21, s5  }
0xa3: {  	[timem:s9], [sflag:s22] =	dma.local [hbm:s7], s20  }
0xa4: {  	_ =	swait.ge [sflag:s22], s20  }
0xa5: {  	s6 =	ssub.s32 $0x0, s20;
	[sflag:s22] =	ssyncset.done $0x0  }
0xa6: {  	[sflag:s22] =	ssyncadd.s32 s6;
	_ =	sdelay $0x1  }
0xa7: {  	s23 =	simm.s32 $0x1B8B  }
0xa8: {  	_ =	swait.ge [sflag:s23], $0x1  }
0xa9: {  	[sflag:s23] =	ssyncset.done $0x0  }
0xaa: {  	s25 =	simm.s32 $0x1B8E;
	s24 =	sld [smem:$0x3FFE];
	[sflag:s23] =	ssyncadd.s32 $0xFFFFFFFF  }
0xab: {  	s26 =	simm.s32 $execute0_lowered;
	[smem:$0x3FD2] =	sst s25  }
0xac: {  	s7 =	sshll.u32 s26, $0x1;
	_ =	strace $0x80000052;
	[dreg:$0x1] =	wrdreg $0xFFFFFFFF  }
0xad: {  	s28 =	simm.s32 $_size_execute0_lowered;
	s5 =	sadd.s32 s5, s7;
	[dreg:$0x0] =	wrdreg $0x0  }
0xae: {  	s7 =	sshll.u32 s28, $0x1;
	[dreg:$0x2] =	wrdreg s5  }
0xaf: {  	[dreg:$0x3] =	wrdreg s7  }
0xb0: {  	[dreg:$0x4] =	wrdreg $0xC0  }
0xb1: {  	_ =	task [dreg:s9], $0x5FFFF  }
0xb2: {  	[dreg:$0x1] =	wrdreg $0xFFFFFFFF  }
0xb3: {  	[dreg:$0x0] =	wrdreg $0x60  }
0xb4: {  	[dreg:$0x2] =	wrdreg s18  }
0xb5: {  	[dreg:$0x3] =	wrdreg s16  }
0xb6: {  	[dreg:$0x4] =	wrdreg s17  }
0xb7: {  	[dreg:$0x5] =	wrdreg s24  }
0xb8: {  	[dreg:$0x6] =	wrdreg $0x2A000  }
0xb9: {  	[dreg:$0x7] =	wrdreg $0x9  }
0xba: {  	_ =	task.clear_ibuf [dreg:s9], $0x8FFFF;
	_ =	strace $0x90000052  }
0xbb: {  	s29 =	simm.s32 $0x9;
	_ =	strace $0x80000054  }
0xbc: {  	_ =	swait.ge [sflag:s29], $0x1  }
0xbd: {  	[sflag:s29] =	ssyncadd.s32 $0xFFFFFFFF  }
0xbe: {  	_ =	strace $0x90000054  }
0xbf: {  	_ =	sfence  }
0xc0: {  	s30 =	sld [smem:$0x0];
	_ =	sdelay $0x2  }
0xc1: {  	s31 =	sshll.u32 s1, $0xD;
	s1 =	sshrl.u32 s1, $0x2  }
0xc2: {  	s3 =	sand.u32 $0x4000, s31;
	s1 =	sadd.s32 s1, s30  }
0xc3: {  	s0 =	sor.u32 s3, s0;
	s1 =	sshll.u32 s1, $0x11  }
0xc4: {  	s0 =	sor.u32 s1, s0  }
0xc5: {  	s0 =	sadd.s32 $0x8F2B, s0  }
0xc6: {  	[sflag:s0] =	ssyncadd.remote.s32 $0x1  }
0xc7: {  	_ =	sfence.sel $0xFFFF  }
0xc8: {  	[dreg:$0x0] =	wrdreg $0xFFFFFFFF;
	(pc) =	sbr.abs _section_cstart, $3  }
0xc9: {  	[dreg:$0x1] =	wrdreg $0xFFFFFFFF  }
0xca: {  	_ =	task.clear_ibuf [dreg:s9], $0x2FFFF;
	_ =	strace $0x9FFFFFFF  }
0xcb: {  	(tm) =	ssettm $0x7FFFFFFF  }
tec
execute0_lowered:
.L_overlay_start_1:
0x0: {  	(tag) =	ssettag $0x1  }
0x1: {  	s0 =	rddreg [dreg:$0x0]  }
0x2: {  	s2 =	rddreg [dreg:$0x1]  }
0x3: {  	s3 =	rddreg [dreg:$0x2]  }
0x4: {  	s4 =	rddreg [dreg:$0x3]  }
0x5: {  	s6 =	srdreg.scid;
	s1 =	stileid.u32  }
0x6: {  	s5 =	rddreg [dreg:$0x4];
	s20 =	simm.s32 $0x200;
	s21 =	simm.s32 $0x2  }
0x7: {  	s22 =	simm.s32 $0x80;
	s23 =	simm.s32 $0x100;
	s24 =	simm.s32 $0x180  }
0x8: {  	s25 =	simm.s32 $0x1;
	s26 =	simm.s32 $0x50;
	s7 =	smul.u32 $0x2800, s1  }
0x9: {  	s9 =	sand.u32 $0x1, s6;
	s6 =	simm.s32 $0x0;
	s11 =	smul.u32 $0x50000, s1  }
0xa: {  	s8 =	smul.u32 $0x28000, s9;
	[smem:$0x7FF] =	sst s6;
	s31 =	ssub.s32 $0x2, s9  }
0xb: {  	s9 =	sshll.u32 s9, $0x4;
	_ =	strace $0x80000053;
	s11 =	sshrl.u32 s11, $0x2  }
0xc: {  	s12 =	sshrl.u32 s31, $0x1;
	s13 =	sor.u32 s1, s9;
	s10 =	sadd.s32 s7, s8  }
0xd: {  	s7 =	sadd.s32 $0x2C00, s4;
	s8 =	sadd.s32 $0xCA00, s4;
	s9 =	sadd.s32 s11, s5  }
0xe: {  	s19 =	ssub.s32 s31, s12;
	s4 =	sadd.s32 s10, s4;
	s10 =	smul.u32 $0x2710, s13  }
0xf: {  	s11 =	sadd.s32 $0x2800, s9;
	s12 =	sadd.s32 $0x5000, s9;
	s13 =	sadd.s32 $0x7800, s9  }
0x10: {  	s14 =	sadd.s32 $0xA000, s9;
	s15 =	sadd.s32 $0xC800, s9;
	s16 =	sadd.s32 $0xF000, s9  }
0x11: {  	v0 =	vimm.f32 $0.0e+00;
	s17 =	sadd.s32 $0x11800, s9;
	s19 =	smax.u32 s19, $0x1;
	s18 =	sadd.s32 $0x16800, s4  }
.LBB2_1:
0x12: {  	s28 =	simm.s32 $0x0;
	s29 =	simm.s32 $0x200  }
.LBB2_2:
0x13: {  	p0 =	sne.s32 s29, $0x9E00;
	[tilespmem:s28+$0x270] =	vst v0  }
0x14: {  	[tilespmem:s28+$0x200] =	vst v0  }
0x15: {  	[tilespmem:s28+$0x210] =	vst v0  }
.Ltmp0:
0x16: {  	[tilespmem:s28+$0x220] =	vst v0;
	(pc) =	sbr.rel @p0 .LBB2_2-.Ltmp0, $4  }
0x17: {  	[tilespmem:s28+$0x230] =	vst v0  }
0x18: {  	[tilespmem:s28+$0x240] =	vst v0  }
0x19: {  	[tilespmem:s28+$0x250] =	vst v0  }
0x1a: {  	[tilespmem:s28+$0x260] =	vst v0;
	s28 =	sshra.s32 s29, $0x2;
	s29 =	sadd.s32 $0x200, s29  }
0x1b: {  	[tilespmem:s28+$0x270] =	vst v0  }
0x1c: {  	[tilespmem:s28+$0x200] =	vst v0  }
0x1d: {  	[tilespmem:s28+$0x210] =	vst v0  }
0x1e: {  	[tilespmem:s28+$0x220] =	vst v0  }
0x1f: {  	[tilespmem:s28+$0x230] =	vst v0  }
0x20: {  	[tilespmem:s28+$0x240] =	vst v0  }
0x21: {  	[tilespmem:s28+$0x250] =	vst v0  }
0x22: {  	[tilespmem:s28+$0x260] =	vst v0  }
0x23: {  	[spmem:s9] =	stream.linear.scatter [tilespmem:s20], [sflag:$0x2], $0x2800, $0x38;
	[tilespmem:$0x16A00] =	vst v63  }
0x24: {  	_ =	swait.ge [sflag:s21], $0x2800  }
0x25: {  	[sflag:s21] =	ssyncset.done $0x0  }
0x26: {  	[sflag:s21] =	ssyncadd.s32 $0xFFFFD800  }
0x27: {  	[spmem:s11] =	stream.linear.scatter [tilespmem:s20], [sflag:$0x2], $0x2800, $0x38;
	[tilespmem:$0x16A00] =	vst v63  }
0x28: {  	_ =	swait.ge [sflag:s21], $0x2800  }
0x29: {  	[sflag:s21] =	ssyncset.done $0x0  }
0x2a: {  	[sflag:s21] =	ssyncadd.s32 $0xFFFFD800  }
0x2b: {  	[spmem:s12] =	stream.linear.scatter [tilespmem:s20], [sflag:$0x2], $0x2800, $0x38;
	[tilespmem:$0x16A00] =	vst v63  }
0x2c: {  	_ =	swait.ge [sflag:s21], $0x2800  }
0x2d: {  	[sflag:s21] =	ssyncset.done $0x0  }
0x2e: {  	[sflag:s21] =	ssyncadd.s32 $0xFFFFD800  }
0x2f: {  	[spmem:s13] =	stream.linear.scatter [tilespmem:s20], [sflag:$0x2], $0x2800, $0x38;
	[tilespmem:$0x16A00] =	vst v63  }
0x30: {  	_ =	swait.ge [sflag:s21], $0x2800  }
0x31: {  	[sflag:s21] =	ssyncset.done $0x0  }
0x32: {  	[sflag:s21] =	ssyncadd.s32 $0xFFFFD800  }
0x33: {  	[spmem:s14] =	stream.linear.scatter [tilespmem:s20], [sflag:$0x2], $0x2800, $0x38;
	[tilespmem:$0x16A00] =	vst v63  }
0x34: {  	_ =	swait.ge [sflag:s21], $0x2800  }
0x35: {  	[sflag:s21] =	ssyncset.done $0x0  }
0x36: {  	[sflag:s21] =	ssyncadd.s32 $0xFFFFD800  }
0x37: {  	[spmem:s15] =	stream.linear.scatter [tilespmem:s20], [sflag:$0x2], $0x2800, $0x38;
	[tilespmem:$0x16A00] =	vst v63  }
0x38: {  	_ =	swait.ge [sflag:s21], $0x2800  }
0x39: {  	[sflag:s21] =	ssyncset.done $0x0  }
0x3a: {  	[sflag:s21] =	ssyncadd.s32 $0xFFFFD800  }
0x3b: {  	[spmem:s16] =	stream.linear.scatter [tilespmem:s20], [sflag:$0x2], $0x2800, $0x38;
	[tilespmem:$0x16A00] =	vst v63  }
0x3c: {  	_ =	swait.ge [sflag:s21], $0x2800  }
0x3d: {  	[sflag:s21] =	ssyncset.done $0x0  }
0x3e: {  	[sflag:s21] =	ssyncadd.s32 $0xFFFFD800  }
0x3f: {  	[spmem:s17] =	stream.linear.scatter [tilespmem:s20], [sflag:$0x2], $0x2800, $0x38;
	[tilespmem:$0x16A00] =	vst v63  }
0x40: {  	_ =	swait.ge [sflag:s21], $0x2800  }
0x41: {  	[sflag:s21] =	ssyncset.done $0x0  }
0x42: {  	[sflag:s21] =	ssyncadd.s32 $0xFFFFD800  }
0x43: {  	s28 =	simm.s32 $0x0;
	s29 =	simm.s32 $0x0;
	[bflag:$0x0] =	sbarrier.arrive $0xFFFF  }
.LBB2_4:
0x44: {  	s4 =	smul.u32 $0x50, s29;
	_ =	sdelay $0x1  }
0x45: {  	s4 =	sadd.s32 s10, s4  }
0x46: {  	s4 =	sshrl.u32 s4, $0x3  }
0x47: {  	s30 =	sadd.s32 s2, s4  }
0x48: {  	[tilespmem:s28], [sflag:$0x1] =	stream.linear.gather [hbm4b:s30+s28], $0x50, $0x38;
	[tilespmem:$0x16A00] =	vst v63  }
0x49: {  	s30 =	sadd.s32 s3, s4  }
0x4a: {  	[tilespmem:s22], [sflag:$0x1] =	stream.linear.gather [hbm4b:s30+s28], $0x50, $0x38;
	[tilespmem:$0x16A00] =	vst v63  }
0x4b: {  	s30 =	sadd.s32 s7, s4  }
0x4c: {  	[tilespmem:s23], [sflag:$0x1] =	stream.linear.gather [hbm4b:s30+s28], $0x50, $0x38;
	[tilespmem:$0x16A00] =	vst v63  }
0x4d: {  	s4 =	sadd.s32 s8, s4  }
0x4e: {  	[tilespmem:s24], [sflag:$0x1] =	stream.linear.gather [hbm4b:s4+s28], $0x50, $0x38;
	[tilespmem:$0x16A00] =	vst v63  }
0x4f: {  	_ =	swait.ge [sflag:s25], $0x50  }
0x50: {  	[sflag:s25] =	ssyncset.done $0x0  }
0x51: {  	[sflag:s25] =	ssyncadd.s32 $0xFFFFFFB0  }
0x52: {  	_ =	swait.ge [sflag:s25], $0x50  }
0x53: {  	[sflag:s25] =	ssyncset.done $0x0  }
0x54: {  	[sflag:s25] =	ssyncadd.s32 $0xFFFFFFB0  }
0x55: {  	_ =	swait.ge [sflag:s25], $0x50  }
0x56: {  	[sflag:s25] =	ssyncset.done $0x0  }
0x57: {  	[sflag:s25] =	ssyncadd.s32 $0xFFFFFFB0  }
0x58: {  	v1 =	vmov s28;
	_ =	swait.ge [sflag:s25], $0x50  }
0x59: {  	s1 =	simm.s32 $0x3;
	v1 =	vand.u32 $0xFFFFFFFC, v1;
	s30 =	simm.s32 $0x1;
	[sflag:s25] =	ssyncset.done $0x0  }
0x5a: {  	v2 =	vmov s1;
	s1 =	simm.s32 $0x2;
	v3 =	vbroadcast v1, $0x0;
	v1 =	vmov s30;
	[sflag:s25] =	ssyncadd.s32 $0xFFFFFFB0  }
0x5b: {  	v4 =	vmov s1;
	v1 =	vand.u32 $0xFFFFFFFD, v1;
	[tilespmem:s20], [sflag:$0x1] =	stream.indirect.gather [hbm4b:s0+s26], $0x80, s28, s26, $0xb8;
	[tilespmem:$0x16A00] =	vst v63  }
0x5c: {  	v5 =	vbroadcast v1, $0x0;
	v1 =	vand.u32 $0xFFFFFFFE, v4;
	_ =	swait.ge [sflag:s25], $0x2800  }
0x5d: {  	v4 =	vbroadcast v1, $0x0;
	[sflag:s25] =	ssyncset.done $0x0  }
0x5e: {  	[sflag:s25] =	ssyncadd.s32 $0xFFFFD800  }
0x5f: {  	v1 =	vld.idx.msk [tilespmem:v2+s23+$0x0], $0xffff  }
0x60: {  	v6 =	vld.idx.msk [tilespmem:v3+s23+$0x0], $0xffff  }
0x61: {  	v3 =	vld.idx.msk [tilespmem:v3+s24+$0x0], $0xffff  }
0x62: {  	v7 =	vld.idx.msk [tilespmem:v5+s23+$0x0], $0xffff  }
0x63: {  	s30 =	simm.s32 $0x300;
	v9 =	vld.idx.msk [tilespmem:v4+s24+$0x0], $0xffff  }
0x64: {  	v8 =	vld [tilespmem:s30+$0xFFFFFF00]  }
0x65: {  	v10 =	vld [tilespmem:s30+$0x70]  }
0x66: {  	v11 =	vld [tilespmem:s30+$0xFFFFFF10]  }
0x67: {  	v12 =	vld [tilespmem:s30+$0xFFFFFF20]  }
0x68: {  	v13 =	vld [tilespmem:s30+$0xFFFFFF30]  }
0x69: {  	v14 =	vld [tilespmem:s30+$0xFFFFFF40]  }
0x6a: {  	v15 =	vld [tilespmem:s30+$0xFFFFFF50]  }
0x6b: {  	v5 =	vld.idx.msk [tilespmem:v5+s24+$0x0], $0xffff  }
0x6c: {  	v4 =	vld.idx.msk [tilespmem:v4+s23+$0x0], $0xffff;
	v8 =	vmul.f32 v8, v6  }
0x6d: {  	v16 =	vld [tilespmem:s30+$0xFFFFFF80];
	v11 =	vmul.f32 v11, v6  }
0x6e: {  	v2 =	vld.idx.msk [tilespmem:v2+s24+$0x0], $0xffff;
	v10 =	vmul.f32 v10, v9;
	[tilespmem:s30+$0xFFFFFF00] =	vst v8  }
0x6f: {  	v12 =	vmul.f32 v12, v6;
	v6 =	vmul.f32 v13, v6;
	v8 =	vld [tilespmem:s30+$0xFFFFFF60];
	[tilespmem:s30+$0xFFFFFF10] =	vst v11  }
0x70: {  	v11 =	vld [tilespmem:s30+$0xFFFFFF70];
	[tilespmem:s30+$0x70] =	vst v10  }
0x71: {  	v10 =	vld [tilespmem:s30+$0xFFFFFF90];
	[tilespmem:s30+$0xFFFFFF30] =	vst v6;
	v6 =	vmul.f32 v15, v3  }
0x72: {  	v13 =	vld [tilespmem:s30+$0xFFFFFFA0];
	[tilespmem:s30+$0xFFFFFF20] =	vst v12;
	v12 =	vmul.f32 v14, v3  }
0x73: {  	v14 =	vld [tilespmem:s30+$0xFFFFFFB0];
	[tilespmem:s30+$0xFFFFFF50] =	vst v6;
	v6 =	vmul.f32 v16, v7  }
0x74: {  	[tilespmem:s30+$0xFFFFFF40] =	vst v12;
	v12 =	vld [tilespmem:s30+$0xFFFFFFC0];
	v8 =	vmul.f32 v8, v3  }
0x75: {  	v15 =	vld [tilespmem:s30+$0xFFFFFFD0];
	[tilespmem:s30+$0xFFFFFF80] =	vst v6;
	v3 =	vmul.f32 v11, v3  }
0x76: {  	v10 =	vmul.f32 v10, v7;
	[tilespmem:s30+$0xFFFFFF60] =	vst v8;
	v8 =	vld [tilespmem:s30+$0xFFFFFFE0]  }
0x77: {  	v6 =	vld [tilespmem:s30+$0xFFFFFFF0];
	[tilespmem:s30+$0xFFFFFF70] =	vst v3;
	v3 =	vmul.f32 v13, v7  }
0x78: {  	[tilespmem:s30+$0xFFFFFF90] =	vst v10;
	v7 =	vmul.f32 v14, v7;
	v10 =	vld [tilespmem:s30+$0x0]  }
0x79: {  	v11 =	vld [tilespmem:s30+$0x10];
	[tilespmem:s30+$0xFFFFFFA0] =	vst v3;
	v3 =	vmul.f32 v12, v5  }
0x7a: {  	[tilespmem:s30+$0xFFFFFFB0] =	vst v7;
	v7 =	vmul.f32 v15, v5;
	v12 =	vld [tilespmem:s30+$0x20]  }
0x7b: {  	[tilespmem:s30+$0xFFFFFFC0] =	vst v3;
	v3 =	vmul.f32 v8, v5;
	v8 =	vld [tilespmem:s30+$0x30]  }
0x7c: {  	[tilespmem:s30+$0xFFFFFFD0] =	vst v7;
	v5 =	vmul.f32 v6, v5;
	v6 =	vld [tilespmem:s30+$0x40]  }
0x7d: {  	v7 =	vld [tilespmem:s30+$0x50];
	[tilespmem:s30+$0xFFFFFFE0] =	vst v3;
	v3 =	vmul.f32 v10, v4  }
0x7e: {  	[tilespmem:s30+$0xFFFFFFF0] =	vst v5;
	v5 =	vmul.f32 v11, v4;
	v10 =	vld [tilespmem:s30+$0x60]  }
0x7f: {  	v13 =	vld [tilespmem:s30+$0x80];
	v11 =	vmul.f32 v12, v4;
	[tilespmem:s30+$0x0] =	vst v3  }
0x80: {  	s1 =	simm.s32 $0x4;
	[tilespmem:s30+$0x10] =	vst v5;
	v3 =	vld [tilespmem:s30+$0x90];
	v5 =	vmul.f32 v8, v4  }
0x81: {  	[tilespmem:s30+$0x20] =	vst v11;
	v8 =	vmov s1;
	v6 =	vmul.f32 v6, v9;
	v4 =	vld [tilespmem:s30+$0xA0];
	s1 =	simm.s32 $0x7  }
0x82: {  	s31 =	simm.s32 $0x5;
	v14 =	vmul.f32 v7, v9;
	v11 =	vand.u32 $0xFFFFFFFC, v8;
	v8 =	vmov s1;
	[tilespmem:s30+$0x30] =	vst v5;
	v5 =	vld [tilespmem:s30+$0xB0]  }
0x83: {  	v7 =	vbroadcast v11, $0x0;
	v11 =	vmov s31;
	[tilespmem:s30+$0x40] =	vst v6;
	v6 =	vld [tilespmem:s30+$0xC0];
	v10 =	vmul.f32 v10, v9  }
0x84: {  	s4 =	simm.s32 $0x6;
	[tilespmem:s30+$0x50] =	vst v14;
	s31 =	simm.s32 $0x8;
	v9 =	vld [tilespmem:s30+$0xD0];
	v12 =	vand.u32 $0xFFFFFFFD, v11;
	v11 =	vmul.f32 v13, v1  }
.LBB2_5:
0x85: {  	p0 =	slt.u32 s31, $0x4C;
	v12 =	vbroadcast v12, $0x0;
	v13 =	vmov s4;
	[tilespmem:s30+$0x60] =	vst v10;
	v3 =	vmul.f32 v3, v1;
	v10 =	vld [tilespmem:s30+$0xE0]  }
0x86: {  	v13 =	vand.u32 $0xFFFFFFFE, v13;
	[tilespmem:s30+$0x80] =	vst v11;
	v4 =	vmul.f32 v4, v1;
	v11 =	vld [tilespmem:s30+$0xF0]  }
0x87: {  	v13 =	vbroadcast v13, $0x0;
	[tilespmem:s30+$0x90] =	vst v3;
	v3 =	vmul.f32 v5, v1;
	v1 =	vld.idx.msk [tilespmem:v8+s23+$0x0], $0xffff  }
0x88: {  	v5 =	vld.idx.msk [tilespmem:v8+s24+$0x0], $0xffff;
	[tilespmem:s30+$0xA0] =	vst v4;
	v4 =	vmul.f32 v6, v2  }
0x89: {  	v6 =	vld.idx.msk [tilespmem:v7+s23+$0x0], $0xffff;
	[tilespmem:s30+$0xB0] =	vst v3;
	v3 =	vmul.f32 v9, v2  }
0x8a: {  	v7 =	vld.idx.msk [tilespmem:v7+s24+$0x0], $0xffff;
	[tilespmem:s30+$0xC0] =	vst v4;
	v4 =	vmul.f32 v10, v2  }
0x8b: {  	v8 =	vld.idx.msk [tilespmem:v12+s23+$0x0], $0xffff;
	[tilespmem:s30+$0xD0] =	vst v3;
	v10 =	vmul.f32 v11, v2  }
0x8c: {  	v3 =	vld.idx.msk [tilespmem:v12+s24+$0x0], $0xffff;
	[tilespmem:s30+$0xE0] =	vst v4  }
0x8d: {  	v9 =	vld.idx.msk [tilespmem:v13+s24+$0x0], $0xffff;
	[tilespmem:s30+$0xF0] =	vst v10;
	s30 =	sadd.s32 $0x200, s30  }
0x8e: {  	v2 =	vmov v5;
	v4 =	vld [tilespmem:s30+$0x70]  }
0x8f: {  	v5 =	vld [tilespmem:s30+$0xFFFFFF00]  }
0x90: {  	v10 =	vld [tilespmem:s30+$0xFFFFFF10]  }
0x91: {  	v11 =	vld [tilespmem:s30+$0xFFFFFF20]  }
0x92: {  	v12 =	vld [tilespmem:s30+$0xFFFFFF30]  }
0x93: {  	v14 =	vld [tilespmem:s30+$0xFFFFFF40];
	v4 =	vmul.f32 v4, v9  }
0x94: {  	v5 =	vmul.f32 v5, v6;
	v15 =	vld [tilespmem:s30+$0xFFFFFF50]  }
0x95: {  	v10 =	vmul.f32 v10, v6;
	v13 =	vld.idx.msk [tilespmem:v13+s23+$0x0], $0xffff;
	[tilespmem:s30+$0x70] =	vst v4  }
0x96: {  	[tilespmem:s30+$0xFFFFFF00] =	vst v5;
	v4 =	vmul.f32 v11, v6;
	v5 =	vld [tilespmem:s30+$0xFFFFFF60]  }
0x97: {  	[tilespmem:s30+$0xFFFFFF10] =	vst v10;
	v6 =	vmul.f32 v12, v6;
	v10 =	vld [tilespmem:s30+$0xFFFFFF70]  }
0x98: {  	[tilespmem:s30+$0xFFFFFF20] =	vst v4;
	v4 =	vmul.f32 v14, v7;
	v11 =	vld [tilespmem:s30+$0xFFFFFF80]  }
0x99: {  	[tilespmem:s30+$0xFFFFFF30] =	vst v6;
	v6 =	vmul.f32 v15, v7;
	v12 =	vld [tilespmem:s30+$0xFFFFFF90]  }
0x9a: {  	[tilespmem:s30+$0xFFFFFF40] =	vst v4;
	v4 =	vld [tilespmem:s30+$0xFFFFFFA0]  }
0x9b: {  	[tilespmem:s30+$0xFFFFFF50] =	vst v6;
	v5 =	vmul.f32 v5, v7;
	v6 =	vld [tilespmem:s30+$0xFFFFFFB0]  }
0x9c: {  	v7 =	vmul.f32 v10, v7;
	v10 =	vld [tilespmem:s30+$0xFFFFFFC0]  }
0x9d: {  	[tilespmem:s30+$0xFFFFFF60] =	vst v5;
	v5 =	vmul.f32 v11, v8;
	v11 =	vld [tilespmem:s30+$0xFFFFFFD0]  }
0x9e: {  	[tilespmem:s30+$0xFFFFFF70] =	vst v7;
	v7 =	vmul.f32 v12, v8;
	v12 =	vld [tilespmem:s30+$0xFFFFFFE0]  }
0x9f: {  	[tilespmem:s30+$0xFFFFFF80] =	vst v5;
	v4 =	vmul.f32 v4, v8;
	v5 =	vld [tilespmem:s30+$0xFFFFFFF0]  }
0xa0: {  	[tilespmem:s30+$0xFFFFFF90] =	vst v7;
	v6 =	vmul.f32 v6, v8;
	v7 =	vld [tilespmem:s30+$0x0]  }
0xa1: {  	[tilespmem:s30+$0xFFFFFFA0] =	vst v4;
	v4 =	vmul.f32 v10, v3;
	v8 =	vld [tilespmem:s30+$0x10]  }
0xa2: {  	[tilespmem:s30+$0xFFFFFFB0] =	vst v6;
	v6 =	vmul.f32 v11, v3;
	v10 =	vld [tilespmem:s30+$0x20]  }
0xa3: {  	[tilespmem:s30+$0xFFFFFFC0] =	vst v4;
	v4 =	vmul.f32 v12, v3;
	v11 =	vld [tilespmem:s30+$0x30]  }
0xa4: {  	[tilespmem:s30+$0xFFFFFFD0] =	vst v6;
	v3 =	vmul.f32 v5, v3;
	v5 =	vld [tilespmem:s30+$0x40]  }
0xa5: {  	[tilespmem:s30+$0xFFFFFFE0] =	vst v4;
	v4 =	vmul.f32 v7, v13;
	v6 =	vld [tilespmem:s30+$0x50]  }
0xa6: {  	[tilespmem:s30+$0xFFFFFFF0] =	vst v3;
	v3 =	vmul.f32 v8, v13;
	v12 =	vld [tilespmem:s30+$0x60]  }
0xa7: {  	[tilespmem:s30+$0x0] =	vst v4;
	v4 =	vmul.f32 v10, v13;
	v14 =	vld [tilespmem:s30+$0x80]  }
.Ltmp1:
0xa8: {  	[tilespmem:s30+$0x10] =	vst v3;
	v7 =	vmul.f32 v11, v13;
	v3 =	vld [tilespmem:s30+$0x90];
	(pc) =	sbr.rel @p0 .LBB2_5-.Ltmp1, $4  }
0xa9: {  	s4 =	sadd.s32 $0x3, s31;
	v8 =	vmov s31;
	[tilespmem:s30+$0x20] =	vst v4;
	v10 =	vmul.f32 v5, v9;
	v4 =	vld [tilespmem:s30+$0xA0]  }
0xaa: {  	s1 =	sadd.s32 $0x1, s31;
	v11 =	vand.u32 $0xFFFFFFFC, v8;
	v8 =	vmov s4;
	[tilespmem:s30+$0x30] =	vst v7;
	v13 =	vmul.f32 v6, v9;
	v5 =	vld [tilespmem:s30+$0xB0]  }
0xab: {  	v7 =	vbroadcast v11, $0x0;
	v11 =	vmov s1;
	[tilespmem:s30+$0x40] =	vst v10;
	v10 =	vmul.f32 v12, v9;
	v6 =	vld [tilespmem:s30+$0xC0]  }
0xac: {  	s4 =	sadd.s32 $0x2, s31;
	s31 =	sadd.s32 $0x4, s31;
	v12 =	vand.u32 $0xFFFFFFFD, v11;
	[tilespmem:s30+$0x50] =	vst v13;
	v11 =	vmul.f32 v14, v1;
	v9 =	vld [tilespmem:s30+$0xD0]  }
0xad: {  	_ =	sdelay $0x1  }
0xae: {  	v13 =	vld [tilespmem:s30+$0xE0]  }
0xaf: {  	v28 =	vld [tilespmem:s30+$0xF0]  }
0xb0: {  	v15 =	vld.idx.msk [tilespmem:v8+s23+$0x0], $0xffff  }
0xb1: {  	v29 =	vld.idx.msk [tilespmem:v8+s24+$0x0], $0xffff  }
0xb2: {  	v16 =	vld.idx.msk [tilespmem:v7+s23+$0x0], $0xffff  }
0xb3: {  	v30 =	vld.idx.msk [tilespmem:v7+s24+$0x0], $0xffff;
	s31 =	sadd.s32 $0x200, s30  }
0xb4: {  	v31 =	vld [tilespmem:s31+$0x70]  }
0xb5: {  	v33 =	vld [tilespmem:s31+$0xFFFFFF10]  }
0xb6: {  	v3 =	vmul.f32 v3, v1;
	[tilespmem:s30+$0x60] =	vst v10;
	v34 =	vld [tilespmem:s31+$0xFFFFFF20]  }
0xb7: {  	[tilespmem:s30+$0x80] =	vst v11;
	v4 =	vmul.f32 v4, v1;
	v36 =	vld [tilespmem:s31+$0xFFFFFF30]  }
0xb8: {  	v14 =	vmov s4;
	v38 =	vld [tilespmem:s31+$0xFFFFFF50];
	[tilespmem:s30+$0x90] =	vst v3;
	v1 =	vmul.f32 v5, v1  }
0xb9: {  	v27 =	vand.u32 $0xFFFFFFFE, v14;
	v3 =	vld [tilespmem:s31+$0xFFFFFF00];
	[tilespmem:s30+$0xA0] =	vst v4;
	v32 =	vmul.f32 v6, v2  }
0xba: {  	v39 =	vld [tilespmem:s31+$0xFFFFFF60];
	v11 =	vbroadcast v27, $0x0;
	[tilespmem:s30+$0xB0] =	vst v1;
	v1 =	vmul.f32 v9, v2  }
0xbb: {  	v12 =	vbroadcast v12, $0x0;
	v40 =	vld [tilespmem:s31+$0xFFFFFF70];
	[tilespmem:s30+$0xC0] =	vst v32;
	v35 =	vmul.f32 v13, v2  }
0xbc: {  	v42 =	vld [tilespmem:s31+$0xFFFFFF80];
	[tilespmem:s30+$0xD0] =	vst v1;
	v1 =	vmul.f32 v28, v2  }
0xbd: {  	v2 =	vld [tilespmem:s31+$0xFFFFFF40];
	v5 =	vmul.f32 v33, v16;
	[tilespmem:s30+$0xE0] =	vst v35  }
0xbe: {  	v44 =	vld [tilespmem:s31+$0xFFFFFFA0];
	[tilespmem:s30+$0xF0] =	vst v1;
	v1 =	vmul.f32 v3, v16  }
0xbf: {  	v45 =	vld [tilespmem:s31+$0xFFFFFFB0];
	v41 =	vmul.f32 v36, v16;
	[tilespmem:s31+$0xFFFFFF10] =	vst v5  }
0xc0: {  	v18 =	vld.idx.msk [tilespmem:v11+s24+$0x0], $0xffff;
	[tilespmem:s31+$0xFFFFFF00] =	vst v1;
	v1 =	vmul.f32 v34, v16  }
0xc1: {  	v17 =	vld.idx.msk [tilespmem:v12+s23+$0x0], $0xffff;
	v43 =	vmul.f32 v38, v30;
	[tilespmem:s31+$0xFFFFFF30] =	vst v41  }
0xc2: {  	[tilespmem:s31+$0xFFFFFF20] =	vst v1;
	v1 =	vmul.f32 v2, v30;
	v2 =	vld [tilespmem:s31+$0xFFFFFF90]  }
0xc3: {  	v47 =	vld [tilespmem:s31+$0xFFFFFFC0];
	v46 =	vmul.f32 v40, v30;
	[tilespmem:s31+$0xFFFFFF50] =	vst v43  }
0xc4: {  	v48 =	vld [tilespmem:s31+$0xFFFFFFD0];
	[tilespmem:s31+$0xFFFFFF40] =	vst v1;
	v1 =	vmul.f32 v39, v30  }
0xc5: {  	v12 =	vld.idx.msk [tilespmem:v12+s24+$0x0], $0xffff;
	[tilespmem:s31+$0xFFFFFF70] =	vst v46;
	v37 =	vmul.f32 v31, v18  }
0xc6: {  	v49 =	vld [tilespmem:s31+$0xFFFFFFE0];
	[tilespmem:s31+$0xFFFFFF60] =	vst v1;
	v1 =	vmul.f32 v42, v17  }
0xc7: {  	v3 =	vld.idx.msk [tilespmem:v11+s23+$0x0], $0xffff;
	[tilespmem:s31+$0x70] =	vst v37;
	v2 =	vmul.f32 v2, v17  }
0xc8: {  	v50 =	vld [tilespmem:s31+$0xFFFFFFF0];
	[tilespmem:s31+$0xFFFFFF80] =	vst v1;
	v1 =	vmul.f32 v44, v17  }
0xc9: {  	v51 =	vld [tilespmem:s31+$0x0];
	[tilespmem:s31+$0xFFFFFF90] =	vst v2;
	v2 =	vmul.f32 v45, v17  }
0xca: {  	v52 =	vld [tilespmem:s31+$0x10];
	[tilespmem:s31+$0xFFFFFFA0] =	vst v1;
	v1 =	vmul.f32 v47, v12  }
0xcb: {  	v53 =	vld [tilespmem:s31+$0x20];
	[tilespmem:s31+$0xFFFFFFB0] =	vst v2;
	v2 =	vmul.f32 v48, v12  }
0xcc: {  	v54 =	vld [tilespmem:s31+$0x30];
	[tilespmem:s31+$0xFFFFFFC0] =	vst v1;
	v1 =	vmul.f32 v49, v12  }
0xcd: {  	v55 =	vld [tilespmem:s31+$0x40];
	[tilespmem:s31+$0xFFFFFFD0] =	vst v2;
	v2 =	vmul.f32 v50, v12  }
0xce: {  	v56 =	vld [tilespmem:s31+$0x50];
	[tilespmem:s31+$0xFFFFFFE0] =	vst v1;
	v1 =	vmul.f32 v51, v3  }
0xcf: {  	v57 =	vld [tilespmem:s31+$0x60];
	[tilespmem:s31+$0xFFFFFFF0] =	vst v2;
	v2 =	vmul.f32 v52, v3  }
0xd0: {  	v58 =	vld [tilespmem:s31+$0x80];
	[tilespmem:s31+$0x0] =	vst v1;
	v1 =	vmul.f32 v53, v3  }
0xd1: {  	[tilespmem:s31+$0x10] =	vst v2;
	v2 =	vmul.f32 v54, v3;
	v3 =	vld [tilespmem:s31+$0x90]  }
0xd2: {  	v59 =	vld [tilespmem:s31+$0xA0];
	[tilespmem:s31+$0x20] =	vst v1;
	v1 =	vmul.f32 v55, v18  }
0xd3: {  	v60 =	vld [tilespmem:s31+$0xB0];
	[tilespmem:s31+$0x30] =	vst v2;
	v2 =	vmul.f32 v56, v18  }
0xd4: {  	v61 =	vld [tilespmem:s31+$0xC0];
	[tilespmem:s31+$0x40] =	vst v1;
	v1 =	vmul.f32 v57, v18  }
0xd5: {  	v62 =	vld [tilespmem:s31+$0xD0];
	[tilespmem:s31+$0x50] =	vst v2;
	v2 =	vmul.f32 v58, v15  }
0xd6: {  	[tilespmem:s31+$0x60] =	vst v1;
	v1 =	vmul.f32 v3, v15;
	v3 =	vld [tilespmem:s31+$0xE0]  }
0xd7: {  	v63 =	vld [tilespmem:s31+$0xF0];
	[tilespmem:s31+$0x80] =	vst v2;
	v2 =	vmul.f32 v59, v15  }
0xd8: {  	[tilespmem:s31+$0x90] =	vst v1;
	v1 =	vmul.f32 v60, v15  }
0xd9: {  	[tilespmem:s31+$0xA0] =	vst v2;
	v2 =	vmul.f32 v61, v29  }
0xda: {  	[tilespmem:s31+$0xB0] =	vst v1;
	v1 =	vmul.f32 v62, v29  }
0xdb: {  	[tilespmem:s31+$0xC0] =	vst v2;
	v2 =	vmul.f32 v3, v29  }
0xdc: {  	s29 =	sadd.s32 $0x1, s29;
	[tilespmem:s31+$0xD0] =	vst v1;
	v1 =	vmul.f32 v63, v29  }
0xdd: {  	p0 =	sne.s32 s29, $0x7D;
	[tilespmem:s31+$0xE0] =	vst v2  }
.Ltmp2:
0xde: {  	[tilespmem:s31+$0xF0] =	vst v1;
	(pc) =	sbr.rel @p0 .LBB2_4-.Ltmp2, $4  }
0xdf: {  	[spmem:s5] =	stream.indirect.scatter.add.f32 [tilespmem:s20], [sflag:$0x2], $0x80, s22, s26, $0xb8;
	[tilespmem:$0x16A00] =	vst v63  }
0xe0: {  	_ =	swait.ge [sflag:s21], $0x2800  }
0xe1: {  	[sflag:s21] =	ssyncset.done $0x0  }
0xe2: {  	[sflag:s21] =	ssyncadd.s32 $0xFFFFD800  }
0xe3: {  	s1 =	stileid.u32;
	s6 =	sadd.s32 $0x1, s6  }
0xe4: {  	[bflag:$0x0] =	sbarrier.arrive $0xFFFF;
	s1 =	sshll.u32 s1, $0x6;
	p0 =	sne.s32 s6, s19  }
.Ltmp3:
0xe5: {  	s4 =	sshrl.u32 s9, $0x3;
	s1 =	sor.u32 $0x1C02, s1;
	(pc) =	sbr.rel @p0 .LBB2_1-.Ltmp3, $4  }
0xe6: {  	[hbm:s18], [sflag:s1] =	dma.local [spmem:s4], $0x2800  }
0xe7: {  	_ =	swait.ge [sflag:s21], $0x2800  }
0xe8: {  	[sflag:s21] =	ssyncset.done $0x0  }
0xe9: {  	[sflag:s21] =	ssyncadd.s32 $0xFFFFD800  }
0xea: {  	_ =	sfence.sel $0x180000  }
0xeb: {  	[bflag:$0x0] =	sbarrier.arrive $0xFFFF  }
0xec: {  	_ =	strace $0x90000053  }
0xed: {  	s0 =	stileid.u32;
	[bflag:$0x2] =	sbarrier.arrive $0xFFFF  }
0xee: {  	p0 =	sne.s32 s0, $0x0;
	s0 =	rddreg [dreg:$0x5]  }
0xef: {  	s0 =	sadd.s32 @!p0 $0x100000, s0  }
0xf0: {  	[sflag:s0] =	ssyncadd.tile.s32 @!p0 $0x1;
	_ =	shalt  }
.Lfunc_end2:
_tile_overlayer_lowered:
.L_overlay_start_2:
0xf1: {  	(tag) =	ssettag $0x2  }
0xf2: {  	s0 =	rddreg [dreg:$0x0];
	s2 =	stileid.u32  }
0xf3: {  	s1 =	rddreg [dreg:$0x1];
	p0 =	sne.s32 s2, $0x0  }
0xf4: {  	s3 =	rddreg [dreg:$0x2];
	[bflag:$0x3] =	sbarrier.arrive $0xFFFF;
	s2 =	simm.s32 @!p0 $0x1C02  }
0xf5: {  	[timem:s3], [sflag:s2] =	dma.local @!p0 [hbm:s0], s1  }
0xf6: {  	s0 =	simm.s32 @!p0 $0x2  }
0xf7: {  	_ =	swait.ge @!p0 [sflag:s0], s1  }
0xf8: {  	s1 =	ssub.s32 @!p0 $0x0, s1;
	[sflag:s0] =	ssyncset.done @!p0 $0x0  }
0xf9: {  	[sflag:s0] =	ssyncadd.s32 @!p0 s1  }
0xfa: {  	[bflag:$0x3] =	sbarrier.arrive $0xFFFF  }
0xfb: {  	_ =	shalt  }

// kernel: kernel.9.cloned.1.call-start
scs
__scs_entry_jumppad:
0x0: {  	(pc) =	sbr.rel $0x88, $3  }
0x1: {  	(tag) =	ssettag $0x0;
	lr =	simm.s32 $0x1  }
0x2: {  	[smem:$0x3F99] =	sst lr;
	_ =	strace $0xD0000000  }
0x3: {  	_ = 	snop  }
0x4: {  	_ = 	snop  }
0x5: {  	_ = 	snop  }
0x6: {  	_ = 	snop  }
0x7: {  	_ = 	snop  }
__scs_overlays_trampoline_lowered:
0x8: {  	[smem:$0x3FA8] =	sst s0  }
0x9: {  	[smem:$0x3FA9] =	sst s1  }
0xa: {  	[smem:$0x3FAA] =	sst s2  }
0xb: {  	[smem:$0x3FAB] =	sst s3  }
0xc: {  	[smem:$0x3FAC] =	sst s4  }
0xd: {  	[smem:$0x3FAD] =	sst s5  }
0xe: {  	[smem:$0x3FAE] =	sst s6  }
0xf: {  	[smem:$0x3FAF] =	sst s7  }
0x10: {  	[smem:$0x3FB0] =	sst s8  }
0x11: {  	[smem:$0x3FB1] =	sst s9;
	s0 =	simm.s32 @!p0 $0x0  }
0x12: {  	s1 =	sld [smem:$0x3F97];
	s0 =	simm.s32 @p0 $0x1  }
0x13: {  	[smem:$0x3FB2] =	sst s0;
	s0 =	simm.s32 @!p1 $0x0  }
0x14: {  	s2 =	sld [smem:$0x3F96];
	s0 =	simm.s32 @p1 $0x1  }
0x15: {  	[smem:$0x3FB3] =	sst s0;
	s0 =	simm.s32 @!p2 $0x0  }
0x16: {  	s3 =	sld [smem:$0x3FDB];
	s0 =	simm.s32 @p2 $0x1  }
0x17: {  	s4 =	simm.s32 $0x1BF5;
	[smem:$0x3FB5] =	sst s0  }
0x18: {  	s0 =	sld [smem:$0x3F98];
	_ =	swait.ge [sflag:s4], $0x0  }
0x19: {  	s7 =	sld [smem:$0x3F99]  }
0x1a: {  	s8 =	sadd.s32 $0xFFFFE003, lr  }
0x1b: {  	s9 =	sadd.s32 $0xFFFFFEF7, lr;
	s5 =	simm.s32 $0xFFFFFFFF;
	p2 =	slt.u32 s8, $0xFFFFF086  }
0x1c: {  	p1 =	slt.u32 s9, $0xF7A;
	s5 =	simm.s32 @!p2 $0x0  }
0x1d: {  	s5 =	simm.s32 @p1 $0x1;
	p0 =	seq.s32 s7, s2  }
0x1e: {  	s7 =	smul.u32 @!p0 $0xF7A, s2;
	p2 =	seq.s32 @!p0 s5, $0x0  }
0x1f: {  	s9 =	smul.u32 $0xF7A, s1;
	s8 =	simm.s32 @!p0 $0x1BF5;
	p2 =	por !p2, p0  }
0x20: {  	[sflag:s8] =	ssyncset.s32 @!p0 $0xFFFFF086;
	s6 =	sadd.s32 @!p0 s3, s7;
	s7 =	simm.s32 @!p0 $0x108  }
0x21: {  	s3 =	sadd.s32 s3, s9;
	s6 =	sadd.s32 @!p0 $0x88, s6;
	s7 =	simm.s32 @p2 $0x1082  }
0x22: {  	[simem:s7], [sflag:s8] =	dma.local @!p0 [hbm:s6], $0xF7A  }
0x23: {  	s9 =	sor.u32 $0xD0000000, s2;
	s6 =	simm.s32 $0x108;
	_ =	swait.ge @!p0 [sflag:s8], $0x0  }
0x24: {  	s3 =	sadd.s32 $0x88, s3;
	s6 =	simm.s32 @!p1 $0x1082;
	[sflag:s4] =	ssyncset.s32 $0xFFFFF086  }
0x25: {  	[simem:s6], [sflag:s4] =	dma.local [hbm:s3], $0xF7A  }
0x26: {  	[smem:$0x3F99] =	sst s1;
	(tag) =	ssettag s2;
	_ =	strace s9  }
0x27: {  	s1 =	sld [smem:$0x3FA9]  }
0x28: {  	s2 =	sld [smem:$0x3FAA]  }
0x29: {  	s4 =	sld [smem:$0x3FAC]  }
0x2a: {  	p0 =	seq.s32 s5, $0x0;
	s5 =	sld [smem:$0x3FAD]  }
0x2b: {  	s6 =	sld [smem:$0x3FAE]  }
0x2c: {  	s7 =	sld [smem:$0x3FAF]  }
0x2d: {  	s3 =	simm.s32 $0x108;
	s8 =	sld [smem:$0x3FB0]  }
0x2e: {  	s3 =	simm.s32 @!p0 $0x1082;
	s9 =	sld [smem:$0x3FB1]  }
0x2f: {  	lr =	sadd.s32 s0, s3;
	s0 =	sld [smem:$0x3FA8]  }
0x30: {  	s3 =	sld [smem:$0x3FAB]  }
0x31: {  	[smem:$0x3FB4] =	sst s10  }
0x32: {  	s10 =	sld [smem:$0x3FB2];
	_ =	sdelay $0x3  }
0x33: {  	p0 =	seq.s32 s10, $0x1;
	s10 =	sld [smem:$0x3FB4];
	_ =	sdelay $0x3  }
0x34: {  	[smem:$0x3FB4] =	sst s10  }
0x35: {  	s10 =	sld [smem:$0x3FB3];
	_ =	sdelay $0x3  }
0x36: {  	p1 =	seq.s32 s10, $0x1;
	s10 =	sld [smem:$0x3FB4];
	_ =	sdelay $0x3  }
0x37: {  	[smem:$0x3FB4] =	sst s10  }
0x38: {  	s10 =	sld [smem:$0x3FB5]  }
0x39: {  	_ = 	snop;
	(pc) =	sbr.ind lr, $3  }
0x3a: {  	_ = 	snop  }
0x3b: {  	_ = 	snop  }
0x3c: {  	p2 =	seq.s32 s10, $0x1;
	s10 =	sld [smem:$0x3FB4]  }
0x3d: {  	_ =	shalt  }
0x3e: {  	_ =	shalt  }
0x3f: {  	_ =	shalt  }
0x40: {  	_ =	shalt  }
0x41: {  	_ =	shalt  }
0x42: {  	_ =	shalt  }
0x43: {  	_ =	shalt  }
0x44: {  	_ =	shalt  }
0x45: {  	_ =	shalt  }
0x46: {  	_ =	shalt  }
0x47: {  	_ =	shalt  }
0x48: {  	_ =	shalt  }
0x49: {  	_ =	shalt  }
0x4a: {  	_ =	shalt  }
0x4b: {  	_ =	shalt  }
0x4c: {  	_ =	shalt  }
0x4d: {  	_ =	shalt  }
0x4e: {  	_ =	shalt  }
0x4f: {  	_ =	shalt  }
0x50: {  	_ =	shalt  }
0x51: {  	_ =	shalt  }
0x52: {  	_ =	shalt  }
0x53: {  	_ =	shalt  }
0x54: {  	_ =	shalt  }
0x55: {  	_ =	shalt  }
0x56: {  	_ =	shalt  }
0x57: {  	_ =	shalt  }
0x58: {  	_ =	shalt  }
0x59: {  	_ =	shalt  }
0x5a: {  	_ =	shalt  }
0x5b: {  	_ =	shalt  }
0x5c: {  	_ =	shalt  }
0x5d: {  	_ =	shalt  }
0x5e: {  	_ =	shalt  }
0x5f: {  	_ =	shalt  }
0x60: {  	_ =	shalt  }
0x61: {  	_ =	shalt  }
0x62: {  	_ =	shalt  }
0x63: {  	_ =	shalt  }
0x64: {  	_ =	shalt  }
0x65: {  	_ =	shalt  }
0x66: {  	_ =	shalt  }
0x67: {  	_ =	shalt  }
0x68: {  	_ =	shalt  }
0x69: {  	_ =	shalt  }
0x6a: {  	_ =	shalt  }
0x6b: {  	_ =	shalt  }
0x6c: {  	_ =	shalt  }
0x6d: {  	_ =	shalt  }
0x6e: {  	_ =	shalt  }
0x6f: {  	_ =	shalt  }
0x70: {  	_ =	shalt  }
0x71: {  	_ =	shalt  }
0x72: {  	_ =	shalt  }
0x73: {  	_ =	shalt  }
0x74: {  	_ =	shalt  }
0x75: {  	_ =	shalt  }
0x76: {  	_ =	shalt  }
0x77: {  	_ =	shalt  }
0x78: {  	_ =	shalt  }
0x79: {  	_ =	shalt  }
0x7a: {  	_ =	shalt  }
0x7b: {  	_ =	shalt  }
0x7c: {  	_ =	shalt  }
0x7d: {  	_ =	shalt  }
0x7e: {  	_ =	shalt  }
0x7f: {  	_ =	shalt  }
0x80: {  	_ =	shalt  }
0x81: {  	_ =	shalt  }
0x82: {  	_ =	shalt  }
0x83: {  	_ =	shalt  }
0x84: {  	_ =	shalt  }
0x85: {  	_ =	shalt  }
0x86: {  	_ =	shalt  }
0x87: {  	_ =	shalt  }
.Lfunc_end0:
.L_simem_size_0:
called_computation.1_lowered:
.L_overlay_start_0:
0x88: {  	s2 =	sld [smem:$0x3FD9]  }
0x89: {  	s3 =	sld [smem:$0x3FFE];
	_ =	sdelay $0x1  }
0x8a: {  	s1 =	srdreg.scid  }
0x8b: {  	s0 =	sand.u32 $0x1, s1  }
0x8c: {  	s14 =	sshll.u32 s0, $0xA;
	s2 =	sadd.s32 s3, s2  }
0x8d: {  	s2 =	sadd.s32 s2, s14  }
0x8e: {  	[smem:$0x3FC0] =	sst s2  }
0x8f: {  	_ = 	snop  }
0x90: {  	s2 =	sld [smem:$0x3FD0];
	_ =	sdelay $0x2  }
0x91: {  	s15 =	simm.s32 $0xA;
	s4 =	simm.s32 $0x10  }
0x92: {  	[smem:s4], [sflag:s15] =	dma.local [hbm:s2], $0x1  }
0x93: {  	_ =	swait.eq [sflag:s15], $0x1  }
0x94: {  	s16 =	sld [smem:$0x10]  }
0x95: {  	s17 =	sld [smem:$0x11]  }
0x96: {  	s5 =	sld [smem:$0x12]  }
0x97: {  	s6 =	sld [smem:$0x13];
	[sflag:s15] =	ssyncset.done $0x0  }
0x98: {  	s7 =	sld [smem:$0x14];
	[sflag:s15] =	ssyncadd.s32 $0xFFFFFFFF  }
0x99: {  	s18 =	sld [smem:$0x16];
	(tm) =	ssettm $0x1  }
0x9a: {  	s8 =	sld [smem:$0x3FFB];
	_ =	sdelay $0x3  }
0x9b: {  	_ =	strace s8  }
0x9c: {  	s8 =	sld [smem:$0x3FFC];
	_ =	sdelay $0x3  }
0x9d: {  	_ =	strace s8  }
0x9e: {  	s8 =	sld [smem:$0x3FFD];
	_ =	sdelay $0x3  }
0x9f: {  	_ =	strace s8  }
0xa0: {  	_ =	strace $0x8FFFFFFF  }
0xa1: {  	s19 =	sld [smem:$0x3FDB];
	_ =	sdelay $0x1  }
0xa2: {  	s9 =	simm.s32 $_scs_section_size  }
0xa3: {  	s10 =	simm.s32 $_size__tile_overlayer_lowered;
	s11 =	simm.s32 $_tile_overlayer_lowered  }
0xa4: {  	s22 =	simm.s32 $0x1BFF;
	s21 =	sshll.u32 s11, $0x1;
	s8 =	sadd.s32 s9, s19  }
0xa5: {  	s12 =	simm.s32 $0x0;
	s20 =	sshll.u32 s10, $0x1;
	s10 =	sadd.s32 s21, s8  }
0xa6: {  	[timem:s12], [sflag:s22] =	dma.local [hbm:s10], s20  }
0xa7: {  	_ =	swait.ge [sflag:s22], s20  }
0xa8: {  	s9 =	ssub.s32 $0x0, s20;
	[sflag:s22] =	ssyncset.done $0x0  }
0xa9: {  	[sflag:s22] =	ssyncadd.s32 s9;
	_ =	sdelay $0x1  }
0xaa: {  	s23 =	simm.s32 $0x1B8B  }
0xab: {  	_ =	swait.ge [sflag:s23], $0x1  }
0xac: {  	[sflag:s23] =	ssyncset.done $0x0  }
0xad: {  	s25 =	simm.s32 $0x1B8E;
	s24 =	sld [smem:$0x3FFE];
	[sflag:s23] =	ssyncadd.s32 $0xFFFFFFFF  }
0xae: {  	s26 =	simm.s32 $execute0_lowered;
	[smem:$0x3FD2] =	sst s25  }
0xaf: {  	s10 =	sshll.u32 s26, $0x1;
	_ =	strace $0x80000049;
	[dreg:$0x1] =	wrdreg $0xFFFFFFFF  }
0xb0: {  	s28 =	simm.s32 $_size_execute0_lowered;
	s8 =	sadd.s32 s8, s10;
	[dreg:$0x0] =	wrdreg $0x0  }
0xb1: {  	s10 =	sshll.u32 s28, $0x1;
	[dreg:$0x2] =	wrdreg s8  }
0xb2: {  	[dreg:$0x3] =	wrdreg s10  }
0xb3: {  	[dreg:$0x4] =	wrdreg $0xC0  }
0xb4: {  	_ =	task [dreg:s12], $0x5FFFF  }
0xb5: {  	[dreg:$0x1] =	wrdreg $0xFFFFFFFF  }
0xb6: {  	[dreg:$0x0] =	wrdreg $0x60  }
0xb7: {  	[dreg:$0x2] =	wrdreg s17  }
0xb8: {  	[dreg:$0x3] =	wrdreg s7  }
0xb9: {  	[dreg:$0x4] =	wrdreg s24  }
0xba: {  	[dreg:$0x5] =	wrdreg s18  }
0xbb: {  	[dreg:$0x6] =	wrdreg s6  }
0xbc: {  	[dreg:$0x7] =	wrdreg s16  }
0xbd: {  	[dreg:$0x8] =	wrdreg s5  }
0xbe: {  	[dreg:$0x9] =	wrdreg $0x9  }
0xbf: {  	_ =	task.clear_ibuf [dreg:s12], $0xAFFFF;
	_ =	strace $0x90000049  }
0xc0: {  	s29 =	simm.s32 $0x9;
	_ =	strace $0x8000004B  }
0xc1: {  	_ =	swait.ge [sflag:s29], $0x1  }
0xc2: {  	[sflag:s29] =	ssyncadd.s32 $0xFFFFFFFF  }
0xc3: {  	_ =	strace $0x9000004B  }
0xc4: {  	_ =	sfence  }
0xc5: {  	s30 =	sld [smem:$0x0];
	_ =	sdelay $0x2  }
0xc6: {  	s31 =	sshll.u32 s1, $0xD;
	s1 =	sshrl.u32 s1, $0x2  }
0xc7: {  	s3 =	sand.u32 $0x4000, s31;
	s1 =	sadd.s32 s1, s30  }
0xc8: {  	s0 =	sor.u32 s3, s0;
	s1 =	sshll.u32 s1, $0x11  }
0xc9: {  	s0 =	sor.u32 s1, s0  }
0xca: {  	s0 =	sadd.s32 $0x8F2B, s0  }
0xcb: {  	[sflag:s0] =	ssyncadd.remote.s32 $0x1  }
0xcc: {  	_ =	sfence.sel $0xFFFF  }
0xcd: {  	[dreg:$0x0] =	wrdreg $0xFFFFFFFF;
	(pc) =	sbr.abs _section_cstart, $3  }
0xce: {  	[dreg:$0x1] =	wrdreg $0xFFFFFFFF  }
0xcf: {  	_ =	task.clear_ibuf [dreg:s12], $0x2FFFF;
	_ =	strace $0x9FFFFFFF  }
0xd0: {  	(tm) =	ssettm $0x7FFFFFFF  }
0xd1: {  	_ =	shalt  }
tec
execute0_lowered:
.L_overlay_start_1:
0x0: {  	(tag) =	ssettag $0x1  }
0x1: {  	s14 =	rddreg [dreg:$0x0]  }
0x2: {  	s13 =	rddreg [dreg:$0x1]  }
0x3: {  	s8 =	rddreg [dreg:$0x2]  }
0x4: {  	s0 =	rddreg [dreg:$0x3]  }
0x5: {  	s12 =	rddreg [dreg:$0x4]  }
0x6: {  	s1 =	srdreg.scid;
	s11 =	rddreg [dreg:$0x5]  }
0x7: {  	s7 =	rddreg [dreg:$0x6];
	s2 =	stileid.u32;
	s3 =	simm.s32 $0x0  }
0x8: {  	s17 =	simm.s32 $0x4F00;
	s18 =	simm.s32 $0x7680;
	s19 =	simm.s32 $0x9E00  }
0x9: {  	s20 =	simm.s32 $0x9E80;
	s21 =	simm.s32 $0x9F00;
	s22 =	simm.s32 $0x1  }
0xa: {  	s23 =	simm.s32 $0xA080;
	s24 =	simm.s32 $0xC880;
	s25 =	simm.s32 $0x9F80  }
0xb: {  	s26 =	simm.s32 $0xA000;
	s4 =	sand.u32 $0x1, s1;
	s1 =	rddreg [dreg:$0x7]  }
0xc: {  	s28 =	simm.s32 $0x0;
	[smem:$0x7FF] =	sst s3;
	s15 =	smul.u32 $0x2710, s2  }
0xd: {  	s5 =	sshll.u32 s4, $0x4;
	_ =	strace $0x8000004A;
	s9 =	smul.u32 $0x27100, s4  }
0xe: {  	s31 =	ssub.s32 $0x2, s4;
	s4 =	sadd.s32 $0x2C00, s8;
	s5 =	sor.u32 s2, s5  }
0xf: {  	s10 =	sshrl.u32 s31, $0x1;
	s6 =	smul.u32 $0x5000, s5;
	s15 =	sadd.s32 s15, s9  }
0x10: {  	s10 =	ssub.s32 s31, s10;
	s5 =	sadd.s32 $0x30E2, s8;
	s15 =	sshrl.u32 s15, $0x3  }
0x11: {  	s10 =	smax.u32 s10, $0x1;
	s16 =	sshrl.u32 s6, $0x3;
	s6 =	sadd.s32 $0x35C4, s8  }
0x12: {  	s8 =	sadd.s32 $0x3AA6, s8;
	s11 =	sadd.s32 s15, s11;
	s12 =	sadd.s32 s15, s12  }
0x13: {  	s13 =	sadd.s32 s15, s13;
	s14 =	sadd.s32 s15, s14;
	s7 =	sadd.s32 s7, s16  }
0x14: {  	v0 =	vimm.f32 $0.0e+00;
	s15 =	simm.s32 $0x2;
	s16 =	simm.s32 $0x2780;
	s9 =	sadd.s32 $0x500, s7  }
.LBB2_1:
0x15: {  	[tilespmem:s3], [sflag:$0x2] =	stream.linear.gather [hbm4b:s4+s3], $0x2710, $0x38;
	[tilespmem:$0xF080] =	vst v63  }
0x16: {  	_ =	swait.ge [sflag:s15], $0x2710  }
0x17: {  	[sflag:s15] =	ssyncset.done $0x0  }
0x18: {  	[sflag:s15] =	ssyncadd.s32 $0xFFFFD8F0  }
0x19: {  	[tilespmem:s16], [sflag:$0x2] =	stream.linear.gather [hbm4b:s5+s3], $0x2710, $0x38;
	[tilespmem:$0xF080] =	vst v63  }
0x1a: {  	_ =	swait.ge [sflag:s15], $0x2710  }
0x1b: {  	[sflag:s15] =	ssyncset.done $0x0  }
0x1c: {  	[sflag:s15] =	ssyncadd.s32 $0xFFFFD8F0  }
0x1d: {  	[tilespmem:s17], [sflag:$0x2] =	stream.linear.gather [hbm4b:s6+s3], $0x2710, $0x38;
	[tilespmem:$0xF080] =	vst v63  }
0x1e: {  	_ =	swait.ge [sflag:s15], $0x2710  }
0x1f: {  	[sflag:s15] =	ssyncset.done $0x0  }
0x20: {  	[sflag:s15] =	ssyncadd.s32 $0xFFFFD8F0  }
0x21: {  	[tilespmem:s18], [sflag:$0x2] =	stream.linear.gather [hbm4b:s8+s3], $0x2710, $0x38;
	[tilespmem:$0xF080] =	vst v63  }
0x22: {  	_ =	swait.ge [sflag:s15], $0x2710  }
0x23: {  	[sflag:s15] =	ssyncset.done $0x0  }
0x24: {  	[sflag:s15] =	ssyncadd.s32 $0xFFFFD8F0  }
0x25: {  	[tilespmem:s19], [sflag:$0x2] =	stream.linear.gather [hbm4b:s0+s3], $0x80, $0x38;
	[tilespmem:$0xF080] =	vst v63  }
0x26: {  	_ =	swait.ge [sflag:s15], $0x80  }
0x27: {  	[sflag:s15] =	ssyncset.done $0x0  }
0x28: {  	s29 =	simm.s32 $0x40;
	s30 =	simm.s32 $0x0;
	[sflag:s15] =	ssyncadd.s32 $0xFFFFFF80  }
.LBB2_2:
0x29: {  	p0 =	sne.s32 s29, $0x9FC0;
	[tilespmem:s30+$0xA080] =	vst v0;
	s31 =	smov.u32 s29;
	s29 =	sadd.s32 $0x40, s29  }
.Ltmp0:
0x2a: {  	[tilespmem:s30+$0xC880] =	vst v0;
	(pc) =	sbr.rel @p0 .LBB2_2-.Ltmp0, $2  }
0x2b: {  	_ =	sdelay $0x2  }
0x2c: {  	s30 =	sshra.s32 s31, $0x2  }
0x2d: {  	[tilespmem:s30+$0xA080] =	vst v0  }
0x2e: {  	[tilespmem:s30+$0xC880] =	vst v0  }
0x2f: {  	v1 =	vld [tilespmem:$0x9E00]  }
0x30: {  	s29 =	simm.s32 $0x0;
	v2 =	vld [tilespmem:$0x9E10]  }
.LBB2_4:
0x31: {  	s30 =	sadd.s32 s29, s14  }
0x32: {  	[tilespmem:s20], [sflag:$0x1] =	stream.linear.gather [hbm4b:s30+s3], $0x50, $0x38;
	[tilespmem:$0xF080] =	vst v63  }
0x33: {  	s31 =	sadd.s32 s29, s13  }
0x34: {  	[tilespmem:s21], [sflag:$0x1] =	stream.linear.gather [hbm4b:s31+s3], $0x50, $0x38;
	[tilespmem:$0xF080] =	vst v63  }
0x35: {  	_ =	swait.ge [sflag:s22], $0x50  }
0x36: {  	[sflag:s22] =	ssyncset.done $0x0  }
0x37: {  	[sflag:s22] =	ssyncadd.s32 $0xFFFFFFB0  }
0x38: {  	_ =	swait.ge [sflag:s22], $0x50  }
0x39: {  	[sflag:s22] =	ssyncset.done $0x0  }
0x3a: {  	[sflag:s22] =	ssyncadd.s32 $0xFFFFFFB0  }
0x3b: {  	v3 =	vld [tilespmem:$0x9E80]  }
0x3c: {  	v4 =	vld [tilespmem:$0x9F00];
	_ =	sdelay $0x6  }
0x3d: {  	v5 =	vld.idx.msk [tilespmem:v3+s3+$0x0], $0xffff  }
0x3e: {  	v6 =	vld.idx.msk [tilespmem:v4+s16+$0x0], $0xffff  }
0x3f: {  	v3 =	vld.idx.msk [tilespmem:v3+s17+$0x0], $0xffff  }
0x40: {  	v7 =	vld.idx.msk [tilespmem:v4+s18+$0x0], $0xffff;
	_ =	sdelay $0x3  }
0x41: {  	v5 =	vadd.f32 v6, v5  }
0x42: {  	v3 =	vadd.f32 v7, v3  }
0x43: {  	v6 =	vmul.f32 $2.000000030e-01, v5  }
0x44: {  	v7 =	vmul.f32 $2.000000030e-01, v3  }
0x45: {  	v5 =	vmax.f32 v5, v6  }
0x46: {  	v3 =	vmax.f32 v3, v7;
	v5 =	vsub.f32 v5, v1  }
0x47: {  	v3 =	vsub.f32 v3, v2  }
0x48: {  	v5 =	vmul.f32 $1.442695020e+00, v5  }
0x49: {  	v3 =	vmul.f32 $1.442695020e+00, v3  }
0x4a: {  	(erf) = vpow2.f32 v5  }
0x4b: {  	(erf) = vpow2.f32 v3;
	_ =	sdelay $0x7  }
0x4c: {  	v3 =	vpop (erf)  }
0x4d: {  	v51 =	vpop (erf);
	[tilespmem:$0x9F80] =	vst v3  }
0x4e: {  	[tilespmem:$0xA000] =	vst v51  }
0x4f: {  	[tilespmem:v4+s23+$0x0] =	vst.idx.add.f32.msk $0xffff, v3  }
0x50: {  	[tilespmem:v4+s24+$0x0] =	vst.idx.add.f32.msk $0xffff, v51  }
0x51: {  	v3 =	vld [tilespmem:$0x9E90]  }
0x52: {  	v4 =	vld [tilespmem:$0x9F10];
	_ =	sdelay $0x6  }
0x53: {  	v5 =	vld.idx.msk [tilespmem:v3+s3+$0x0], $0xffff  }
0x54: {  	v52 =	vld.idx.msk [tilespmem:v4+s16+$0x0], $0xffff  }
0x55: {  	v3 =	vld.idx.msk [tilespmem:v3+s17+$0x0], $0xffff  }
0x56: {  	v53 =	vld.idx.msk [tilespmem:v4+s18+$0x0], $0xffff;
	_ =	sdelay $0x3  }
0x57: {  	v5 =	vadd.f32 v52, v5  }
0x58: {  	v3 =	vadd.f32 v53, v3  }
0x59: {  	v6 =	vmul.f32 $2.000000030e-01, v5  }
0x5a: {  	v7 =	vmul.f32 $2.000000030e-01, v3  }
0x5b: {  	v5 =	vmax.f32 v5, v6  }
0x5c: {  	v3 =	vmax.f32 v3, v7;
	v5 =	vsub.f32 v5, v1  }
0x5d: {  	v3 =	vsub.f32 v3, v2  }
0x5e: {  	v5 =	vmul.f32 $1.442695020e+00, v5  }
0x5f: {  	v3 =	vmul.f32 $1.442695020e+00, v3  }
0x60: {  	(erf) = vpow2.f32 v5  }
0x61: {  	(erf) = vpow2.f32 v3;
	_ =	sdelay $0x7  }
0x62: {  	v3 =	vpop (erf)  }
0x63: {  	v54 =	vpop (erf);
	[tilespmem:$0x9F90] =	vst v3  }
0x64: {  	[tilespmem:$0xA010] =	vst v54  }
0x65: {  	[tilespmem:v4+s23+$0x0] =	vst.idx.add.f32.msk $0xffff, v3  }
0x66: {  	[tilespmem:v4+s24+$0x0] =	vst.idx.add.f32.msk $0xffff, v54  }
0x67: {  	v3 =	vld [tilespmem:$0x9EA0]  }
0x68: {  	v4 =	vld [tilespmem:$0x9F20];
	_ =	sdelay $0x6  }
0x69: {  	v5 =	vld.idx.msk [tilespmem:v3+s3+$0x0], $0xffff  }
0x6a: {  	v55 =	vld.idx.msk [tilespmem:v4+s16+$0x0], $0xffff  }
0x6b: {  	v3 =	vld.idx.msk [tilespmem:v3+s17+$0x0], $0xffff  }
0x6c: {  	v56 =	vld.idx.msk [tilespmem:v4+s18+$0x0], $0xffff;
	_ =	sdelay $0x3  }
0x6d: {  	v5 =	vadd.f32 v55, v5  }
0x6e: {  	v3 =	vadd.f32 v56, v3  }
0x6f: {  	v6 =	vmul.f32 $2.000000030e-01, v5  }
0x70: {  	v7 =	vmul.f32 $2.000000030e-01, v3  }
0x71: {  	v5 =	vmax.f32 v5, v6  }
0x72: {  	v3 =	vmax.f32 v3, v7;
	v5 =	vsub.f32 v5, v1  }
0x73: {  	v3 =	vsub.f32 v3, v2  }
0x74: {  	v5 =	vmul.f32 $1.442695020e+00, v5  }
0x75: {  	v3 =	vmul.f32 $1.442695020e+00, v3  }
0x76: {  	(erf) = vpow2.f32 v5  }
0x77: {  	(erf) = vpow2.f32 v3;
	_ =	sdelay $0x7  }
0x78: {  	v3 =	vpop (erf)  }
0x79: {  	v57 =	vpop (erf);
	[tilespmem:$0x9FA0] =	vst v3  }
0x7a: {  	[tilespmem:$0xA020] =	vst v57  }
0x7b: {  	[tilespmem:v4+s23+$0x0] =	vst.idx.add.f32.msk $0xffff, v3  }
0x7c: {  	[tilespmem:v4+s24+$0x0] =	vst.idx.add.f32.msk $0xffff, v57  }
0x7d: {  	v3 =	vld [tilespmem:$0x9EB0]  }
0x7e: {  	v4 =	vld [tilespmem:$0x9F30];
	_ =	sdelay $0x6  }
0x7f: {  	v5 =	vld.idx.msk [tilespmem:v3+s3+$0x0], $0xffff  }
0x80: {  	v58 =	vld.idx.msk [tilespmem:v4+s16+$0x0], $0xffff  }
0x81: {  	v3 =	vld.idx.msk [tilespmem:v3+s17+$0x0], $0xffff  }
0x82: {  	v59 =	vld.idx.msk [tilespmem:v4+s18+$0x0], $0xffff;
	_ =	sdelay $0x3  }
0x83: {  	v5 =	vadd.f32 v58, v5  }
0x84: {  	v3 =	vadd.f32 v59, v3  }
0x85: {  	v6 =	vmul.f32 $2.000000030e-01, v5  }
0x86: {  	v7 =	vmul.f32 $2.000000030e-01, v3  }
0x87: {  	v5 =	vmax.f32 v5, v6  }
0x88: {  	v3 =	vmax.f32 v3, v7;
	v5 =	vsub.f32 v5, v1  }
0x89: {  	v3 =	vsub.f32 v3, v2  }
0x8a: {  	v5 =	vmul.f32 $1.442695020e+00, v5  }
0x8b: {  	v3 =	vmul.f32 $1.442695020e+00, v3  }
0x8c: {  	(erf) = vpow2.f32 v5  }
0x8d: {  	(erf) = vpow2.f32 v3;
	_ =	sdelay $0x7  }
0x8e: {  	v3 =	vpop (erf)  }
0x8f: {  	v60 =	vpop (erf);
	[tilespmem:$0x9FB0] =	vst v3  }
0x90: {  	[tilespmem:$0xA030] =	vst v60  }
0x91: {  	[tilespmem:v4+s23+$0x0] =	vst.idx.add.f32.msk $0xffff, v3  }
0x92: {  	[tilespmem:v4+s24+$0x0] =	vst.idx.add.f32.msk $0xffff, v60  }
0x93: {  	v3 =	vld [tilespmem:$0x9EC0]  }
0x94: {  	v4 =	vld [tilespmem:$0x9F40];
	_ =	sdelay $0x6  }
0x95: {  	v5 =	vld.idx.msk [tilespmem:v3+s3+$0x0], $0xffff  }
0x96: {  	v61 =	vld.idx.msk [tilespmem:v4+s16+$0x0], $0xffff  }
0x97: {  	v3 =	vld.idx.msk [tilespmem:v3+s17+$0x0], $0xffff  }
0x98: {  	v62 =	vld.idx.msk [tilespmem:v4+s18+$0x0], $0xffff;
	_ =	sdelay $0x3  }
0x99: {  	v5 =	vadd.f32 v61, v5  }
0x9a: {  	v3 =	vadd.f32 v62, v3  }
0x9b: {  	v6 =	vmul.f32 $2.000000030e-01, v5  }
0x9c: {  	v7 =	vmul.f32 $2.000000030e-01, v3  }
0x9d: {  	v5 =	vmax.f32 v5, v6  }
0x9e: {  	v3 =	vmax.f32 v3, v7;
	v5 =	vsub.f32 v5, v1  }
0x9f: {  	v3 =	vsub.f32 v3, v2  }
0xa0: {  	v5 =	vmul.f32 $1.442695020e+00, v5  }
0xa1: {  	v3 =	vmul.f32 $1.442695020e+00, v3  }
0xa2: {  	(erf) = vpow2.f32 v5  }
0xa3: {  	(erf) = vpow2.f32 v3;
	_ =	sdelay $0x7  }
0xa4: {  	v3 =	vpop (erf)  }
0xa5: {  	v63 =	vpop (erf);
	[tilespmem:$0x9FC0] =	vst v3  }
0xa6: {  	[tilespmem:$0xA040] =	vst v63  }
0xa7: {  	[tilespmem:v4+s23+$0x0] =	vst.idx.add.f32.msk $0xffff, v3  }
0xa8: {  	s31 =	sadd.s32 s29, s12;
	[tilespmem:v4+s24+$0x0] =	vst.idx.add.f32.msk $0xffff, v63  }
0xa9: {  	[hbm4b:s31+s3] =	stream.linear.scatter [tilespmem:s25], [sflag:$0x2], $0x50, $0x38;
	[tilespmem:$0xF080] =	vst v63  }
0xaa: {  	_ =	swait.ge [sflag:s15], $0x50  }
0xab: {  	p0 =	sne.s32 s29, $0x4D8;
	[sflag:s15] =	ssyncset.done $0x0  }
.Ltmp1:
0xac: {  	s31 =	sadd.s32 s29, s11;
	[sflag:s15] =	ssyncadd.s32 $0xFFFFFFB0;
	(pc) =	sbr.rel @p0 .LBB2_4-.Ltmp1, $4  }
0xad: {  	[hbm4b:s31+s3] =	stream.linear.scatter [tilespmem:s26], [sflag:$0x2], $0x50, $0x38;
	[tilespmem:$0xF080] =	vst v63  }
0xae: {  	_ =	swait.ge [sflag:s15], $0x50  }
0xaf: {  	[sflag:s15] =	ssyncset.done $0x0  }
0xb0: {  	s29 =	sadd.s32 $0xA, s29;
	[sflag:s15] =	ssyncadd.s32 $0xFFFFFFB0  }
0xb1: {  	[hbm4b:s7+s3] =	stream.linear.scatter [tilespmem:s23], [sflag:$0x2], $0x2800, $0x38;
	[tilespmem:$0xF080] =	vst v63  }
0xb2: {  	s28 =	sadd.s32 $0x1, s28;
	_ =	swait.ge [sflag:s15], $0x2800  }
0xb3: {  	p0 =	sne.s32 s28, s10;
	[sflag:s15] =	ssyncset.done $0x0  }
.Ltmp2:
0xb4: {  	[sflag:s15] =	ssyncadd.s32 $0xFFFFD800;
	(pc) =	sbr.rel @p0 .LBB2_1-.Ltmp2, $4  }
0xb5: {  	[hbm4b:s9+s3] =	stream.linear.scatter [tilespmem:s24], [sflag:$0x2], $0x2800, $0x38;
	[tilespmem:$0xF080] =	vst v63  }
0xb6: {  	_ =	swait.ge [sflag:s15], $0x2800  }
0xb7: {  	[sflag:s15] =	ssyncset.done $0x0  }
0xb8: {  	[sflag:s15] =	ssyncadd.s32 $0xFFFFD800  }
0xb9: {  	_ =	sfence.sel $0x180000  }
0xba: {  	[bflag:$0x0] =	sbarrier.arrive $0xFFFF  }
0xbb: {  	p0 =	sne.s32 s2, $0x0;
	_ =	strace $0x9000004A  }
0xbc: {  	s0 =	sadd.s32 @!p0 $0x100000, s1;
	[bflag:$0x2] =	sbarrier.arrive $0xFFFF  }
0xbd: {  	[sflag:s0] =	ssyncadd.tile.s32 @!p0 $0x1;
	_ =	shalt  }
.Lfunc_end2:
_tile_overlayer_lowered:
.L_overlay_start_2:
0xbe: {  	(tag) =	ssettag $0x2  }
0xbf: {  	s0 =	rddreg [dreg:$0x0];
	s2 =	stileid.u32  }
0xc0: {  	s1 =	rddreg [dreg:$0x1];
	p0 =	sne.s32 s2, $0x0  }
0xc1: {  	s3 =	rddreg [dreg:$0x2];
	[bflag:$0x3] =	sbarrier.arrive $0xFFFF;
	s2 =	simm.s32 @!p0 $0x1C02  }
0xc2: {  	[timem:s3], [sflag:s2] =	dma.local @!p0 [hbm:s0], s1  }
0xc3: {  	s0 =	simm.s32 @!p0 $0x2  }
0xc4: {  	_ =	swait.ge @!p0 [sflag:s0], s1  }
0xc5: {  	s1 =	ssub.s32 @!p0 $0x0, s1;
	[sflag:s0] =	ssyncset.done @!p0 $0x0  }
0xc6: {  	[sflag:s0] =	ssyncadd.s32 @!p0 s1  }
0xc7: {  	[bflag:$0x3] =	sbarrier.arrive $0xFFFF  }
0xc8: {  	_ =	shalt  }

</sc_bundles>
